<compile_context>
chip_gen: v7x
topology: tpu7x:2x2x1
jax: 0.10.2.dev20260603
libtpu: 0.0.44.dev20260713+nightly
codegen_flags: <defaults>
</compile_context>

<pallas_src>
import functools

import jax
import jax.numpy as jnp
from jax import lax
from jax.experimental import pallas as pl
from jax.experimental.pallas import tpu as pltpu
from jax.experimental.pallas import tpu_sc as plsc

B = 8
D = 1024
V = 100000
K = 10
VT = 2048
NBLK = 49
VP = NBLK * VT
NBM = VT // 128
NE = VP // 128


def _logits_kernel(h_ref, w_ref, o_ref, m_ref):
    j = pl.program_id(0)
    logits = lax.dot_general(
        h_ref[...], w_ref[...], (((1,), (1,)), ((), ())),
        preferred_element_type=jnp.float32,
    )
    col = j * VT + lax.broadcasted_iota(jnp.int32, (B, VT), 1)
    lg = jnp.where(col < V, logits, -jnp.inf)
    o_ref[...] = lg
    bm = jnp.concatenate(
        [jnp.max(lg[:, c * 128:(c + 1) * 128], axis=1, keepdims=True)
         for c in range(NBM)], axis=1)
    m_ref[...] = bm.reshape(1, B, NBM)


def _merge16(tv, ti, v, iv):
    vs, ivs = plsc.sort_key_val(v, iv, descending=True)
    m = tv >= vs
    nv = jnp.where(m, tv, vs)
    ni = jnp.where(m, ti, ivs)
    out = plsc.sort_key_val(nv, ni)
    return out[0], out[1]


def _sc_topk_blend(lg_hbm, m_hbm, emb_hbm, out_hbm,
                   m_v, cand_v, rows_v, acc_v, sem):
    wid = lax.axis_index("s") * 2 + lax.axis_index("c")

    @pl.when(wid < B)
    def _():
        b = wid
        pltpu.sync_copy(m_hbm, m_v)
        iota = lax.broadcasted_iota(jnp.int32, (16,), 0)

        tv = jnp.full((16,), -jnp.inf, jnp.float32)
        ti = jnp.zeros((16,), jnp.int32)
        for j in range(NBLK):
            tv, ti = _merge16(tv, ti, m_v[j, b], j * NBM + iota)

        pltpu.async_copy(lg_hbm.at[b * NE + ti], cand_v, sem).wait()

        gv = jnp.full((16,), -jnp.inf, jnp.float32)
        gi = jnp.zeros((16,), jnp.int32)
        for l in range(16):
            base = ti[l] * 128

            def cbody(c, args, l=l, base=base):
                v = cand_v[l, pl.ds(c * 16, 16)]
                return _merge16(args[0], args[1], v, base + c * 16 + iota)

            gv, gi = lax.fori_loop(0, 128 // 16, cbody, (gv, gi))

        ev = jnp.exp(gv - jnp.full((16,), gv[15]))
        s = ev[16 - K]
        for j in range(16 - K + 1, 16):
            s = s + ev[j]
        wvec = ev / jnp.full((16,), s)
        wts = [wvec[j] for j in range(16 - K, 16)]

        pltpu.async_copy(emb_hbm.at[gi], rows_v, sem).wait()

        def fbody(c, carry):
            acc = jnp.zeros((16,), jnp.float32)
            for j in range(16 - K, 16):
                acc = acc + wts[j - (16 - K)] * rows_v[j, pl.ds(c * 16, 16)]
            acc_v[pl.ds(c * 16, 16)] = acc
            return carry

        lax.fori_loop(0, D // 16, fbody, 0)
        pltpu.sync_copy(acc_v, out_hbm.at[b])


def kernel(hidden_last, lm_head_w, emb_w):
    logits, bmax = pl.pallas_call(
        _logits_kernel,
        grid=(NBLK,),
        in_specs=[
            pl.BlockSpec((B, D), lambda j: (0, 0)),
            pl.BlockSpec((VT, D), lambda j: (j, 0)),
        ],
        out_specs=[
            pl.BlockSpec((B, VT), lambda j: (0, j)),
            pl.BlockSpec((1, B, NBM), lambda j: (j, 0, 0)),
        ],
        out_shape=[
            jax.ShapeDtypeStruct((B, VP), jnp.float32),
            jax.ShapeDtypeStruct((NBLK, B, NBM), jnp.float32),
        ],
    )(hidden_last, lm_head_w)

    logits2 = logits.reshape(B * NE, 128)

    mesh = plsc.VectorSubcoreMesh(core_axis_name="c", subcore_axis_name="s")
    blend = functools.partial(
        pl.kernel,
        mesh=mesh,
        compiler_params=pltpu.CompilerParams(needs_layout_passes=False),
        out_type=jax.ShapeDtypeStruct((B, D), jnp.float32),
        scratch_types=[
            pltpu.VMEM((NBLK, B, NBM), jnp.float32),
            pltpu.VMEM((16, 128), jnp.float32),
            pltpu.VMEM((16, D), jnp.float32),
            pltpu.VMEM((D,), jnp.float32),
            pltpu.SemaphoreType.DMA,
        ],
    )(_sc_topk_blend)
    return blend(logits2, bmax, emb_w)

# --- scband reference (transcript-rebuilt; emitter-appended) ---
"""Pipeline reference for scband-softmax-top-knew-53979148976785 (READ-ONLY COPY).

The authoritative reference and input builder live on the scoring server;
editing this copy changes nothing except your own understanding.
"""

import jax, jax.numpy as jnp
import numpy as np

BLEND_TOP_K = 10


def setup_inputs(seed: int = 0) -> dict:
    key = jax.random.key(seed)
    k1, k2, k3 = jax.random.split(key, 3)
    B, D, V = 8, 1024, 100000
    hidden_last = jax.random.normal(k1, (B, D), dtype=jnp.float32)
    lm_head_w = jax.random.normal(k2, (V, D), dtype=jnp.float32) * 0.02
    emb_w = jax.random.normal(k3, (V, D), dtype=jnp.float32) * 0.02
    return {"hidden_last": hidden_last, "lm_head_w": lm_head_w, "emb_w": emb_w}


def reference(hidden_last, lm_head_w, emb_w):
    # _latent_next_embed: (batch, hidden) -> (batch, hidden)
    # logits = F.linear(hidden_last, w)
    logits = hidden_last @ lm_head_w.T
    probs = jax.nn.softmax(logits, axis=-1)
    k = min(BLEND_TOP_K, probs.shape[-1])
    top_p, top_idx = jax.lax.top_k(probs, k)
    top_p = top_p / (jnp.sum(top_p, axis=-1, keepdims=True) + 1e-12)
    picked = emb_w[top_idx]  # gather: (B, k, D)
    return jnp.sum(top_p[..., None] * picked, axis=1)

if __name__ == "__main__":
    import jax
    _d = setup_inputs()
    print(jax.jit(kernel)(*tuple(_d.values())))

</pallas_src>

<mosaic_0001>
#map = affine_map<(d0, d1) -> (0, 0)>
#map1 = affine_map<(d0, d1) -> (0, 0, 0)>
module attributes {stable_mosaic.version = 14 : i64} {
  func.func @_sc_topk_blend(%arg0: i32, %arg1: i32, %arg2: memref<6272x128xf32, #tpu.memory_space<hbm>>, %arg3: memref<49x8x16xf32, #tpu.memory_space<hbm>>, %arg4: memref<100000x1024xf32, #tpu.memory_space<hbm>>, %arg5: memref<8x1024xf32, #tpu.memory_space<hbm>>, %arg6: memref<49x8x16xf32, #tpu.memory_space<vmem>>, %arg7: memref<16x128xf32, #tpu.memory_space<vmem>>, %arg8: memref<16x1024xf32, #tpu.memory_space<vmem>>, %arg9: memref<1024xf32, #tpu.memory_space<vmem>>, %arg10: memref<!tpu.dma_semaphore, #tpu.memory_space<semaphore_mem>>) attributes {dimension_semantics = [#tpu.dimension_semantics<core_parallel>, #tpu.dimension_semantics<subcore_parallel>], iteration_bounds = array<i64: 2, 16>, scalar_prefetch = 0 : i64, scratch_operands = 5 : i64, tpu.core_type = #tpu.core_type<sc_vector_subcore>, window_params = [{transform_indices = #map}, {transform_indices = #map1}, {transform_indices = #map}, {transform_indices = #map}]} {
    %mul3A = arith.constant 2 : i32
    %mul3A_0 = arith.muli %arg1, %mul3A : i32
    %add3A = arith.addi %mul3A_0, %arg0 : i32
    %lt3A = arith.constant 8 : i32
    %lt3A_1 = arith.cmpi slt, %add3A, %lt3A : i32
    %convert_element_type3A = arith.extui %lt3A_1 : i1 to i32
    %cond3A = arith.constant 0 : i32
    %cond3A_2 = arith.cmpi ne, %convert_element_type3A, %cond3A : i32
    scf.if %cond3A_2 {
      "tpu.region"() ({
        %run_scoped3A = tpu.sem_alloc : memref<!tpu.dma_semaphore, #tpu.memory_space<semaphore_mem>>
        tpu.enqueue_dma source(%arg3 : memref<49x8x16xf32, #tpu.memory_space<hbm>>) target(%arg6 : memref<49x8x16xf32, #tpu.memory_space<vmem>>) target_semaphore(%run_scoped3A : memref<!tpu.dma_semaphore, #tpu.memory_space<semaphore_mem>>)
        tpu.wait_dma2 semaphore(%run_scoped3A : memref<!tpu.dma_semaphore, #tpu.memory_space<semaphore_mem>>) src(%arg3 : memref<49x8x16xf32, #tpu.memory_space<hbm>>) dst(%arg6 : memref<49x8x16xf32, #tpu.memory_space<vmem>>)
        tpu.yield
      }) : () -> ()
      %iota3A = tpu.iota {dimensions = array<i32: 0>} : vector<16xi32>
      %broadcast_in_dim3A = arith.constant 0xFF800000 : f32
      %broadcast_in_dim3A_3 = vector.broadcast %broadcast_in_dim3A : f32 to vector<16xf32>
      %broadcast_in_dim3A_4 = arith.constant 0 : i32
      %broadcast_in_dim3A_5 = vector.broadcast %broadcast_in_dim3A_4 : i32 to vector<16xi32>
      %get3A = arith.constant 0 : i32
      %get3A_6 = arith.index_cast %get3A : i32 to index
      %get3A_7 = arith.index_cast %add3A : i32 to index
      %get3A_8 = arith.constant 0 : index
      %get3A_9 = tpu.vector_load %arg6[%get3A_6, %get3A_7, %get3A_8] {strides = array<i32>} : memref<49x8x16xf32, #tpu.memory_space<vmem>>, vector<16xf32>,
      %add3A_10 = arith.constant 0 : i32
      %add3A_11 = vector.broadcast %add3A_10 : i32 to vector<16xi32>
      %add3A_12 = arith.addi %add3A_11, %iota3A : vector<16xi32>
      %masked_sort3A = arith.constant dense<true> : vector<16xi1>
      %masked_sort3A_13, %masked_sort3A_14, %masked_sort3A_15 = tpu.sort %get3A_9, %add3A_12 masked %masked_sort3A {descending = true} : (vector<16xf32>, vector<16xi32>, vector<16xi1>) -> (vector<16xi1>, vector<16xf32>, vector<16xi32>)
      %ge3A = arith.cmpf oge, %broadcast_in_dim3A_3, %masked_sort3A_14 : vector<16xf32>
      %select_n3A = arith.select %ge3A, %broadcast_in_dim3A_3, %masked_sort3A_14 : vector<16xi1>, vector<16xf32>
      %select_n3A_16 = arith.select %ge3A, %broadcast_in_dim3A_5, %masked_sort3A_15 : vector<16xi1>, vector<16xi32>
      %masked_sort3A_17 = arith.constant dense<true> : vector<16xi1>
      %masked_sort3A_18, %masked_sort3A_19, %masked_sort3A_20 = tpu.sort %select_n3A, %select_n3A_16 masked %masked_sort3A_17 : (vector<16xf32>, vector<16xi32>, vector<16xi1>) -> (vector<16xi1>, vector<16xf32>, vector<16xi32>)
      %get3A_21 = arith.constant 1 : i32
      %get3A_22 = arith.index_cast %get3A_21 : i32 to index
      %get3A_23 = arith.index_cast %add3A : i32 to index
      %get3A_24 = arith.constant 0 : index
      %get3A_25 = tpu.vector_load %arg6[%get3A_22, %get3A_23, %get3A_24] {strides = array<i32>} : memref<49x8x16xf32, #tpu.memory_space<vmem>>, vector<16xf32>,
      %add3A_26 = arith.constant 16 : i32
      %add3A_27 = vector.broadcast %add3A_26 : i32 to vector<16xi32>
      %add3A_28 = arith.addi %add3A_27, %iota3A : vector<16xi32>
      %masked_sort3A_29 = arith.constant dense<true> : vector<16xi1>
      %masked_sort3A_30, %masked_sort3A_31, %masked_sort3A_32 = tpu.sort %get3A_25, %add3A_28 masked %masked_sort3A_29 {descending = true} : (vector<16xf32>, vector<16xi32>, vector<16xi1>) -> (vector<16xi1>, vector<16xf32>, vector<16xi32>)
      %ge3A_33 = arith.cmpf oge, %masked_sort3A_19, %masked_sort3A_31 : vector<16xf32>
      %select_n3A_34 = arith.select %ge3A_33, %masked_sort3A_19, %masked_sort3A_31 : vector<16xi1>, vector<16xf32>
      %select_n3A_35 = arith.select %ge3A_33, %masked_sort3A_20, %masked_sort3A_32 : vector<16xi1>, vector<16xi32>
      %masked_sort3A_36 = arith.constant dense<true> : vector<16xi1>
      %masked_sort3A_37, %masked_sort3A_38, %masked_sort3A_39 = tpu.sort %select_n3A_34, %select_n3A_35 masked %masked_sort3A_36 : (vector<16xf32>, vector<16xi32>, vector<16xi1>) -> (vector<16xi1>, vector<16xf32>, vector<16xi32>)
      %get3A_40 = arith.constant 2 : i32
      %get3A_41 = arith.index_cast %get3A_40 : i32 to index
      %get3A_42 = arith.index_cast %add3A : i32 to index
      %get3A_43 = arith.constant 0 : index
      %get3A_44 = tpu.vector_load %arg6[%get3A_41, %get3A_42, %get3A_43] {strides = array<i32>} : memref<49x8x16xf32, #tpu.memory_space<vmem>>, vector<16xf32>,
      %add3A_45 = arith.constant 32 : i32
      %add3A_46 = vector.broadcast %add3A_45 : i32 to vector<16xi32>
      %add3A_47 = arith.addi %add3A_46, %iota3A : vector<16xi32>
      %masked_sort3A_48 = arith.constant dense<true> : vector<16xi1>
      %masked_sort3A_49, %masked_sort3A_50, %masked_sort3A_51 = tpu.sort %get3A_44, %add3A_47 masked %masked_sort3A_48 {descending = true} : (vector<16xf32>, vector<16xi32>, vector<16xi1>) -> (vector<16xi1>, vector<16xf32>, vector<16xi32>)
      %ge3A_52 = arith.cmpf oge, %masked_sort3A_38, %masked_sort3A_50 : vector<16xf32>
      %select_n3A_53 = arith.select %ge3A_52, %masked_sort3A_38, %masked_sort3A_50 : vector<16xi1>, vector<16xf32>
      %select_n3A_54 = arith.select %ge3A_52, %masked_sort3A_39, %masked_sort3A_51 : vector<16xi1>, vector<16xi32>
      %masked_sort3A_55 = arith.constant dense<true> : vector<16xi1>
      %masked_sort3A_56, %masked_sort3A_57, %masked_sort3A_58 = tpu.sort %select_n3A_53, %select_n3A_54 masked %masked_sort3A_55 : (vector<16xf32>, vector<16xi32>, vector<16xi1>) -> (vector<16xi1>, vector<16xf32>, vector<16xi32>)
      %get3A_59 = arith.constant 3 : i32
      %get3A_60 = arith.index_cast %get3A_59 : i32 to index
      %get3A_61 = arith.index_cast %add3A : i32 to index
      %get3A_62 = arith.constant 0 : index
      %get3A_63 = tpu.vector_load %arg6[%get3A_60, %get3A_61, %get3A_62] {strides = array<i32>} : memref<49x8x16xf32, #tpu.memory_space<vmem>>, vector<16xf32>,
      %add3A_64 = arith.constant 48 : i32
      %add3A_65 = vector.broadcast %add3A_64 : i32 to vector<16xi32>
      %add3A_66 = arith.addi %add3A_65, %iota3A : vector<16xi32>
      %masked_sort3A_67 = arith.constant dense<true> : vector<16xi1>
      %masked_sort3A_68, %masked_sort3A_69, %masked_sort3A_70 = tpu.sort %get3A_63, %add3A_66 masked %masked_sort3A_67 {descending = true} : (vector<16xf32>, vector<16xi32>, vector<16xi1>) -> (vector<16xi1>, vector<16xf32>, vector<16xi32>)
      %ge3A_71 = arith.cmpf oge, %masked_sort3A_57, %masked_sort3A_69 : vector<16xf32>
      %select_n3A_72 = arith.select %ge3A_71, %masked_sort3A_57, %masked_sort3A_69 : vector<16xi1>, vector<16xf32>
      %select_n3A_73 = arith.select %ge3A_71, %masked_sort3A_58, %masked_sort3A_70 : vector<16xi1>, vector<16xi32>
      %masked_sort3A_74 = arith.constant dense<true> : vector<16xi1>
      %masked_sort3A_75, %masked_sort3A_76, %masked_sort3A_77 = tpu.sort %select_n3A_72, %select_n3A_73 masked %masked_sort3A_74 : (vector<16xf32>, vector<16xi32>, vector<16xi1>) -> (vector<16xi1>, vector<16xf32>, vector<16xi32>)
      %get3A_78 = arith.constant 4 : i32
      %get3A_79 = arith.index_cast %get3A_78 : i32 to index
      %get3A_80 = arith.index_cast %add3A : i32 to index
      %get3A_81 = arith.constant 0 : index
      %get3A_82 = tpu.vector_load %arg6[%get3A_79, %get3A_80, %get3A_81] {strides = array<i32>} : memref<49x8x16xf32, #tpu.memory_space<vmem>>, vector<16xf32>,
      %add3A_83 = arith.constant 64 : i32
      %add3A_84 = vector.broadcast %add3A_83 : i32 to vector<16xi32>
      %add3A_85 = arith.addi %add3A_84, %iota3A : vector<16xi32>
      %masked_sort3A_86 = arith.constant dense<true> : vector<16xi1>
      %masked_sort3A_87, %masked_sort3A_88, %masked_sort3A_89 = tpu.sort %get3A_82, %add3A_85 masked %masked_sort3A_86 {descending = true} : (vector<16xf32>, vector<16xi32>, vector<16xi1>) -> (vector<16xi1>, vector<16xf32>, vector<16xi32>)
      %ge3A_90 = arith.cmpf oge, %masked_sort3A_76, %masked_sort3A_88 : vector<16xf32>
      %select_n3A_91 = arith.select %ge3A_90, %masked_sort3A_76, %masked_sort3A_88 : vector<16xi1>, vector<16xf32>
      %select_n3A_92 = arith.select %ge3A_90, %masked_sort3A_77, %masked_sort3A_89 : vector<16xi1>, vector<16xi32>
      %masked_sort3A_93 = arith.constant dense<true> : vector<16xi1>
      %masked_sort3A_94, %masked_sort3A_95, %masked_sort3A_96 = tpu.sort %select_n3A_91, %select_n3A_92 masked %masked_sort3A_93 : (vector<16xf32>, vector<16xi32>, vector<16xi1>) -> (vector<16xi1>, vector<16xf32>, vector<16xi32>)
      %get3A_97 = arith.constant 5 : i32
      %get3A_98 = arith.index_cast %get3A_97 : i32 to index
      %get3A_99 = arith.index_cast %add3A : i32 to index
      %get3A_100 = arith.constant 0 : index
      %get3A_101 = tpu.vector_load %arg6[%get3A_98, %get3A_99, %get3A_100] {strides = array<i32>} : memref<49x8x16xf32, #tpu.memory_space<vmem>>, vector<16xf32>,
      %add3A_102 = arith.constant 80 : i32
      %add3A_103 = vector.broadcast %add3A_102 : i32 to vector<16xi32>
      %add3A_104 = arith.addi %add3A_103, %iota3A : vector<16xi32>
      %masked_sort3A_105 = arith.constant dense<true> : vector<16xi1>
      %masked_sort3A_106, %masked_sort3A_107, %masked_sort3A_108 = tpu.sort %get3A_101, %add3A_104 masked %masked_sort3A_105 {descending = true} : (vector<16xf32>, vector<16xi32>, vector<16xi1>) -> (vector<16xi1>, vector<16xf32>, vector<16xi32>)
      %ge3A_109 = arith.cmpf oge, %masked_sort3A_95, %masked_sort3A_107 : vector<16xf32>
      %select_n3A_110 = arith.select %ge3A_109, %masked_sort3A_95, %masked_sort3A_107 : vector<16xi1>, vector<16xf32>
      %select_n3A_111 = arith.select %ge3A_109, %masked_sort3A_96, %masked_sort3A_108 : vector<16xi1>, vector<16xi32>
      %masked_sort3A_112 = arith.constant dense<true> : vector<16xi1>
      %masked_sort3A_113, %masked_sort3A_114, %masked_sort3A_115 = tpu.sort %select_n3A_110, %select_n3A_111 masked %masked_sort3A_112 : (vector<16xf32>, vector<16xi32>, vector<16xi1>) -> (vector<16xi1>, vector<16xf32>, vector<16xi32>)
      %get3A_116 = arith.constant 6 : i32
      %get3A_117 = arith.index_cast %get3A_116 : i32 to index
      %get3A_118 = arith.index_cast %add3A : i32 to index
      %get3A_119 = arith.constant 0 : index
      %get3A_120 = tpu.vector_load %arg6[%get3A_117, %get3A_118, %get3A_119] {strides = array<i32>} : memref<49x8x16xf32, #tpu.memory_space<vmem>>, vector<16xf32>,
      %add3A_121 = arith.constant 96 : i32
      %add3A_122 = vector.broadcast %add3A_121 : i32 to vector<16xi32>
      %add3A_123 = arith.addi %add3A_122, %iota3A : vector<16xi32>
      %masked_sort3A_124 = arith.constant dense<true> : vector<16xi1>
      %masked_sort3A_125, %masked_sort3A_126, %masked_sort3A_127 = tpu.sort %get3A_120, %add3A_123 masked %masked_sort3A_124 {descending = true} : (vector<16xf32>, vector<16xi32>, vector<16xi1>) -> (vector<16xi1>, vector<16xf32>, vector<16xi32>)
      %ge3A_128 = arith.cmpf oge, %masked_sort3A_114, %masked_sort3A_126 : vector<16xf32>
      %select_n3A_129 = arith.select %ge3A_128, %masked_sort3A_114, %masked_sort3A_126 : vector<16xi1>, vector<16xf32>
      %select_n3A_130 = arith.select %ge3A_128, %masked_sort3A_115, %masked_sort3A_127 : vector<16xi1>, vector<16xi32>
      %masked_sort3A_131 = arith.constant dense<true> : vector<16xi1>
      %masked_sort3A_132, %masked_sort3A_133, %masked_sort3A_134 = tpu.sort %select_n3A_129, %select_n3A_130 masked %masked_sort3A_131 : (vector<16xf32>, vector<16xi32>, vector<16xi1>) -> (vector<16xi1>, vector<16xf32>, vector<16xi32>)
      %get3A_135 = arith.constant 7 : i32
      %get3A_136 = arith.index_cast %get3A_135 : i32 to index
      %get3A_137 = arith.index_cast %add3A : i32 to index
      %get3A_138 = arith.constant 0 : index
      %get3A_139 = tpu.vector_load %arg6[%get3A_136, %get3A_137, %get3A_138] {strides = array<i32>} : memref<49x8x16xf32, #tpu.memory_space<vmem>>, vector<16xf32>,
      %add3A_140 = arith.constant 112 : i32
      %add3A_141 = vector.broadcast %add3A_140 : i32 to vector<16xi32>
      %add3A_142 = arith.addi %add3A_141, %iota3A : vector<16xi32>
      %masked_sort3A_143 = arith.constant dense<true> : vector<16xi1>
      %masked_sort3A_144, %masked_sort3A_145, %masked_sort3A_146 = tpu.sort %get3A_139, %add3A_142 masked %masked_sort3A_143 {descending = true} : (vector<16xf32>, vector<16xi32>, vector<16xi1>) -> (vector<16xi1>, vector<16xf32>, vector<16xi32>)
      %ge3A_147 = arith.cmpf oge, %masked_sort3A_133, %masked_sort3A_145 : vector<16xf32>
      %select_n3A_148 = arith.select %ge3A_147, %masked_sort3A_133, %masked_sort3A_145 : vector<16xi1>, vector<16xf32>
      %select_n3A_149 = arith.select %ge3A_147, %masked_sort3A_134, %masked_sort3A_146 : vector<16xi1>, vector<16xi32>
      %masked_sort3A_150 = arith.constant dense<true> : vector<16xi1>
      %masked_sort3A_151, %masked_sort3A_152, %masked_sort3A_153 = tpu.sort %select_n3A_148, %select_n3A_149 masked %masked_sort3A_150 : (vector<16xf32>, vector<16xi32>, vector<16xi1>) -> (vector<16xi1>, vector<16xf32>, vector<16xi32>)
      %get3A_154 = arith.constant 8 : i32
      %get3A_155 = arith.index_cast %get3A_154 : i32 to index
      %get3A_156 = arith.index_cast %add3A : i32 to index
      %get3A_157 = arith.constant 0 : index
      %get3A_158 = tpu.vector_load %arg6[%get3A_155, %get3A_156, %get3A_157] {strides = array<i32>} : memref<49x8x16xf32, #tpu.memory_space<vmem>>, vector<16xf32>,
      %add3A_159 = arith.constant 128 : i32
      %add3A_160 = vector.broadcast %add3A_159 : i32 to vector<16xi32>
      %add3A_161 = arith.addi %add3A_160, %iota3A : vector<16xi32>
      %masked_sort3A_162 = arith.constant dense<true> : vector<16xi1>
      %masked_sort3A_163, %masked_sort3A_164, %masked_sort3A_165 = tpu.sort %get3A_158, %add3A_161 masked %masked_sort3A_162 {descending = true} : (vector<16xf32>, vector<16xi32>, vector<16xi1>) -> (vector<16xi1>, vector<16xf32>, vector<16xi32>)
      %ge3A_166 = arith.cmpf oge, %masked_sort3A_152, %masked_sort3A_164 : vector<16xf32>
      %select_n3A_167 = arith.select %ge3A_166, %masked_sort3A_152, %masked_sort3A_164 : vector<16xi1>, vector<16xf32>
      %select_n3A_168 = arith.select %ge3A_166, %masked_sort3A_153, %masked_sort3A_165 : vector<16xi1>, vector<16xi32>
      %masked_sort3A_169 = arith.constant dense<true> : vector<16xi1>
      %masked_sort3A_170, %masked_sort3A_171, %masked_sort3A_172 = tpu.sort %select_n3A_167, %select_n3A_168 masked %masked_sort3A_169 : (vector<16xf32>, vector<16xi32>, vector<16xi1>) -> (vector<16xi1>, vector<16xf32>, vector<16xi32>)
      %get3A_173 = arith.constant 9 : i32
      %get3A_174 = arith.index_cast %get3A_173 : i32 to index
      %get3A_175 = arith.index_cast %add3A : i32 to index
      %get3A_176 = arith.constant 0 : index
      %get3A_177 = tpu.vector_load %arg6[%get3A_174, %get3A_175, %get3A_176] {strides = array<i32>} : memref<49x8x16xf32, #tpu.memory_space<vmem>>, vector<16xf32>,
      %add3A_178 = arith.constant 144 : i32
      %add3A_179 = vector.broadcast %add3A_178 : i32 to vector<16xi32>
      %add3A_180 = arith.addi %add3A_179, %iota3A : vector<16xi32>
      %masked_sort3A_181 = arith.constant dense<true> : vector<16xi1>
      %masked_sort3A_182, %masked_sort3A_183, %masked_sort3A_184 = tpu.sort %get3A_177, %add3A_180 masked %masked_sort3A_181 {descending = true} : (vector<16xf32>, vector<16xi32>, vector<16xi1>) -> (vector<16xi1>, vector<16xf32>, vector<16xi32>)
      %ge3A_185 = arith.cmpf oge, %masked_sort3A_171, %masked_sort3A_183 : vector<16xf32>
      %select_n3A_186 = arith.select %ge3A_185, %masked_sort3A_171, %masked_sort3A_183 : vector<16xi1>, vector<16xf32>
      %select_n3A_187 = arith.select %ge3A_185, %masked_sort3A_172, %masked_sort3A_184 : vector<16xi1>, vector<16xi32>
      %masked_sort3A_188 = arith.constant dense<true> : vector<16xi1>
      %masked_sort3A_189, %masked_sort3A_190, %masked_sort3A_191 = tpu.sort %select_n3A_186, %select_n3A_187 masked %masked_sort3A_188 : (vector<16xf32>, vector<16xi32>, vector<16xi1>) -> (vector<16xi1>, vector<16xf32>, vector<16xi32>)
      %get3A_192 = arith.constant 10 : i32
      %get3A_193 = arith.index_cast %get3A_192 : i32 to index
      %get3A_194 = arith.index_cast %add3A : i32 to index
      %get3A_195 = arith.constant 0 : index
      %get3A_196 = tpu.vector_load %arg6[%get3A_193, %get3A_194, %get3A_195] {strides = array<i32>} : memref<49x8x16xf32, #tpu.memory_space<vmem>>, vector<16xf32>,
      %add3A_197 = arith.constant 160 : i32
      %add3A_198 = vector.broadcast %add3A_197 : i32 to vector<16xi32>
      %add3A_199 = arith.addi %add3A_198, %iota3A : vector<16xi32>
      %masked_sort3A_200 = arith.constant dense<true> : vector<16xi1>
      %masked_sort3A_201, %masked_sort3A_202, %masked_sort3A_203 = tpu.sort %get3A_196, %add3A_199 masked %masked_sort3A_200 {descending = true} : (vector<16xf32>, vector<16xi32>, vector<16xi1>) -> (vector<16xi1>, vector<16xf32>, vector<16xi32>)
      %ge3A_204 = arith.cmpf oge, %masked_sort3A_190, %masked_sort3A_202 : vector<16xf32>
      %select_n3A_205 = arith.select %ge3A_204, %masked_sort3A_190, %masked_sort3A_202 : vector<16xi1>, vector<16xf32>
      %select_n3A_206 = arith.select %ge3A_204, %masked_sort3A_191, %masked_sort3A_203 : vector<16xi1>, vector<16xi32>
      %masked_sort3A_207 = arith.constant dense<true> : vector<16xi1>
      %masked_sort3A_208, %masked_sort3A_209, %masked_sort3A_210 = tpu.sort %select_n3A_205, %select_n3A_206 masked %masked_sort3A_207 : (vector<16xf32>, vector<16xi32>, vector<16xi1>) -> (vector<16xi1>, vector<16xf32>, vector<16xi32>)
      %get3A_211 = arith.constant 11 : i32
      %get3A_212 = arith.index_cast %get3A_211 : i32 to index
      %get3A_213 = arith.index_cast %add3A : i32 to index
      %get3A_214 = arith.constant 0 : index
      %get3A_215 = tpu.vector_load %arg6[%get3A_212, %get3A_213, %get3A_214] {strides = array<i32>} : memref<49x8x16xf32, #tpu.memory_space<vmem>>, vector<16xf32>,
      %add3A_216 = arith.constant 176 : i32
      %add3A_217 = vector.broadcast %add3A_216 : i32 to vector<16xi32>
      %add3A_218 = arith.addi %add3A_217, %iota3A : vector<16xi32>
      %masked_sort3A_219 = arith.constant dense<true> : vector<16xi1>
      %masked_sort3A_220, %masked_sort3A_221, %masked_sort3A_222 = tpu.sort %get3A_215, %add3A_218 masked %masked_sort3A_219 {descending = true} : (vector<16xf32>, vector<16xi32>, vector<16xi1>) -> (vector<16xi1>, vector<16xf32>, vector<16xi32>)
      %ge3A_223 = arith.cmpf oge, %masked_sort3A_209, %masked_sort3A_221 : vector<16xf32>
      %select_n3A_224 = arith.select %ge3A_223, %masked_sort3A_209, %masked_sort3A_221 : vector<16xi1>, vector<16xf32>
      %select_n3A_225 = arith.select %ge3A_223, %masked_sort3A_210, %masked_sort3A_222 : vector<16xi1>, vector<16xi32>
      %masked_sort3A_226 = arith.constant dense<true> : vector<16xi1>
      %masked_sort3A_227, %masked_sort3A_228, %masked_sort3A_229 = tpu.sort %select_n3A_224, %select_n3A_225 masked %masked_sort3A_226 : (vector<16xf32>, vector<16xi32>, vector<16xi1>) -> (vector<16xi1>, vector<16xf32>, vector<16xi32>)
      %get3A_230 = arith.constant 12 : i32
      %get3A_231 = arith.index_cast %get3A_230 : i32 to index
      %get3A_232 = arith.index_cast %add3A : i32 to index
      %get3A_233 = arith.constant 0 : index
      %get3A_234 = tpu.vector_load %arg6[%get3A_231, %get3A_232, %get3A_233] {strides = array<i32>} : memref<49x8x16xf32, #tpu.memory_space<vmem>>, vector<16xf32>,
      %add3A_235 = arith.constant 192 : i32
      %add3A_236 = vector.broadcast %add3A_235 : i32 to vector<16xi32>
      %add3A_237 = arith.addi %add3A_236, %iota3A : vector<16xi32>
      %masked_sort3A_238 = arith.constant dense<true> : vector<16xi1>
      %masked_sort3A_239, %masked_sort3A_240, %masked_sort3A_241 = tpu.sort %get3A_234, %add3A_237 masked %masked_sort3A_238 {descending = true} : (vector<16xf32>, vector<16xi32>, vector<16xi1>) -> (vector<16xi1>, vector<16xf32>, vector<16xi32>)
      %ge3A_242 = arith.cmpf oge, %masked_sort3A_228, %masked_sort3A_240 : vector<16xf32>
      %select_n3A_243 = arith.select %ge3A_242, %masked_sort3A_228, %masked_sort3A_240 : vector<16xi1>, vector<16xf32>
      %select_n3A_244 = arith.select %ge3A_242, %masked_sort3A_229, %masked_sort3A_241 : vector<16xi1>, vector<16xi32>
      %masked_sort3A_245 = arith.constant dense<true> : vector<16xi1>
      %masked_sort3A_246, %masked_sort3A_247, %masked_sort3A_248 = tpu.sort %select_n3A_243, %select_n3A_244 masked %masked_sort3A_245 : (vector<16xf32>, vector<16xi32>, vector<16xi1>) -> (vector<16xi1>, vector<16xf32>, vector<16xi32>)
      %get3A_249 = arith.constant 13 : i32
      %get3A_250 = arith.index_cast %get3A_249 : i32 to index
      %get3A_251 = arith.index_cast %add3A : i32 to index
      %get3A_252 = arith.constant 0 : index
      %get3A_253 = tpu.vector_load %arg6[%get3A_250, %get3A_251, %get3A_252] {strides = array<i32>} : memref<49x8x16xf32, #tpu.memory_space<vmem>>, vector<16xf32>,
      %add3A_254 = arith.constant 208 : i32
      %add3A_255 = vector.broadcast %add3A_254 : i32 to vector<16xi32>
      %add3A_256 = arith.addi %add3A_255, %iota3A : vector<16xi32>
      %masked_sort3A_257 = arith.constant dense<true> : vector<16xi1>
      %masked_sort3A_258, %masked_sort3A_259, %masked_sort3A_260 = tpu.sort %get3A_253, %add3A_256 masked %masked_sort3A_257 {descending = true} : (vector<16xf32>, vector<16xi32>, vector<16xi1>) -> (vector<16xi1>, vector<16xf32>, vector<16xi32>)
      %ge3A_261 = arith.cmpf oge, %masked_sort3A_247, %masked_sort3A_259 : vector<16xf32>
      %select_n3A_262 = arith.select %ge3A_261, %masked_sort3A_247, %masked_sort3A_259 : vector<16xi1>, vector<16xf32>
      %select_n3A_263 = arith.select %ge3A_261, %masked_sort3A_248, %masked_sort3A_260 : vector<16xi1>, vector<16xi32>
      %masked_sort3A_264 = arith.constant dense<true> : vector<16xi1>
      %masked_sort3A_265, %masked_sort3A_266, %masked_sort3A_267 = tpu.sort %select_n3A_262, %select_n3A_263 masked %masked_sort3A_264 : (vector<16xf32>, vector<16xi32>, vector<16xi1>) -> (vector<16xi1>, vector<16xf32>, vector<16xi32>)
      %get3A_268 = arith.constant 14 : i32
      %get3A_269 = arith.index_cast %get3A_268 : i32 to index
      %get3A_270 = arith.index_cast %add3A : i32 to index
      %get3A_271 = arith.constant 0 : index
      %get3A_272 = tpu.vector_load %arg6[%get3A_269, %get3A_270, %get3A_271] {strides = array<i32>} : memref<49x8x16xf32, #tpu.memory_space<vmem>>, vector<16xf32>,
      %add3A_273 = arith.constant 224 : i32
      %add3A_274 = vector.broadcast %add3A_273 : i32 to vector<16xi32>
      %add3A_275 = arith.addi %add3A_274, %iota3A : vector<16xi32>
      %masked_sort3A_276 = arith.constant dense<true> : vector<16xi1>
      %masked_sort3A_277, %masked_sort3A_278, %masked_sort3A_279 = tpu.sort %get3A_272, %add3A_275 masked %masked_sort3A_276 {descending = true} : (vector<16xf32>, vector<16xi32>, vector<16xi1>) -> (vector<16xi1>, vector<16xf32>, vector<16xi32>)
      %ge3A_280 = arith.cmpf oge, %masked_sort3A_266, %masked_sort3A_278 : vector<16xf32>
      %select_n3A_281 = arith.select %ge3A_280, %masked_sort3A_266, %masked_sort3A_278 : vector<16xi1>, vector<16xf32>
      %select_n3A_282 = arith.select %ge3A_280, %masked_sort3A_267, %masked_sort3A_279 : vector<16xi1>, vector<16xi32>
      %masked_sort3A_283 = arith.constant dense<true> : vector<16xi1>
      %masked_sort3A_284, %masked_sort3A_285, %masked_sort3A_286 = tpu.sort %select_n3A_281, %select_n3A_282 masked %masked_sort3A_283 : (vector<16xf32>, vector<16xi32>, vector<16xi1>) -> (vector<16xi1>, vector<16xf32>, vector<16xi32>)
      %get3A_287 = arith.constant 15 : i32
      %get3A_288 = arith.index_cast %get3A_287 : i32 to index
      %get3A_289 = arith.index_cast %add3A : i32 to index
      %get3A_290 = arith.constant 0 : index
      %get3A_291 = tpu.vector_load %arg6[%get3A_288, %get3A_289, %get3A_290] {strides = array<i32>} : memref<49x8x16xf32, #tpu.memory_space<vmem>>, vector<16xf32>,
      %add3A_292 = arith.constant 240 : i32
      %add3A_293 = vector.broadcast %add3A_292 : i32 to vector<16xi32>
      %add3A_294 = arith.addi %add3A_293, %iota3A : vector<16xi32>
      %masked_sort3A_295 = arith.constant dense<true> : vector<16xi1>
      %masked_sort3A_296, %masked_sort3A_297, %masked_sort3A_298 = tpu.sort %get3A_291, %add3A_294 masked %masked_sort3A_295 {descending = true} : (vector<16xf32>, vector<16xi32>, vector<16xi1>) -> (vector<16xi1>, vector<16xf32>, vector<16xi32>)
      %ge3A_299 = arith.cmpf oge, %masked_sort3A_285, %masked_sort3A_297 : vector<16xf32>
      %select_n3A_300 = arith.select %ge3A_299, %masked_sort3A_285, %masked_sort3A_297 : vector<16xi1>, vector<16xf32>
      %select_n3A_301 = arith.select %ge3A_299, %masked_sort3A_286, %masked_sort3A_298 : vector<16xi1>, vector<16xi32>
      %masked_sort3A_302 = arith.constant dense<true> : vector<16xi1>
      %masked_sort3A_303, %masked_sort3A_304, %masked_sort3A_305 = tpu.sort %select_n3A_300, %select_n3A_301 masked %masked_sort3A_302 : (vector<16xf32>, vector<16xi32>, vector<16xi1>) -> (vector<16xi1>, vector<16xf32>, vector<16xi32>)
      %get3A_306 = arith.constant 16 : i32
      %get3A_307 = arith.index_cast %get3A_306 : i32 to index
      %get3A_308 = arith.index_cast %add3A : i32 to index
      %get3A_309 = arith.constant 0 : index
      %get3A_310 = tpu.vector_load %arg6[%get3A_307, %get3A_308, %get3A_309] {strides = array<i32>} : memref<49x8x16xf32, #tpu.memory_space<vmem>>, vector<16xf32>,
      %add3A_311 = arith.constant 256 : i32
      %add3A_312 = vector.broadcast %add3A_311 : i32 to vector<16xi32>
      %add3A_313 = arith.addi %add3A_312, %iota3A : vector<16xi32>
      %masked_sort3A_314 = arith.constant dense<true> : vector<16xi1>
      %masked_sort3A_315, %masked_sort3A_316, %masked_sort3A_317 = tpu.sort %get3A_310, %add3A_313 masked %masked_sort3A_314 {descending = true} : (vector<16xf32>, vector<16xi32>, vector<16xi1>) -> (vector<16xi1>, vector<16xf32>, vector<16xi32>)
      %ge3A_318 = arith.cmpf oge, %masked_sort3A_304, %masked_sort3A_316 : vector<16xf32>
      %select_n3A_319 = arith.select %ge3A_318, %masked_sort3A_304, %masked_sort3A_316 : vector<16xi1>, vector<16xf32>
      %select_n3A_320 = arith.select %ge3A_318, %masked_sort3A_305, %masked_sort3A_317 : vector<16xi1>, vector<16xi32>
      %masked_sort3A_321 = arith.constant dense<true> : vector<16xi1>
      %masked_sort3A_322, %masked_sort3A_323, %masked_sort3A_324 = tpu.sort %select_n3A_319, %select_n3A_320 masked %masked_sort3A_321 : (vector<16xf32>, vector<16xi32>, vector<16xi1>) -> (vector<16xi1>, vector<16xf32>, vector<16xi32>)
      %get3A_325 = arith.constant 17 : i32
      %get3A_326 = arith.index_cast %get3A_325 : i32 to index
      %get3A_327 = arith.index_cast %add3A : i32 to index
      %get3A_328 = arith.constant 0 : index
      %get3A_329 = tpu.vector_load %arg6[%get3A_326, %get3A_327, %get3A_328] {strides = array<i32>} : memref<49x8x16xf32, #tpu.memory_space<vmem>>, vector<16xf32>,
      %add3A_330 = arith.constant 272 : i32
      %add3A_331 = vector.broadcast %add3A_330 : i32 to vector<16xi32>
      %add3A_332 = arith.addi %add3A_331, %iota3A : vector<16xi32>
      %masked_sort3A_333 = arith.constant dense<true> : vector<16xi1>
      %masked_sort3A_334, %masked_sort3A_335, %masked_sort3A_336 = tpu.sort %get3A_329, %add3A_332 masked %masked_sort3A_333 {descending = true} : (vector<16xf32>, vector<16xi32>, vector<16xi1>) -> (vector<16xi1>, vector<16xf32>, vector<16xi32>)
      %ge3A_337 = arith.cmpf oge, %masked_sort3A_323, %masked_sort3A_335 : vector<16xf32>
      %select_n3A_338 = arith.select %ge3A_337, %masked_sort3A_323, %masked_sort3A_335 : vector<16xi1>, vector<16xf32>
      %select_n3A_339 = arith.select %ge3A_337, %masked_sort3A_324, %masked_sort3A_336 : vector<16xi1>, vector<16xi32>
      %masked_sort3A_340 = arith.constant dense<true> : vector<16xi1>
      %masked_sort3A_341, %masked_sort3A_342, %masked_sort3A_343 = tpu.sort %select_n3A_338, %select_n3A_339 masked %masked_sort3A_340 : (vector<16xf32>, vector<16xi32>, vector<16xi1>) -> (vector<16xi1>, vector<16xf32>, vector<16xi32>)
      %get3A_344 = arith.constant 18 : i32
      %get3A_345 = arith.index_cast %get3A_344 : i32 to index
      %get3A_346 = arith.index_cast %add3A : i32 to index
      %get3A_347 = arith.constant 0 : index
      %get3A_348 = tpu.vector_load %arg6[%get3A_345, %get3A_346, %get3A_347] {strides = array<i32>} : memref<49x8x16xf32, #tpu.memory_space<vmem>>, vector<16xf32>,
      %add3A_349 = arith.constant 288 : i32
      %add3A_350 = vector.broadcast %add3A_349 : i32 to vector<16xi32>
      %add3A_351 = arith.addi %add3A_350, %iota3A : vector<16xi32>
      %masked_sort3A_352 = arith.constant dense<true> : vector<16xi1>
      %masked_sort3A_353, %masked_sort3A_354, %masked_sort3A_355 = tpu.sort %get3A_348, %add3A_351 masked %masked_sort3A_352 {descending = true} : (vector<16xf32>, vector<16xi32>, vector<16xi1>) -> (vector<16xi1>, vector<16xf32>, vector<16xi32>)
      %ge3A_356 = arith.cmpf oge, %masked_sort3A_342, %masked_sort3A_354 : vector<16xf32>
      %select_n3A_357 = arith.select %ge3A_356, %masked_sort3A_342, %masked_sort3A_354 : vector<16xi1>, vector<16xf32>
      %select_n3A_358 = arith.select %ge3A_356, %masked_sort3A_343, %masked_sort3A_355 : vector<16xi1>, vector<16xi32>
      %masked_sort3A_359 = arith.constant dense<true> : vector<16xi1>
      %masked_sort3A_360, %masked_sort3A_361, %masked_sort3A_362 = tpu.sort %select_n3A_357, %select_n3A_358 masked %masked_sort3A_359 : (vector<16xf32>, vector<16xi32>, vector<16xi1>) -> (vector<16xi1>, vector<16xf32>, vector<16xi32>)
      %get3A_363 = arith.constant 19 : i32
      %get3A_364 = arith.index_cast %get3A_363 : i32 to index
      %get3A_365 = arith.index_cast %add3A : i32 to index
      %get3A_366 = arith.constant 0 : index
      %get3A_367 = tpu.vector_load %arg6[%get3A_364, %get3A_365, %get3A_366] {strides = array<i32>} : memref<49x8x16xf32, #tpu.memory_space<vmem>>, vector<16xf32>,
      %add3A_368 = arith.constant 304 : i32
      %add3A_369 = vector.broadcast %add3A_368 : i32 to vector<16xi32>
      %add3A_370 = arith.addi %add3A_369, %iota3A : vector<16xi32>
      %masked_sort3A_371 = arith.constant dense<true> : vector<16xi1>
      %masked_sort3A_372, %masked_sort3A_373, %masked_sort3A_374 = tpu.sort %get3A_367, %add3A_370 masked %masked_sort3A_371 {descending = true} : (vector<16xf32>, vector<16xi32>, vector<16xi1>) -> (vector<16xi1>, vector<16xf32>, vector<16xi32>)
      %ge3A_375 = arith.cmpf oge, %masked_sort3A_361, %masked_sort3A_373 : vector<16xf32>
      %select_n3A_376 = arith.select %ge3A_375, %masked_sort3A_361, %masked_sort3A_373 : vector<16xi1>, vector<16xf32>
      %select_n3A_377 = arith.select %ge3A_375, %masked_sort3A_362, %masked_sort3A_374 : vector<16xi1>, vector<16xi32>
      %masked_sort3A_378 = arith.constant dense<true> : vector<16xi1>
      %masked_sort3A_379, %masked_sort3A_380, %masked_sort3A_381 = tpu.sort %select_n3A_376, %select_n3A_377 masked %masked_sort3A_378 : (vector<16xf32>, vector<16xi32>, vector<16xi1>) -> (vector<16xi1>, vector<16xf32>, vector<16xi32>)
      %get3A_382 = arith.constant 20 : i32
      %get3A_383 = arith.index_cast %get3A_382 : i32 to index
      %get3A_384 = arith.index_cast %add3A : i32 to index
      %get3A_385 = arith.constant 0 : index
      %get3A_386 = tpu.vector_load %arg6[%get3A_383, %get3A_384, %get3A_385] {strides = array<i32>} : memref<49x8x16xf32, #tpu.memory_space<vmem>>, vector<16xf32>,
      %add3A_387 = arith.constant 320 : i32
      %add3A_388 = vector.broadcast %add3A_387 : i32 to vector<16xi32>
      %add3A_389 = arith.addi %add3A_388, %iota3A : vector<16xi32>
      %masked_sort3A_390 = arith.constant dense<true> : vector<16xi1>
      %masked_sort3A_391, %masked_sort3A_392, %masked_sort3A_393 = tpu.sort %get3A_386, %add3A_389 masked %masked_sort3A_390 {descending = true} : (vector<16xf32>, vector<16xi32>, vector<16xi1>) -> (vector<16xi1>, vector<16xf32>, vector<16xi32>)
      %ge3A_394 = arith.cmpf oge, %masked_sort3A_380, %masked_sort3A_392 : vector<16xf32>
      %select_n3A_395 = arith.select %ge3A_394, %masked_sort3A_380, %masked_sort3A_392 : vector<16xi1>, vector<16xf32>
      %select_n3A_396 = arith.select %ge3A_394, %masked_sort3A_381, %masked_sort3A_393 : vector<16xi1>, vector<16xi32>
      %masked_sort3A_397 = arith.constant dense<true> : vector<16xi1>
      %masked_sort3A_398, %masked_sort3A_399, %masked_sort3A_400 = tpu.sort %select_n3A_395, %select_n3A_396 masked %masked_sort3A_397 : (vector<16xf32>, vector<16xi32>, vector<16xi1>) -> (vector<16xi1>, vector<16xf32>, vector<16xi32>)
      %get3A_401 = arith.constant 21 : i32
      %get3A_402 = arith.index_cast %get3A_401 : i32 to index
      %get3A_403 = arith.index_cast %add3A : i32 to index
      %get3A_404 = arith.constant 0 : index
      %get3A_405 = tpu.vector_load %arg6[%get3A_402, %get3A_403, %get3A_404] {strides = array<i32>} : memref<49x8x16xf32, #tpu.memory_space<vmem>>, vector<16xf32>,
      %add3A_406 = arith.constant 336 : i32
      %add3A_407 = vector.broadcast %add3A_406 : i32 to vector<16xi32>
      %add3A_408 = arith.addi %add3A_407, %iota3A : vector<16xi32>
      %masked_sort3A_409 = arith.constant dense<true> : vector<16xi1>
      %masked_sort3A_410, %masked_sort3A_411, %masked_sort3A_412 = tpu.sort %get3A_405, %add3A_408 masked %masked_sort3A_409 {descending = true} : (vector<16xf32>, vector<16xi32>, vector<16xi1>) -> (vector<16xi1>, vector<16xf32>, vector<16xi32>)
      %ge3A_413 = arith.cmpf oge, %masked_sort3A_399, %masked_sort3A_411 : vector<16xf32>
      %select_n3A_414 = arith.select %ge3A_413, %masked_sort3A_399, %masked_sort3A_411 : vector<16xi1>, vector<16xf32>
      %select_n3A_415 = arith.select %ge3A_413, %masked_sort3A_400, %masked_sort3A_412 : vector<16xi1>, vector<16xi32>
      %masked_sort3A_416 = arith.constant dense<true> : vector<16xi1>
      %masked_sort3A_417, %masked_sort3A_418, %masked_sort3A_419 = tpu.sort %select_n3A_414, %select_n3A_415 masked %masked_sort3A_416 : (vector<16xf32>, vector<16xi32>, vector<16xi1>) -> (vector<16xi1>, vector<16xf32>, vector<16xi32>)
      %get3A_420 = arith.constant 22 : i32
      %get3A_421 = arith.index_cast %get3A_420 : i32 to index
      %get3A_422 = arith.index_cast %add3A : i32 to index
      %get3A_423 = arith.constant 0 : index
      %get3A_424 = tpu.vector_load %arg6[%get3A_421, %get3A_422, %get3A_423] {strides = array<i32>} : memref<49x8x16xf32, #tpu.memory_space<vmem>>, vector<16xf32>,
      %add3A_425 = arith.constant 352 : i32
      %add3A_426 = vector.broadcast %add3A_425 : i32 to vector<16xi32>
      %add3A_427 = arith.addi %add3A_426, %iota3A : vector<16xi32>
      %masked_sort3A_428 = arith.constant dense<true> : vector<16xi1>
      %masked_sort3A_429, %masked_sort3A_430, %masked_sort3A_431 = tpu.sort %get3A_424, %add3A_427 masked %masked_sort3A_428 {descending = true} : (vector<16xf32>, vector<16xi32>, vector<16xi1>) -> (vector<16xi1>, vector<16xf32>, vector<16xi32>)
      %ge3A_432 = arith.cmpf oge, %masked_sort3A_418, %masked_sort3A_430 : vector<16xf32>
      %select_n3A_433 = arith.select %ge3A_432, %masked_sort3A_418, %masked_sort3A_430 : vector<16xi1>, vector<16xf32>
      %select_n3A_434 = arith.select %ge3A_432, %masked_sort3A_419, %masked_sort3A_431 : vector<16xi1>, vector<16xi32>
      %masked_sort3A_435 = arith.constant dense<true> : vector<16xi1>
      %masked_sort3A_436, %masked_sort3A_437, %masked_sort3A_438 = tpu.sort %select_n3A_433, %select_n3A_434 masked %masked_sort3A_435 : (vector<16xf32>, vector<16xi32>, vector<16xi1>) -> (vector<16xi1>, vector<16xf32>, vector<16xi32>)
      %get3A_439 = arith.constant 23 : i32
      %get3A_440 = arith.index_cast %get3A_439 : i32 to index
      %get3A_441 = arith.index_cast %add3A : i32 to index
      %get3A_442 = arith.constant 0 : index
      %get3A_443 = tpu.vector_load %arg6[%get3A_440, %get3A_441, %get3A_442] {strides = array<i32>} : memref<49x8x16xf32, #tpu.memory_space<vmem>>, vector<16xf32>,
      %add3A_444 = arith.constant 368 : i32
      %add3A_445 = vector.broadcast %add3A_444 : i32 to vector<16xi32>
      %add3A_446 = arith.addi %add3A_445, %iota3A : vector<16xi32>
      %masked_sort3A_447 = arith.constant dense<true> : vector<16xi1>
      %masked_sort3A_448, %masked_sort3A_449, %masked_sort3A_450 = tpu.sort %get3A_443, %add3A_446 masked %masked_sort3A_447 {descending = true} : (vector<16xf32>, vector<16xi32>, vector<16xi1>) -> (vector<16xi1>, vector<16xf32>, vector<16xi32>)
      %ge3A_451 = arith.cmpf oge, %masked_sort3A_437, %masked_sort3A_449 : vector<16xf32>
      %select_n3A_452 = arith.select %ge3A_451, %masked_sort3A_437, %masked_sort3A_449 : vector<16xi1>, vector<16xf32>
      %select_n3A_453 = arith.select %ge3A_451, %masked_sort3A_438, %masked_sort3A_450 : vector<16xi1>, vector<16xi32>
      %masked_sort3A_454 = arith.constant dense<true> : vector<16xi1>
      %masked_sort3A_455, %masked_sort3A_456, %masked_sort3A_457 = tpu.sort %select_n3A_452, %select_n3A_453 masked %masked_sort3A_454 : (vector<16xf32>, vector<16xi32>, vector<16xi1>) -> (vector<16xi1>, vector<16xf32>, vector<16xi32>)
      %get3A_458 = arith.constant 24 : i32
      %get3A_459 = arith.index_cast %get3A_458 : i32 to index
      %get3A_460 = arith.index_cast %add3A : i32 to index
      %get3A_461 = arith.constant 0 : index
      %get3A_462 = tpu.vector_load %arg6[%get3A_459, %get3A_460, %get3A_461] {strides = array<i32>} : memref<49x8x16xf32, #tpu.memory_space<vmem>>, vector<16xf32>,
      %add3A_463 = arith.constant 384 : i32
      %add3A_464 = vector.broadcast %add3A_463 : i32 to vector<16xi32>
      %add3A_465 = arith.addi %add3A_464, %iota3A : vector<16xi32>
      %masked_sort3A_466 = arith.constant dense<true> : vector<16xi1>
      %masked_sort3A_467, %masked_sort3A_468, %masked_sort3A_469 = tpu.sort %get3A_462, %add3A_465 masked %masked_sort3A_466 {descending = true} : (vector<16xf32>, vector<16xi32>, vector<16xi1>) -> (vector<16xi1>, vector<16xf32>, vector<16xi32>)
      %ge3A_470 = arith.cmpf oge, %masked_sort3A_456, %masked_sort3A_468 : vector<16xf32>
      %select_n3A_471 = arith.select %ge3A_470, %masked_sort3A_456, %masked_sort3A_468 : vector<16xi1>, vector<16xf32>
      %select_n3A_472 = arith.select %ge3A_470, %masked_sort3A_457, %masked_sort3A_469 : vector<16xi1>, vector<16xi32>
      %masked_sort3A_473 = arith.constant dense<true> : vector<16xi1>
      %masked_sort3A_474, %masked_sort3A_475, %masked_sort3A_476 = tpu.sort %select_n3A_471, %select_n3A_472 masked %masked_sort3A_473 : (vector<16xf32>, vector<16xi32>, vector<16xi1>) -> (vector<16xi1>, vector<16xf32>, vector<16xi32>)
      %get3A_477 = arith.constant 25 : i32
      %get3A_478 = arith.index_cast %get3A_477 : i32 to index
      %get3A_479 = arith.index_cast %add3A : i32 to index
      %get3A_480 = arith.constant 0 : index
      %get3A_481 = tpu.vector_load %arg6[%get3A_478, %get3A_479, %get3A_480] {strides = array<i32>} : memref<49x8x16xf32, #tpu.memory_space<vmem>>, vector<16xf32>,
      %add3A_482 = arith.constant 400 : i32
      %add3A_483 = vector.broadcast %add3A_482 : i32 to vector<16xi32>
      %add3A_484 = arith.addi %add3A_483, %iota3A : vector<16xi32>
      %masked_sort3A_485 = arith.constant dense<true> : vector<16xi1>
      %masked_sort3A_486, %masked_sort3A_487, %masked_sort3A_488 = tpu.sort %get3A_481, %add3A_484 masked %masked_sort3A_485 {descending = true} : (vector<16xf32>, vector<16xi32>, vector<16xi1>) -> (vector<16xi1>, vector<16xf32>, vector<16xi32>)
      %ge3A_489 = arith.cmpf oge, %masked_sort3A_475, %masked_sort3A_487 : vector<16xf32>
      %select_n3A_490 = arith.select %ge3A_489, %masked_sort3A_475, %masked_sort3A_487 : vector<16xi1>, vector<16xf32>
      %select_n3A_491 = arith.select %ge3A_489, %masked_sort3A_476, %masked_sort3A_488 : vector<16xi1>, vector<16xi32>
      %masked_sort3A_492 = arith.constant dense<true> : vector<16xi1>
      %masked_sort3A_493, %masked_sort3A_494, %masked_sort3A_495 = tpu.sort %select_n3A_490, %select_n3A_491 masked %masked_sort3A_492 : (vector<16xf32>, vector<16xi32>, vector<16xi1>) -> (vector<16xi1>, vector<16xf32>, vector<16xi32>)
      %get3A_496 = arith.constant 26 : i32
      %get3A_497 = arith.index_cast %get3A_496 : i32 to index
      %get3A_498 = arith.index_cast %add3A : i32 to index
      %get3A_499 = arith.constant 0 : index
      %get3A_500 = tpu.vector_load %arg6[%get3A_497, %get3A_498, %get3A_499] {strides = array<i32>} : memref<49x8x16xf32, #tpu.memory_space<vmem>>, vector<16xf32>,
      %add3A_501 = arith.constant 416 : i32
      %add3A_502 = vector.broadcast %add3A_501 : i32 to vector<16xi32>
      %add3A_503 = arith.addi %add3A_502, %iota3A : vector<16xi32>
      %masked_sort3A_504 = arith.constant dense<true> : vector<16xi1>
      %masked_sort3A_505, %masked_sort3A_506, %masked_sort3A_507 = tpu.sort %get3A_500, %add3A_503 masked %masked_sort3A_504 {descending = true} : (vector<16xf32>, vector<16xi32>, vector<16xi1>) -> (vector<16xi1>, vector<16xf32>, vector<16xi32>)
      %ge3A_508 = arith.cmpf oge, %masked_sort3A_494, %masked_sort3A_506 : vector<16xf32>
      %select_n3A_509 = arith.select %ge3A_508, %masked_sort3A_494, %masked_sort3A_506 : vector<16xi1>, vector<16xf32>
      %select_n3A_510 = arith.select %ge3A_508, %masked_sort3A_495, %masked_sort3A_507 : vector<16xi1>, vector<16xi32>
      %masked_sort3A_511 = arith.constant dense<true> : vector<16xi1>
      %masked_sort3A_512, %masked_sort3A_513, %masked_sort3A_514 = tpu.sort %select_n3A_509, %select_n3A_510 masked %masked_sort3A_511 : (vector<16xf32>, vector<16xi32>, vector<16xi1>) -> (vector<16xi1>, vector<16xf32>, vector<16xi32>)
      %get3A_515 = arith.constant 27 : i32
      %get3A_516 = arith.index_cast %get3A_515 : i32 to index
      %get3A_517 = arith.index_cast %add3A : i32 to index
      %get3A_518 = arith.constant 0 : index
      %get3A_519 = tpu.vector_load %arg6[%get3A_516, %get3A_517, %get3A_518] {strides = array<i32>} : memref<49x8x16xf32, #tpu.memory_space<vmem>>, vector<16xf32>,
      %add3A_520 = arith.constant 432 : i32
      %add3A_521 = vector.broadcast %add3A_520 : i32 to vector<16xi32>
      %add3A_522 = arith.addi %add3A_521, %iota3A : vector<16xi32>
      %masked_sort3A_523 = arith.constant dense<true> : vector<16xi1>
      %masked_sort3A_524, %masked_sort3A_525, %masked_sort3A_526 = tpu.sort %get3A_519, %add3A_522 masked %masked_sort3A_523 {descending = true} : (vector<16xf32>, vector<16xi32>, vector<16xi1>) -> (vector<16xi1>, vector<16xf32>, vector<16xi32>)
      %ge3A_527 = arith.cmpf oge, %masked_sort3A_513, %masked_sort3A_525 : vector<16xf32>
      %select_n3A_528 = arith.select %ge3A_527, %masked_sort3A_513, %masked_sort3A_525 : vector<16xi1>, vector<16xf32>
      %select_n3A_529 = arith.select %ge3A_527, %masked_sort3A_514, %masked_sort3A_526 : vector<16xi1>, vector<16xi32>
      %masked_sort3A_530 = arith.constant dense<true> : vector<16xi1>
      %masked_sort3A_531, %masked_sort3A_532, %masked_sort3A_533 = tpu.sort %select_n3A_528, %select_n3A_529 masked %masked_sort3A_530 : (vector<16xf32>, vector<16xi32>, vector<16xi1>) -> (vector<16xi1>, vector<16xf32>, vector<16xi32>)
      %get3A_534 = arith.constant 28 : i32
      %get3A_535 = arith.index_cast %get3A_534 : i32 to index
      %get3A_536 = arith.index_cast %add3A : i32 to index
      %get3A_537 = arith.constant 0 : index
      %get3A_538 = tpu.vector_load %arg6[%get3A_535, %get3A_536, %get3A_537] {strides = array<i32>} : memref<49x8x16xf32, #tpu.memory_space<vmem>>, vector<16xf32>,
      %add3A_539 = arith.constant 448 : i32
      %add3A_540 = vector.broadcast %add3A_539 : i32 to vector<16xi32>
      %add3A_541 = arith.addi %add3A_540, %iota3A : vector<16xi32>
      %masked_sort3A_542 = arith.constant dense<true> : vector<16xi1>
      %masked_sort3A_543, %masked_sort3A_544, %masked_sort3A_545 = tpu.sort %get3A_538, %add3A_541 masked %masked_sort3A_542 {descending = true} : (vector<16xf32>, vector<16xi32>, vector<16xi1>) -> (vector<16xi1>, vector<16xf32>, vector<16xi32>)
      %ge3A_546 = arith.cmpf oge, %masked_sort3A_532, %masked_sort3A_544 : vector<16xf32>
      %select_n3A_547 = arith.select %ge3A_546, %masked_sort3A_532, %masked_sort3A_544 : vector<16xi1>, vector<16xf32>
      %select_n3A_548 = arith.select %ge3A_546, %masked_sort3A_533, %masked_sort3A_545 : vector<16xi1>, vector<16xi32>
      %masked_sort3A_549 = arith.constant dense<true> : vector<16xi1>
      %masked_sort3A_550, %masked_sort3A_551, %masked_sort3A_552 = tpu.sort %select_n3A_547, %select_n3A_548 masked %masked_sort3A_549 : (vector<16xf32>, vector<16xi32>, vector<16xi1>) -> (vector<16xi1>, vector<16xf32>, vector<16xi32>)
      %get3A_553 = arith.constant 29 : i32
      %get3A_554 = arith.index_cast %get3A_553 : i32 to index
      %get3A_555 = arith.index_cast %add3A : i32 to index
      %get3A_556 = arith.constant 0 : index
      %get3A_557 = tpu.vector_load %arg6[%get3A_554, %get3A_555, %get3A_556] {strides = array<i32>} : memref<49x8x16xf32, #tpu.memory_space<vmem>>, vector<16xf32>,
      %add3A_558 = arith.constant 464 : i32
      %add3A_559 = vector.broadcast %add3A_558 : i32 to vector<16xi32>
      %add3A_560 = arith.addi %add3A_559, %iota3A : vector<16xi32>
      %masked_sort3A_561 = arith.constant dense<true> : vector<16xi1>
      %masked_sort3A_562, %masked_sort3A_563, %masked_sort3A_564 = tpu.sort %get3A_557, %add3A_560 masked %masked_sort3A_561 {descending = true} : (vector<16xf32>, vector<16xi32>, vector<16xi1>) -> (vector<16xi1>, vector<16xf32>, vector<16xi32>)
      %ge3A_565 = arith.cmpf oge, %masked_sort3A_551, %masked_sort3A_563 : vector<16xf32>
      %select_n3A_566 = arith.select %ge3A_565, %masked_sort3A_551, %masked_sort3A_563 : vector<16xi1>, vector<16xf32>
      %select_n3A_567 = arith.select %ge3A_565, %masked_sort3A_552, %masked_sort3A_564 : vector<16xi1>, vector<16xi32>
      %masked_sort3A_568 = arith.constant dense<true> : vector<16xi1>
      %masked_sort3A_569, %masked_sort3A_570, %masked_sort3A_571 = tpu.sort %select_n3A_566, %select_n3A_567 masked %masked_sort3A_568 : (vector<16xf32>, vector<16xi32>, vector<16xi1>) -> (vector<16xi1>, vector<16xf32>, vector<16xi32>)
      %get3A_572 = arith.constant 30 : i32
      %get3A_573 = arith.index_cast %get3A_572 : i32 to index
      %get3A_574 = arith.index_cast %add3A : i32 to index
      %get3A_575 = arith.constant 0 : index
      %get3A_576 = tpu.vector_load %arg6[%get3A_573, %get3A_574, %get3A_575] {strides = array<i32>} : memref<49x8x16xf32, #tpu.memory_space<vmem>>, vector<16xf32>,
      %add3A_577 = arith.constant 480 : i32
      %add3A_578 = vector.broadcast %add3A_577 : i32 to vector<16xi32>
      %add3A_579 = arith.addi %add3A_578, %iota3A : vector<16xi32>
      %masked_sort3A_580 = arith.constant dense<true> : vector<16xi1>
      %masked_sort3A_581, %masked_sort3A_582, %masked_sort3A_583 = tpu.sort %get3A_576, %add3A_579 masked %masked_sort3A_580 {descending = true} : (vector<16xf32>, vector<16xi32>, vector<16xi1>) -> (vector<16xi1>, vector<16xf32>, vector<16xi32>)
      %ge3A_584 = arith.cmpf oge, %masked_sort3A_570, %masked_sort3A_582 : vector<16xf32>
      %select_n3A_585 = arith.select %ge3A_584, %masked_sort3A_570, %masked_sort3A_582 : vector<16xi1>, vector<16xf32>
      %select_n3A_586 = arith.select %ge3A_584, %masked_sort3A_571, %masked_sort3A_583 : vector<16xi1>, vector<16xi32>
      %masked_sort3A_587 = arith.constant dense<true> : vector<16xi1>
      %masked_sort3A_588, %masked_sort3A_589, %masked_sort3A_590 = tpu.sort %select_n3A_585, %select_n3A_586 masked %masked_sort3A_587 : (vector<16xf32>, vector<16xi32>, vector<16xi1>) -> (vector<16xi1>, vector<16xf32>, vector<16xi32>)
      %get3A_591 = arith.constant 31 : i32
      %get3A_592 = arith.index_cast %get3A_591 : i32 to index
      %get3A_593 = arith.index_cast %add3A : i32 to index
      %get3A_594 = arith.constant 0 : index
      %get3A_595 = tpu.vector_load %arg6[%get3A_592, %get3A_593, %get3A_594] {strides = array<i32>} : memref<49x8x16xf32, #tpu.memory_space<vmem>>, vector<16xf32>,
      %add3A_596 = arith.constant 496 : i32
      %add3A_597 = vector.broadcast %add3A_596 : i32 to vector<16xi32>
      %add3A_598 = arith.addi %add3A_597, %iota3A : vector<16xi32>
      %masked_sort3A_599 = arith.constant dense<true> : vector<16xi1>
      %masked_sort3A_600, %masked_sort3A_601, %masked_sort3A_602 = tpu.sort %get3A_595, %add3A_598 masked %masked_sort3A_599 {descending = true} : (vector<16xf32>, vector<16xi32>, vector<16xi1>) -> (vector<16xi1>, vector<16xf32>, vector<16xi32>)
      %ge3A_603 = arith.cmpf oge, %masked_sort3A_589, %masked_sort3A_601 : vector<16xf32>
      %select_n3A_604 = arith.select %ge3A_603, %masked_sort3A_589, %masked_sort3A_601 : vector<16xi1>, vector<16xf32>
      %select_n3A_605 = arith.select %ge3A_603, %masked_sort3A_590, %masked_sort3A_602 : vector<16xi1>, vector<16xi32>
      %masked_sort3A_606 = arith.constant dense<true> : vector<16xi1>
      %masked_sort3A_607, %masked_sort3A_608, %masked_sort3A_609 = tpu.sort %select_n3A_604, %select_n3A_605 masked %masked_sort3A_606 : (vector<16xf32>, vector<16xi32>, vector<16xi1>) -> (vector<16xi1>, vector<16xf32>, vector<16xi32>)
      %get3A_610 = arith.constant 32 : i32
      %get3A_611 = arith.index_cast %get3A_610 : i32 to index
      %get3A_612 = arith.index_cast %add3A : i32 to index
      %get3A_613 = arith.constant 0 : index
      %get3A_614 = tpu.vector_load %arg6[%get3A_611, %get3A_612, %get3A_613] {strides = array<i32>} : memref<49x8x16xf32, #tpu.memory_space<vmem>>, vector<16xf32>,
      %add3A_615 = arith.constant 512 : i32
      %add3A_616 = vector.broadcast %add3A_615 : i32 to vector<16xi32>
      %add3A_617 = arith.addi %add3A_616, %iota3A : vector<16xi32>
      %masked_sort3A_618 = arith.constant dense<true> : vector<16xi1>
      %masked_sort3A_619, %masked_sort3A_620, %masked_sort3A_621 = tpu.sort %get3A_614, %add3A_617 masked %masked_sort3A_618 {descending = true} : (vector<16xf32>, vector<16xi32>, vector<16xi1>) -> (vector<16xi1>, vector<16xf32>, vector<16xi32>)
      %ge3A_622 = arith.cmpf oge, %masked_sort3A_608, %masked_sort3A_620 : vector<16xf32>
      %select_n3A_623 = arith.select %ge3A_622, %masked_sort3A_608, %masked_sort3A_620 : vector<16xi1>, vector<16xf32>
      %select_n3A_624 = arith.select %ge3A_622, %masked_sort3A_609, %masked_sort3A_621 : vector<16xi1>, vector<16xi32>
      %masked_sort3A_625 = arith.constant dense<true> : vector<16xi1>
      %masked_sort3A_626, %masked_sort3A_627, %masked_sort3A_628 = tpu.sort %select_n3A_623, %select_n3A_624 masked %masked_sort3A_625 : (vector<16xf32>, vector<16xi32>, vector<16xi1>) -> (vector<16xi1>, vector<16xf32>, vector<16xi32>)
      %get3A_629 = arith.constant 33 : i32
      %get3A_630 = arith.index_cast %get3A_629 : i32 to index
      %get3A_631 = arith.index_cast %add3A : i32 to index
      %get3A_632 = arith.constant 0 : index
      %get3A_633 = tpu.vector_load %arg6[%get3A_630, %get3A_631, %get3A_632] {strides = array<i32>} : memref<49x8x16xf32, #tpu.memory_space<vmem>>, vector<16xf32>,
      %add3A_634 = arith.constant 528 : i32
      %add3A_635 = vector.broadcast %add3A_634 : i32 to vector<16xi32>
      %add3A_636 = arith.addi %add3A_635, %iota3A : vector<16xi32>
      %masked_sort3A_637 = arith.constant dense<true> : vector<16xi1>
      %masked_sort3A_638, %masked_sort3A_639, %masked_sort3A_640 = tpu.sort %get3A_633, %add3A_636 masked %masked_sort3A_637 {descending = true} : (vector<16xf32>, vector<16xi32>, vector<16xi1>) -> (vector<16xi1>, vector<16xf32>, vector<16xi32>)
      %ge3A_641 = arith.cmpf oge, %masked_sort3A_627, %masked_sort3A_639 : vector<16xf32>
      %select_n3A_642 = arith.select %ge3A_641, %masked_sort3A_627, %masked_sort3A_639 : vector<16xi1>, vector<16xf32>
      %select_n3A_643 = arith.select %ge3A_641, %masked_sort3A_628, %masked_sort3A_640 : vector<16xi1>, vector<16xi32>
      %masked_sort3A_644 = arith.constant dense<true> : vector<16xi1>
      %masked_sort3A_645, %masked_sort3A_646, %masked_sort3A_647 = tpu.sort %select_n3A_642, %select_n3A_643 masked %masked_sort3A_644 : (vector<16xf32>, vector<16xi32>, vector<16xi1>) -> (vector<16xi1>, vector<16xf32>, vector<16xi32>)
      %get3A_648 = arith.constant 34 : i32
      %get3A_649 = arith.index_cast %get3A_648 : i32 to index
      %get3A_650 = arith.index_cast %add3A : i32 to index
      %get3A_651 = arith.constant 0 : index
      %get3A_652 = tpu.vector_load %arg6[%get3A_649, %get3A_650, %get3A_651] {strides = array<i32>} : memref<49x8x16xf32, #tpu.memory_space<vmem>>, vector<16xf32>,
      %add3A_653 = arith.constant 544 : i32
      %add3A_654 = vector.broadcast %add3A_653 : i32 to vector<16xi32>
      %add3A_655 = arith.addi %add3A_654, %iota3A : vector<16xi32>
      %masked_sort3A_656 = arith.constant dense<true> : vector<16xi1>
      %masked_sort3A_657, %masked_sort3A_658, %masked_sort3A_659 = tpu.sort %get3A_652, %add3A_655 masked %masked_sort3A_656 {descending = true} : (vector<16xf32>, vector<16xi32>, vector<16xi1>) -> (vector<16xi1>, vector<16xf32>, vector<16xi32>)
      %ge3A_660 = arith.cmpf oge, %masked_sort3A_646, %masked_sort3A_658 : vector<16xf32>
      %select_n3A_661 = arith.select %ge3A_660, %masked_sort3A_646, %masked_sort3A_658 : vector<16xi1>, vector<16xf32>
      %select_n3A_662 = arith.select %ge3A_660, %masked_sort3A_647, %masked_sort3A_659 : vector<16xi1>, vector<16xi32>
      %masked_sort3A_663 = arith.constant dense<true> : vector<16xi1>
      %masked_sort3A_664, %masked_sort3A_665, %masked_sort3A_666 = tpu.sort %select_n3A_661, %select_n3A_662 masked %masked_sort3A_663 : (vector<16xf32>, vector<16xi32>, vector<16xi1>) -> (vector<16xi1>, vector<16xf32>, vector<16xi32>)
      %get3A_667 = arith.constant 35 : i32
      %get3A_668 = arith.index_cast %get3A_667 : i32 to index
      %get3A_669 = arith.index_cast %add3A : i32 to index
      %get3A_670 = arith.constant 0 : index
      %get3A_671 = tpu.vector_load %arg6[%get3A_668, %get3A_669, %get3A_670] {strides = array<i32>} : memref<49x8x16xf32, #tpu.memory_space<vmem>>, vector<16xf32>,
      %add3A_672 = arith.constant 560 : i32
      %add3A_673 = vector.broadcast %add3A_672 : i32 to vector<16xi32>
      %add3A_674 = arith.addi %add3A_673, %iota3A : vector<16xi32>
      %masked_sort3A_675 = arith.constant dense<true> : vector<16xi1>
      %masked_sort3A_676, %masked_sort3A_677, %masked_sort3A_678 = tpu.sort %get3A_671, %add3A_674 masked %masked_sort3A_675 {descending = true} : (vector<16xf32>, vector<16xi32>, vector<16xi1>) -> (vector<16xi1>, vector<16xf32>, vector<16xi32>)
      %ge3A_679 = arith.cmpf oge, %masked_sort3A_665, %masked_sort3A_677 : vector<16xf32>
      %select_n3A_680 = arith.select %ge3A_679, %masked_sort3A_665, %masked_sort3A_677 : vector<16xi1>, vector<16xf32>
      %select_n3A_681 = arith.select %ge3A_679, %masked_sort3A_666, %masked_sort3A_678 : vector<16xi1>, vector<16xi32>
      %masked_sort3A_682 = arith.constant dense<true> : vector<16xi1>
      %masked_sort3A_683, %masked_sort3A_684, %masked_sort3A_685 = tpu.sort %select_n3A_680, %select_n3A_681 masked %masked_sort3A_682 : (vector<16xf32>, vector<16xi32>, vector<16xi1>) -> (vector<16xi1>, vector<16xf32>, vector<16xi32>)
      %get3A_686 = arith.constant 36 : i32
      %get3A_687 = arith.index_cast %get3A_686 : i32 to index
      %get3A_688 = arith.index_cast %add3A : i32 to index
      %get3A_689 = arith.constant 0 : index
      %get3A_690 = tpu.vector_load %arg6[%get3A_687, %get3A_688, %get3A_689] {strides = array<i32>} : memref<49x8x16xf32, #tpu.memory_space<vmem>>, vector<16xf32>,
      %add3A_691 = arith.constant 576 : i32
      %add3A_692 = vector.broadcast %add3A_691 : i32 to vector<16xi32>
      %add3A_693 = arith.addi %add3A_692, %iota3A : vector<16xi32>
      %masked_sort3A_694 = arith.constant dense<true> : vector<16xi1>
      %masked_sort3A_695, %masked_sort3A_696, %masked_sort3A_697 = tpu.sort %get3A_690, %add3A_693 masked %masked_sort3A_694 {descending = true} : (vector<16xf32>, vector<16xi32>, vector<16xi1>) -> (vector<16xi1>, vector<16xf32>, vector<16xi32>)
      %ge3A_698 = arith.cmpf oge, %masked_sort3A_684, %masked_sort3A_696 : vector<16xf32>
      %select_n3A_699 = arith.select %ge3A_698, %masked_sort3A_684, %masked_sort3A_696 : vector<16xi1>, vector<16xf32>
      %select_n3A_700 = arith.select %ge3A_698, %masked_sort3A_685, %masked_sort3A_697 : vector<16xi1>, vector<16xi32>
      %masked_sort3A_701 = arith.constant dense<true> : vector<16xi1>
      %masked_sort3A_702, %masked_sort3A_703, %masked_sort3A_704 = tpu.sort %select_n3A_699, %select_n3A_700 masked %masked_sort3A_701 : (vector<16xf32>, vector<16xi32>, vector<16xi1>) -> (vector<16xi1>, vector<16xf32>, vector<16xi32>)
      %get3A_705 = arith.constant 37 : i32
      %get3A_706 = arith.index_cast %get3A_705 : i32 to index
      %get3A_707 = arith.index_cast %add3A : i32 to index
      %get3A_708 = arith.constant 0 : index
      %get3A_709 = tpu.vector_load %arg6[%get3A_706, %get3A_707, %get3A_708] {strides = array<i32>} : memref<49x8x16xf32, #tpu.memory_space<vmem>>, vector<16xf32>,
      %add3A_710 = arith.constant 592 : i32
      %add3A_711 = vector.broadcast %add3A_710 : i32 to vector<16xi32>
      %add3A_712 = arith.addi %add3A_711, %iota3A : vector<16xi32>
      %masked_sort3A_713 = arith.constant dense<true> : vector<16xi1>
      %masked_sort3A_714, %masked_sort3A_715, %masked_sort3A_716 = tpu.sort %get3A_709, %add3A_712 masked %masked_sort3A_713 {descending = true} : (vector<16xf32>, vector<16xi32>, vector<16xi1>) -> (vector<16xi1>, vector<16xf32>, vector<16xi32>)
      %ge3A_717 = arith.cmpf oge, %masked_sort3A_703, %masked_sort3A_715 : vector<16xf32>
      %select_n3A_718 = arith.select %ge3A_717, %masked_sort3A_703, %masked_sort3A_715 : vector<16xi1>, vector<16xf32>
      %select_n3A_719 = arith.select %ge3A_717, %masked_sort3A_704, %masked_sort3A_716 : vector<16xi1>, vector<16xi32>
      %masked_sort3A_720 = arith.constant dense<true> : vector<16xi1>
      %masked_sort3A_721, %masked_sort3A_722, %masked_sort3A_723 = tpu.sort %select_n3A_718, %select_n3A_719 masked %masked_sort3A_720 : (vector<16xf32>, vector<16xi32>, vector<16xi1>) -> (vector<16xi1>, vector<16xf32>, vector<16xi32>)
      %get3A_724 = arith.constant 38 : i32
      %get3A_725 = arith.index_cast %get3A_724 : i32 to index
      %get3A_726 = arith.index_cast %add3A : i32 to index
      %get3A_727 = arith.constant 0 : index
      %get3A_728 = tpu.vector_load %arg6[%get3A_725, %get3A_726, %get3A_727] {strides = array<i32>} : memref<49x8x16xf32, #tpu.memory_space<vmem>>, vector<16xf32>,
      %add3A_729 = arith.constant 608 : i32
      %add3A_730 = vector.broadcast %add3A_729 : i32 to vector<16xi32>
      %add3A_731 = arith.addi %add3A_730, %iota3A : vector<16xi32>
      %masked_sort3A_732 = arith.constant dense<true> : vector<16xi1>
      %masked_sort3A_733, %masked_sort3A_734, %masked_sort3A_735 = tpu.sort %get3A_728, %add3A_731 masked %masked_sort3A_732 {descending = true} : (vector<16xf32>, vector<16xi32>, vector<16xi1>) -> (vector<16xi1>, vector<16xf32>, vector<16xi32>)
      %ge3A_736 = arith.cmpf oge, %masked_sort3A_722, %masked_sort3A_734 : vector<16xf32>
      %select_n3A_737 = arith.select %ge3A_736, %masked_sort3A_722, %masked_sort3A_734 : vector<16xi1>, vector<16xf32>
      %select_n3A_738 = arith.select %ge3A_736, %masked_sort3A_723, %masked_sort3A_735 : vector<16xi1>, vector<16xi32>
      %masked_sort3A_739 = arith.constant dense<true> : vector<16xi1>
      %masked_sort3A_740, %masked_sort3A_741, %masked_sort3A_742 = tpu.sort %select_n3A_737, %select_n3A_738 masked %masked_sort3A_739 : (vector<16xf32>, vector<16xi32>, vector<16xi1>) -> (vector<16xi1>, vector<16xf32>, vector<16xi32>)
      %get3A_743 = arith.constant 39 : i32
      %get3A_744 = arith.index_cast %get3A_743 : i32 to index
      %get3A_745 = arith.index_cast %add3A : i32 to index
      %get3A_746 = arith.constant 0 : index
      %get3A_747 = tpu.vector_load %arg6[%get3A_744, %get3A_745, %get3A_746] {strides = array<i32>} : memref<49x8x16xf32, #tpu.memory_space<vmem>>, vector<16xf32>,
      %add3A_748 = arith.constant 624 : i32
      %add3A_749 = vector.broadcast %add3A_748 : i32 to vector<16xi32>
      %add3A_750 = arith.addi %add3A_749, %iota3A : vector<16xi32>
      %masked_sort3A_751 = arith.constant dense<true> : vector<16xi1>
      %masked_sort3A_752, %masked_sort3A_753, %masked_sort3A_754 = tpu.sort %get3A_747, %add3A_750 masked %masked_sort3A_751 {descending = true} : (vector<16xf32>, vector<16xi32>, vector<16xi1>) -> (vector<16xi1>, vector<16xf32>, vector<16xi32>)
      %ge3A_755 = arith.cmpf oge, %masked_sort3A_741, %masked_sort3A_753 : vector<16xf32>
      %select_n3A_756 = arith.select %ge3A_755, %masked_sort3A_741, %masked_sort3A_753 : vector<16xi1>, vector<16xf32>
      %select_n3A_757 = arith.select %ge3A_755, %masked_sort3A_742, %masked_sort3A_754 : vector<16xi1>, vector<16xi32>
      %masked_sort3A_758 = arith.constant dense<true> : vector<16xi1>
      %masked_sort3A_759, %masked_sort3A_760, %masked_sort3A_761 = tpu.sort %select_n3A_756, %select_n3A_757 masked %masked_sort3A_758 : (vector<16xf32>, vector<16xi32>, vector<16xi1>) -> (vector<16xi1>, vector<16xf32>, vector<16xi32>)
      %get3A_762 = arith.constant 40 : i32
      %get3A_763 = arith.index_cast %get3A_762 : i32 to index
      %get3A_764 = arith.index_cast %add3A : i32 to index
      %get3A_765 = arith.constant 0 : index
      %get3A_766 = tpu.vector_load %arg6[%get3A_763, %get3A_764, %get3A_765] {strides = array<i32>} : memref<49x8x16xf32, #tpu.memory_space<vmem>>, vector<16xf32>,
      %add3A_767 = arith.constant 640 : i32
      %add3A_768 = vector.broadcast %add3A_767 : i32 to vector<16xi32>
      %add3A_769 = arith.addi %add3A_768, %iota3A : vector<16xi32>
      %masked_sort3A_770 = arith.constant dense<true> : vector<16xi1>
      %masked_sort3A_771, %masked_sort3A_772, %masked_sort3A_773 = tpu.sort %get3A_766, %add3A_769 masked %masked_sort3A_770 {descending = true} : (vector<16xf32>, vector<16xi32>, vector<16xi1>) -> (vector<16xi1>, vector<16xf32>, vector<16xi32>)
      %ge3A_774 = arith.cmpf oge, %masked_sort3A_760, %masked_sort3A_772 : vector<16xf32>
      %select_n3A_775 = arith.select %ge3A_774, %masked_sort3A_760, %masked_sort3A_772 : vector<16xi1>, vector<16xf32>
      %select_n3A_776 = arith.select %ge3A_774, %masked_sort3A_761, %masked_sort3A_773 : vector<16xi1>, vector<16xi32>
      %masked_sort3A_777 = arith.constant dense<true> : vector<16xi1>
      %masked_sort3A_778, %masked_sort3A_779, %masked_sort3A_780 = tpu.sort %select_n3A_775, %select_n3A_776 masked %masked_sort3A_777 : (vector<16xf32>, vector<16xi32>, vector<16xi1>) -> (vector<16xi1>, vector<16xf32>, vector<16xi32>)
      %get3A_781 = arith.constant 41 : i32
      %get3A_782 = arith.index_cast %get3A_781 : i32 to index
      %get3A_783 = arith.index_cast %add3A : i32 to index
      %get3A_784 = arith.constant 0 : index
      %get3A_785 = tpu.vector_load %arg6[%get3A_782, %get3A_783, %get3A_784] {strides = array<i32>} : memref<49x8x16xf32, #tpu.memory_space<vmem>>, vector<16xf32>,
      %add3A_786 = arith.constant 656 : i32
      %add3A_787 = vector.broadcast %add3A_786 : i32 to vector<16xi32>
      %add3A_788 = arith.addi %add3A_787, %iota3A : vector<16xi32>
      %masked_sort3A_789 = arith.constant dense<true> : vector<16xi1>
      %masked_sort3A_790, %masked_sort3A_791, %masked_sort3A_792 = tpu.sort %get3A_785, %add3A_788 masked %masked_sort3A_789 {descending = true} : (vector<16xf32>, vector<16xi32>, vector<16xi1>) -> (vector<16xi1>, vector<16xf32>, vector<16xi32>)
      %ge3A_793 = arith.cmpf oge, %masked_sort3A_779, %masked_sort3A_791 : vector<16xf32>
      %select_n3A_794 = arith.select %ge3A_793, %masked_sort3A_779, %masked_sort3A_791 : vector<16xi1>, vector<16xf32>
      %select_n3A_795 = arith.select %ge3A_793, %masked_sort3A_780, %masked_sort3A_792 : vector<16xi1>, vector<16xi32>
      %masked_sort3A_796 = arith.constant dense<true> : vector<16xi1>
      %masked_sort3A_797, %masked_sort3A_798, %masked_sort3A_799 = tpu.sort %select_n3A_794, %select_n3A_795 masked %masked_sort3A_796 : (vector<16xf32>, vector<16xi32>, vector<16xi1>) -> (vector<16xi1>, vector<16xf32>, vector<16xi32>)
      %get3A_800 = arith.constant 42 : i32
      %get3A_801 = arith.index_cast %get3A_800 : i32 to index
      %get3A_802 = arith.index_cast %add3A : i32 to index
      %get3A_803 = arith.constant 0 : index
      %get3A_804 = tpu.vector_load %arg6[%get3A_801, %get3A_802, %get3A_803] {strides = array<i32>} : memref<49x8x16xf32, #tpu.memory_space<vmem>>, vector<16xf32>,
      %add3A_805 = arith.constant 672 : i32
      %add3A_806 = vector.broadcast %add3A_805 : i32 to vector<16xi32>
      %add3A_807 = arith.addi %add3A_806, %iota3A : vector<16xi32>
      %masked_sort3A_808 = arith.constant dense<true> : vector<16xi1>
      %masked_sort3A_809, %masked_sort3A_810, %masked_sort3A_811 = tpu.sort %get3A_804, %add3A_807 masked %masked_sort3A_808 {descending = true} : (vector<16xf32>, vector<16xi32>, vector<16xi1>) -> (vector<16xi1>, vector<16xf32>, vector<16xi32>)
      %ge3A_812 = arith.cmpf oge, %masked_sort3A_798, %masked_sort3A_810 : vector<16xf32>
      %select_n3A_813 = arith.select %ge3A_812, %masked_sort3A_798, %masked_sort3A_810 : vector<16xi1>, vector<16xf32>
      %select_n3A_814 = arith.select %ge3A_812, %masked_sort3A_799, %masked_sort3A_811 : vector<16xi1>, vector<16xi32>
      %masked_sort3A_815 = arith.constant dense<true> : vector<16xi1>
      %masked_sort3A_816, %masked_sort3A_817, %masked_sort3A_818 = tpu.sort %select_n3A_813, %select_n3A_814 masked %masked_sort3A_815 : (vector<16xf32>, vector<16xi32>, vector<16xi1>) -> (vector<16xi1>, vector<16xf32>, vector<16xi32>)
      %get3A_819 = arith.constant 43 : i32
      %get3A_820 = arith.index_cast %get3A_819 : i32 to index
      %get3A_821 = arith.index_cast %add3A : i32 to index
      %get3A_822 = arith.constant 0 : index
      %get3A_823 = tpu.vector_load %arg6[%get3A_820, %get3A_821, %get3A_822] {strides = array<i32>} : memref<49x8x16xf32, #tpu.memory_space<vmem>>, vector<16xf32>,
      %add3A_824 = arith.constant 688 : i32
      %add3A_825 = vector.broadcast %add3A_824 : i32 to vector<16xi32>
      %add3A_826 = arith.addi %add3A_825, %iota3A : vector<16xi32>
      %masked_sort3A_827 = arith.constant dense<true> : vector<16xi1>
      %masked_sort3A_828, %masked_sort3A_829, %masked_sort3A_830 = tpu.sort %get3A_823, %add3A_826 masked %masked_sort3A_827 {descending = true} : (vector<16xf32>, vector<16xi32>, vector<16xi1>) -> (vector<16xi1>, vector<16xf32>, vector<16xi32>)
      %ge3A_831 = arith.cmpf oge, %masked_sort3A_817, %masked_sort3A_829 : vector<16xf32>
      %select_n3A_832 = arith.select %ge3A_831, %masked_sort3A_817, %masked_sort3A_829 : vector<16xi1>, vector<16xf32>
      %select_n3A_833 = arith.select %ge3A_831, %masked_sort3A_818, %masked_sort3A_830 : vector<16xi1>, vector<16xi32>
      %masked_sort3A_834 = arith.constant dense<true> : vector<16xi1>
      %masked_sort3A_835, %masked_sort3A_836, %masked_sort3A_837 = tpu.sort %select_n3A_832, %select_n3A_833 masked %masked_sort3A_834 : (vector<16xf32>, vector<16xi32>, vector<16xi1>) -> (vector<16xi1>, vector<16xf32>, vector<16xi32>)
      %get3A_838 = arith.constant 44 : i32
      %get3A_839 = arith.index_cast %get3A_838 : i32 to index
      %get3A_840 = arith.index_cast %add3A : i32 to index
      %get3A_841 = arith.constant 0 : index
      %get3A_842 = tpu.vector_load %arg6[%get3A_839, %get3A_840, %get3A_841] {strides = array<i32>} : memref<49x8x16xf32, #tpu.memory_space<vmem>>, vector<16xf32>,
      %add3A_843 = arith.constant 704 : i32
      %add3A_844 = vector.broadcast %add3A_843 : i32 to vector<16xi32>
      %add3A_845 = arith.addi %add3A_844, %iota3A : vector<16xi32>
      %masked_sort3A_846 = arith.constant dense<true> : vector<16xi1>
      %masked_sort3A_847, %masked_sort3A_848, %masked_sort3A_849 = tpu.sort %get3A_842, %add3A_845 masked %masked_sort3A_846 {descending = true} : (vector<16xf32>, vector<16xi32>, vector<16xi1>) -> (vector<16xi1>, vector<16xf32>, vector<16xi32>)
      %ge3A_850 = arith.cmpf oge, %masked_sort3A_836, %masked_sort3A_848 : vector<16xf32>
      %select_n3A_851 = arith.select %ge3A_850, %masked_sort3A_836, %masked_sort3A_848 : vector<16xi1>, vector<16xf32>
      %select_n3A_852 = arith.select %ge3A_850, %masked_sort3A_837, %masked_sort3A_849 : vector<16xi1>, vector<16xi32>
      %masked_sort3A_853 = arith.constant dense<true> : vector<16xi1>
      %masked_sort3A_854, %masked_sort3A_855, %masked_sort3A_856 = tpu.sort %select_n3A_851, %select_n3A_852 masked %masked_sort3A_853 : (vector<16xf32>, vector<16xi32>, vector<16xi1>) -> (vector<16xi1>, vector<16xf32>, vector<16xi32>)
      %get3A_857 = arith.constant 45 : i32
      %get3A_858 = arith.index_cast %get3A_857 : i32 to index
      %get3A_859 = arith.index_cast %add3A : i32 to index
      %get3A_860 = arith.constant 0 : index
      %get3A_861 = tpu.vector_load %arg6[%get3A_858, %get3A_859, %get3A_860] {strides = array<i32>} : memref<49x8x16xf32, #tpu.memory_space<vmem>>, vector<16xf32>,
      %add3A_862 = arith.constant 720 : i32
      %add3A_863 = vector.broadcast %add3A_862 : i32 to vector<16xi32>
      %add3A_864 = arith.addi %add3A_863, %iota3A : vector<16xi32>
      %masked_sort3A_865 = arith.constant dense<true> : vector<16xi1>
      %masked_sort3A_866, %masked_sort3A_867, %masked_sort3A_868 = tpu.sort %get3A_861, %add3A_864 masked %masked_sort3A_865 {descending = true} : (vector<16xf32>, vector<16xi32>, vector<16xi1>) -> (vector<16xi1>, vector<16xf32>, vector<16xi32>)
      %ge3A_869 = arith.cmpf oge, %masked_sort3A_855, %masked_sort3A_867 : vector<16xf32>
      %select_n3A_870 = arith.select %ge3A_869, %masked_sort3A_855, %masked_sort3A_867 : vector<16xi1>, vector<16xf32>
      %select_n3A_871 = arith.select %ge3A_869, %masked_sort3A_856, %masked_sort3A_868 : vector<16xi1>, vector<16xi32>
      %masked_sort3A_872 = arith.constant dense<true> : vector<16xi1>
      %masked_sort3A_873, %masked_sort3A_874, %masked_sort3A_875 = tpu.sort %select_n3A_870, %select_n3A_871 masked %masked_sort3A_872 : (vector<16xf32>, vector<16xi32>, vector<16xi1>) -> (vector<16xi1>, vector<16xf32>, vector<16xi32>)
      %get3A_876 = arith.constant 46 : i32
      %get3A_877 = arith.index_cast %get3A_876 : i32 to index
      %get3A_878 = arith.index_cast %add3A : i32 to index
      %get3A_879 = arith.constant 0 : index
      %get3A_880 = tpu.vector_load %arg6[%get3A_877, %get3A_878, %get3A_879] {strides = array<i32>} : memref<49x8x16xf32, #tpu.memory_space<vmem>>, vector<16xf32>,
      %add3A_881 = arith.constant 736 : i32
      %add3A_882 = vector.broadcast %add3A_881 : i32 to vector<16xi32>
      %add3A_883 = arith.addi %add3A_882, %iota3A : vector<16xi32>
      %masked_sort3A_884 = arith.constant dense<true> : vector<16xi1>
      %masked_sort3A_885, %masked_sort3A_886, %masked_sort3A_887 = tpu.sort %get3A_880, %add3A_883 masked %masked_sort3A_884 {descending = true} : (vector<16xf32>, vector<16xi32>, vector<16xi1>) -> (vector<16xi1>, vector<16xf32>, vector<16xi32>)
      %ge3A_888 = arith.cmpf oge, %masked_sort3A_874, %masked_sort3A_886 : vector<16xf32>
      %select_n3A_889 = arith.select %ge3A_888, %masked_sort3A_874, %masked_sort3A_886 : vector<16xi1>, vector<16xf32>
      %select_n3A_890 = arith.select %ge3A_888, %masked_sort3A_875, %masked_sort3A_887 : vector<16xi1>, vector<16xi32>
      %masked_sort3A_891 = arith.constant dense<true> : vector<16xi1>
      %masked_sort3A_892, %masked_sort3A_893, %masked_sort3A_894 = tpu.sort %select_n3A_889, %select_n3A_890 masked %masked_sort3A_891 : (vector<16xf32>, vector<16xi32>, vector<16xi1>) -> (vector<16xi1>, vector<16xf32>, vector<16xi32>)
      %get3A_895 = arith.constant 47 : i32
      %get3A_896 = arith.index_cast %get3A_895 : i32 to index
      %get3A_897 = arith.index_cast %add3A : i32 to index
      %get3A_898 = arith.constant 0 : index
      %get3A_899 = tpu.vector_load %arg6[%get3A_896, %get3A_897, %get3A_898] {strides = array<i32>} : memref<49x8x16xf32, #tpu.memory_space<vmem>>, vector<16xf32>,
      %add3A_900 = arith.constant 752 : i32
      %add3A_901 = vector.broadcast %add3A_900 : i32 to vector<16xi32>
      %add3A_902 = arith.addi %add3A_901, %iota3A : vector<16xi32>
      %masked_sort3A_903 = arith.constant dense<true> : vector<16xi1>
      %masked_sort3A_904, %masked_sort3A_905, %masked_sort3A_906 = tpu.sort %get3A_899, %add3A_902 masked %masked_sort3A_903 {descending = true} : (vector<16xf32>, vector<16xi32>, vector<16xi1>) -> (vector<16xi1>, vector<16xf32>, vector<16xi32>)
      %ge3A_907 = arith.cmpf oge, %masked_sort3A_893, %masked_sort3A_905 : vector<16xf32>
      %select_n3A_908 = arith.select %ge3A_907, %masked_sort3A_893, %masked_sort3A_905 : vector<16xi1>, vector<16xf32>
      %select_n3A_909 = arith.select %ge3A_907, %masked_sort3A_894, %masked_sort3A_906 : vector<16xi1>, vector<16xi32>
      %masked_sort3A_910 = arith.constant dense<true> : vector<16xi1>
      %masked_sort3A_911, %masked_sort3A_912, %masked_sort3A_913 = tpu.sort %select_n3A_908, %select_n3A_909 masked %masked_sort3A_910 : (vector<16xf32>, vector<16xi32>, vector<16xi1>) -> (vector<16xi1>, vector<16xf32>, vector<16xi32>)
      %get3A_914 = arith.constant 48 : i32
      %get3A_915 = arith.index_cast %get3A_914 : i32 to index
      %get3A_916 = arith.index_cast %add3A : i32 to index
      %get3A_917 = arith.constant 0 : index
      %get3A_918 = tpu.vector_load %arg6[%get3A_915, %get3A_916, %get3A_917] {strides = array<i32>} : memref<49x8x16xf32, #tpu.memory_space<vmem>>, vector<16xf32>,
      %add3A_919 = arith.constant 768 : i32
      %add3A_920 = vector.broadcast %add3A_919 : i32 to vector<16xi32>
      %add3A_921 = arith.addi %add3A_920, %iota3A : vector<16xi32>
      %masked_sort3A_922 = arith.constant dense<true> : vector<16xi1>
      %masked_sort3A_923, %masked_sort3A_924, %masked_sort3A_925 = tpu.sort %get3A_918, %add3A_921 masked %masked_sort3A_922 {descending = true} : (vector<16xf32>, vector<16xi32>, vector<16xi1>) -> (vector<16xi1>, vector<16xf32>, vector<16xi32>)
      %ge3A_926 = arith.cmpf oge, %masked_sort3A_912, %masked_sort3A_924 : vector<16xf32>
      %select_n3A_927 = arith.select %ge3A_926, %masked_sort3A_912, %masked_sort3A_924 : vector<16xi1>, vector<16xf32>
      %select_n3A_928 = arith.select %ge3A_926, %masked_sort3A_913, %masked_sort3A_925 : vector<16xi1>, vector<16xi32>
      %masked_sort3A_929 = arith.constant dense<true> : vector<16xi1>
      %masked_sort3A_930, %masked_sort3A_931, %masked_sort3A_932 = tpu.sort %select_n3A_927, %select_n3A_928 masked %masked_sort3A_929 : (vector<16xf32>, vector<16xi32>, vector<16xi1>) -> (vector<16xi1>, vector<16xf32>, vector<16xi32>)
      %mul3A_933 = arith.constant 784 : i32
      %mul3A_934 = arith.muli %add3A, %mul3A_933 : i32
      %add3A_935 = vector.broadcast %mul3A_934 : i32 to vector<16xi32>
      %add3A_936 = arith.addi %add3A_935, %masked_sort3A_932 : vector<16xi32>
      %dma_start3A = arith.constant 0 : i32
      %dma_start3A_937 = arith.constant 0 : i32
      %dma_start3A_938 = tpu.memref_slice %arg2[%dma_start3A, %dma_start3A_937] : memref<6272x128xf32, #tpu.memory_space<hbm>> -> memref<6272x128xf32, #tpu.memory_space<hbm>>
      tpu.enqueue_indirect_dma source(%dma_start3A_938 : memref<6272x128xf32, #tpu.memory_space<hbm>>) target(%arg7 : memref<16x128xf32, #tpu.memory_space<vmem>>) offsets(%add3A_936 : vector<16xi32>) semaphore(%arg10 : memref<!tpu.dma_semaphore, #tpu.memory_space<semaphore_mem>>)
      %dma_wait3A = arith.constant 0 : i32
      %dma_wait3A_939 = arith.constant 0 : i32
      %dma_wait3A_940 = tpu.memref_slice %arg2[%dma_wait3A, %dma_wait3A_939] : memref<6272x128xf32, #tpu.memory_space<hbm>> -> memref<6272x128xf32, #tpu.memory_space<hbm>>
      tpu.wait_indirect_dma semaphore(%arg10 : memref<!tpu.dma_semaphore, #tpu.memory_space<semaphore_mem>>) src(%dma_wait3A_940 : memref<6272x128xf32, #tpu.memory_space<hbm>>) dst(%arg7 : memref<16x128xf32, #tpu.memory_space<vmem>>)
      %broadcast_in_dim3A_941 = arith.constant 0xFF800000 : f32
      %broadcast_in_dim3A_942 = vector.broadcast %broadcast_in_dim3A_941 : f32 to vector<16xf32>
      %broadcast_in_dim3A_943 = arith.constant 0 : i32
      %broadcast_in_dim3A_944 = vector.broadcast %broadcast_in_dim3A_943 : i32 to vector<16xi32>
      %slice3A = vector.extract_strided_slice %masked_sort3A_932 {offsets = [0], sizes = [1], strides = [1]} : vector<16xi32> to vector<1xi32>
      %squeeze3A = vector.extract %slice3A[0] : i32 from vector<1xi32>
      %mul3A_945 = arith.constant 128 : i32
      %mul3A_946 = arith.muli %squeeze3A, %mul3A_945 : i32
      %scan3A = arith.constant 0 : i32
      %scan3A_947 = arith.constant 8 : i32
      %scan3A_948 = arith.addi %scan3A, %scan3A_947 : i32
      %scan3A_949 = arith.constant 1 : i32
      %scan3A_950:2 = scf.for %scan3A_1167 = %scan3A to %scan3A_948 step %scan3A_949 iter_args(%scan3A_1168 = %broadcast_in_dim3A_942, %scan3A_1169 = %broadcast_in_dim3A_944) -> (vector<16xf32>, vector<16xi32>)  : i32 {
        %mul3A_1170 = arith.constant 16 : i32
        %mul3A_1171 = arith.muli %scan3A_1167, %mul3A_1170 : i32
        %get3A_1172 = arith.constant 0 : i32
        %get3A_1173 = arith.index_cast %get3A_1172 : i32 to index
        %get3A_1174 = arith.index_cast %mul3A_1171 : i32 to index
        %get3A_1175 = tpu.vector_load %arg7[%get3A_1173, %get3A_1174] {strides = array<i32>} : memref<16x128xf32, #tpu.memory_space<vmem>>, vector<16xf32>,
        %mul3A_1176 = arith.constant 16 : i32
        %mul3A_1177 = arith.muli %scan3A_1167, %mul3A_1176 : i32
        %add3A_1178 = arith.addi %mul3A_946, %mul3A_1177 : i32
        %add3A_1179 = vector.broadcast %add3A_1178 : i32 to vector<16xi32>
        %add3A_1180 = arith.addi %add3A_1179, %iota3A : vector<16xi32>
        %masked_sort3A_1181 = arith.constant dense<true> : vector<16xi1>
        %masked_sort3A_1182, %masked_sort3A_1183, %masked_sort3A_1184 = tpu.sort %get3A_1175, %add3A_1180 masked %masked_sort3A_1181 {descending = true} : (vector<16xf32>, vector<16xi32>, vector<16xi1>) -> (vector<16xi1>, vector<16xf32>, vector<16xi32>)
        %ge3A_1185 = arith.cmpf oge, %scan3A_1168, %masked_sort3A_1183 : vector<16xf32>
        %select_n3A_1186 = arith.select %ge3A_1185, %scan3A_1168, %masked_sort3A_1183 : vector<16xi1>, vector<16xf32>
        %select_n3A_1187 = arith.select %ge3A_1185, %scan3A_1169, %masked_sort3A_1184 : vector<16xi1>, vector<16xi32>
        %masked_sort3A_1188 = arith.constant dense<true> : vector<16xi1>
        %masked_sort3A_1189, %masked_sort3A_1190, %masked_sort3A_1191 = tpu.sort %select_n3A_1186, %select_n3A_1187 masked %masked_sort3A_1188 : (vector<16xf32>, vector<16xi32>, vector<16xi1>) -> (vector<16xi1>, vector<16xf32>, vector<16xi32>)
        scf.yield %masked_sort3A_1190, %masked_sort3A_1191 : vector<16xf32>, vector<16xi32>
      }
      %scan3A_951 = arith.constant 8 : i32
      %slice3A_952 = vector.extract_strided_slice %masked_sort3A_932 {offsets = [1], sizes = [1], strides = [1]} : vector<16xi32> to vector<1xi32>
      %squeeze3A_953 = vector.extract %slice3A_952[0] : i32 from vector<1xi32>
      %mul3A_954 = arith.constant 128 : i32
      %mul3A_955 = arith.muli %squeeze3A_953, %mul3A_954 : i32
      %scan3A_956 = arith.constant 0 : i32
      %scan3A_957 = arith.constant 8 : i32
      %scan3A_958 = arith.addi %scan3A_956, %scan3A_957 : i32
      %scan3A_959 = arith.constant 1 : i32
      %scan3A_960:2 = scf.for %scan3A_1167 = %scan3A_956 to %scan3A_958 step %scan3A_959 iter_args(%scan3A_1168 = %scan3A_950#0, %scan3A_1169 = %scan3A_950#1) -> (vector<16xf32>, vector<16xi32>)  : i32 {
        %mul3A_1170 = arith.constant 16 : i32
        %mul3A_1171 = arith.muli %scan3A_1167, %mul3A_1170 : i32
        %get3A_1172 = arith.constant 1 : i32
        %get3A_1173 = arith.index_cast %get3A_1172 : i32 to index
        %get3A_1174 = arith.index_cast %mul3A_1171 : i32 to index
        %get3A_1175 = tpu.vector_load %arg7[%get3A_1173, %get3A_1174] {strides = array<i32>} : memref<16x128xf32, #tpu.memory_space<vmem>>, vector<16xf32>,
        %mul3A_1176 = arith.constant 16 : i32
        %mul3A_1177 = arith.muli %scan3A_1167, %mul3A_1176 : i32
        %add3A_1178 = arith.addi %mul3A_955, %mul3A_1177 : i32
        %add3A_1179 = vector.broadcast %add3A_1178 : i32 to vector<16xi32>
        %add3A_1180 = arith.addi %add3A_1179, %iota3A : vector<16xi32>
        %masked_sort3A_1181 = arith.constant dense<true> : vector<16xi1>
        %masked_sort3A_1182, %masked_sort3A_1183, %masked_sort3A_1184 = tpu.sort %get3A_1175, %add3A_1180 masked %masked_sort3A_1181 {descending = true} : (vector<16xf32>, vector<16xi32>, vector<16xi1>) -> (vector<16xi1>, vector<16xf32>, vector<16xi32>)
        %ge3A_1185 = arith.cmpf oge, %scan3A_1168, %masked_sort3A_1183 : vector<16xf32>
        %select_n3A_1186 = arith.select %ge3A_1185, %scan3A_1168, %masked_sort3A_1183 : vector<16xi1>, vector<16xf32>
        %select_n3A_1187 = arith.select %ge3A_1185, %scan3A_1169, %masked_sort3A_1184 : vector<16xi1>, vector<16xi32>
        %masked_sort3A_1188 = arith.constant dense<true> : vector<16xi1>
        %masked_sort3A_1189, %masked_sort3A_1190, %masked_sort3A_1191 = tpu.sort %select_n3A_1186, %select_n3A_1187 masked %masked_sort3A_1188 : (vector<16xf32>, vector<16xi32>, vector<16xi1>) -> (vector<16xi1>, vector<16xf32>, vector<16xi32>)
        scf.yield %masked_sort3A_1190, %masked_sort3A_1191 : vector<16xf32>, vector<16xi32>
      }
      %scan3A_961 = arith.constant 8 : i32
      %slice3A_962 = vector.extract_strided_slice %masked_sort3A_932 {offsets = [2], sizes = [1], strides = [1]} : vector<16xi32> to vector<1xi32>
      %squeeze3A_963 = vector.extract %slice3A_962[0] : i32 from vector<1xi32>
      %mul3A_964 = arith.constant 128 : i32
      %mul3A_965 = arith.muli %squeeze3A_963, %mul3A_964 : i32
      %scan3A_966 = arith.constant 0 : i32
      %scan3A_967 = arith.constant 8 : i32
      %scan3A_968 = arith.addi %scan3A_966, %scan3A_967 : i32
      %scan3A_969 = arith.constant 1 : i32
      %scan3A_970:2 = scf.for %scan3A_1167 = %scan3A_966 to %scan3A_968 step %scan3A_969 iter_args(%scan3A_1168 = %scan3A_960#0, %scan3A_1169 = %scan3A_960#1) -> (vector<16xf32>, vector<16xi32>)  : i32 {
        %mul3A_1170 = arith.constant 16 : i32
        %mul3A_1171 = arith.muli %scan3A_1167, %mul3A_1170 : i32
        %get3A_1172 = arith.constant 2 : i32
        %get3A_1173 = arith.index_cast %get3A_1172 : i32 to index
        %get3A_1174 = arith.index_cast %mul3A_1171 : i32 to index
        %get3A_1175 = tpu.vector_load %arg7[%get3A_1173, %get3A_1174] {strides = array<i32>} : memref<16x128xf32, #tpu.memory_space<vmem>>, vector<16xf32>,
        %mul3A_1176 = arith.constant 16 : i32
        %mul3A_1177 = arith.muli %scan3A_1167, %mul3A_1176 : i32
        %add3A_1178 = arith.addi %mul3A_965, %mul3A_1177 : i32
        %add3A_1179 = vector.broadcast %add3A_1178 : i32 to vector<16xi32>
        %add3A_1180 = arith.addi %add3A_1179, %iota3A : vector<16xi32>
        %masked_sort3A_1181 = arith.constant dense<true> : vector<16xi1>
        %masked_sort3A_1182, %masked_sort3A_1183, %masked_sort3A_1184 = tpu.sort %get3A_1175, %add3A_1180 masked %masked_sort3A_1181 {descending = true} : (vector<16xf32>, vector<16xi32>, vector<16xi1>) -> (vector<16xi1>, vector<16xf32>, vector<16xi32>)
        %ge3A_1185 = arith.cmpf oge, %scan3A_1168, %masked_sort3A_1183 : vector<16xf32>
        %select_n3A_1186 = arith.select %ge3A_1185, %scan3A_1168, %masked_sort3A_1183 : vector<16xi1>, vector<16xf32>
        %select_n3A_1187 = arith.select %ge3A_1185, %scan3A_1169, %masked_sort3A_1184 : vector<16xi1>, vector<16xi32>
        %masked_sort3A_1188 = arith.constant dense<true> : vector<16xi1>
        %masked_sort3A_1189, %masked_sort3A_1190, %masked_sort3A_1191 = tpu.sort %select_n3A_1186, %select_n3A_1187 masked %masked_sort3A_1188 : (vector<16xf32>, vector<16xi32>, vector<16xi1>) -> (vector<16xi1>, vector<16xf32>, vector<16xi32>)
        scf.yield %masked_sort3A_1190, %masked_sort3A_1191 : vector<16xf32>, vector<16xi32>
      }
      %scan3A_971 = arith.constant 8 : i32
      %slice3A_972 = vector.extract_strided_slice %masked_sort3A_932 {offsets = [3], sizes = [1], strides = [1]} : vector<16xi32> to vector<1xi32>
      %squeeze3A_973 = vector.extract %slice3A_972[0] : i32 from vector<1xi32>
      %mul3A_974 = arith.constant 128 : i32
      %mul3A_975 = arith.muli %squeeze3A_973, %mul3A_974 : i32
      %scan3A_976 = arith.constant 0 : i32
      %scan3A_977 = arith.constant 8 : i32
      %scan3A_978 = arith.addi %scan3A_976, %scan3A_977 : i32
      %scan3A_979 = arith.constant 1 : i32
      %scan3A_980:2 = scf.for %scan3A_1167 = %scan3A_976 to %scan3A_978 step %scan3A_979 iter_args(%scan3A_1168 = %scan3A_970#0, %scan3A_1169 = %scan3A_970#1) -> (vector<16xf32>, vector<16xi32>)  : i32 {
        %mul3A_1170 = arith.constant 16 : i32
        %mul3A_1171 = arith.muli %scan3A_1167, %mul3A_1170 : i32
        %get3A_1172 = arith.constant 3 : i32
        %get3A_1173 = arith.index_cast %get3A_1172 : i32 to index
        %get3A_1174 = arith.index_cast %mul3A_1171 : i32 to index
        %get3A_1175 = tpu.vector_load %arg7[%get3A_1173, %get3A_1174] {strides = array<i32>} : memref<16x128xf32, #tpu.memory_space<vmem>>, vector<16xf32>,
        %mul3A_1176 = arith.constant 16 : i32
        %mul3A_1177 = arith.muli %scan3A_1167, %mul3A_1176 : i32
        %add3A_1178 = arith.addi %mul3A_975, %mul3A_1177 : i32
        %add3A_1179 = vector.broadcast %add3A_1178 : i32 to vector<16xi32>
        %add3A_1180 = arith.addi %add3A_1179, %iota3A : vector<16xi32>
        %masked_sort3A_1181 = arith.constant dense<true> : vector<16xi1>
        %masked_sort3A_1182, %masked_sort3A_1183, %masked_sort3A_1184 = tpu.sort %get3A_1175, %add3A_1180 masked %masked_sort3A_1181 {descending = true} : (vector<16xf32>, vector<16xi32>, vector<16xi1>) -> (vector<16xi1>, vector<16xf32>, vector<16xi32>)
        %ge3A_1185 = arith.cmpf oge, %scan3A_1168, %masked_sort3A_1183 : vector<16xf32>
        %select_n3A_1186 = arith.select %ge3A_1185, %scan3A_1168, %masked_sort3A_1183 : vector<16xi1>, vector<16xf32>
        %select_n3A_1187 = arith.select %ge3A_1185, %scan3A_1169, %masked_sort3A_1184 : vector<16xi1>, vector<16xi32>
        %masked_sort3A_1188 = arith.constant dense<true> : vector<16xi1>
        %masked_sort3A_1189, %masked_sort3A_1190, %masked_sort3A_1191 = tpu.sort %select_n3A_1186, %select_n3A_1187 masked %masked_sort3A_1188 : (vector<16xf32>, vector<16xi32>, vector<16xi1>) -> (vector<16xi1>, vector<16xf32>, vector<16xi32>)
        scf.yield %masked_sort3A_1190, %masked_sort3A_1191 : vector<16xf32>, vector<16xi32>
      }
      %scan3A_981 = arith.constant 8 : i32
      %slice3A_982 = vector.extract_strided_slice %masked_sort3A_932 {offsets = [4], sizes = [1], strides = [1]} : vector<16xi32> to vector<1xi32>
      %squeeze3A_983 = vector.extract %slice3A_982[0] : i32 from vector<1xi32>
      %mul3A_984 = arith.constant 128 : i32
      %mul3A_985 = arith.muli %squeeze3A_983, %mul3A_984 : i32
      %scan3A_986 = arith.constant 0 : i32
      %scan3A_987 = arith.constant 8 : i32
      %scan3A_988 = arith.addi %scan3A_986, %scan3A_987 : i32
      %scan3A_989 = arith.constant 1 : i32
      %scan3A_990:2 = scf.for %scan3A_1167 = %scan3A_986 to %scan3A_988 step %scan3A_989 iter_args(%scan3A_1168 = %scan3A_980#0, %scan3A_1169 = %scan3A_980#1) -> (vector<16xf32>, vector<16xi32>)  : i32 {
        %mul3A_1170 = arith.constant 16 : i32
        %mul3A_1171 = arith.muli %scan3A_1167, %mul3A_1170 : i32
        %get3A_1172 = arith.constant 4 : i32
        %get3A_1173 = arith.index_cast %get3A_1172 : i32 to index
        %get3A_1174 = arith.index_cast %mul3A_1171 : i32 to index
        %get3A_1175 = tpu.vector_load %arg7[%get3A_1173, %get3A_1174] {strides = array<i32>} : memref<16x128xf32, #tpu.memory_space<vmem>>, vector<16xf32>,
        %mul3A_1176 = arith.constant 16 : i32
        %mul3A_1177 = arith.muli %scan3A_1167, %mul3A_1176 : i32
        %add3A_1178 = arith.addi %mul3A_985, %mul3A_1177 : i32
        %add3A_1179 = vector.broadcast %add3A_1178 : i32 to vector<16xi32>
        %add3A_1180 = arith.addi %add3A_1179, %iota3A : vector<16xi32>
        %masked_sort3A_1181 = arith.constant dense<true> : vector<16xi1>
        %masked_sort3A_1182, %masked_sort3A_1183, %masked_sort3A_1184 = tpu.sort %get3A_1175, %add3A_1180 masked %masked_sort3A_1181 {descending = true} : (vector<16xf32>, vector<16xi32>, vector<16xi1>) -> (vector<16xi1>, vector<16xf32>, vector<16xi32>)
        %ge3A_1185 = arith.cmpf oge, %scan3A_1168, %masked_sort3A_1183 : vector<16xf32>
        %select_n3A_1186 = arith.select %ge3A_1185, %scan3A_1168, %masked_sort3A_1183 : vector<16xi1>, vector<16xf32>
        %select_n3A_1187 = arith.select %ge3A_1185, %scan3A_1169, %masked_sort3A_1184 : vector<16xi1>, vector<16xi32>
        %masked_sort3A_1188 = arith.constant dense<true> : vector<16xi1>
        %masked_sort3A_1189, %masked_sort3A_1190, %masked_sort3A_1191 = tpu.sort %select_n3A_1186, %select_n3A_1187 masked %masked_sort3A_1188 : (vector<16xf32>, vector<16xi32>, vector<16xi1>) -> (vector<16xi1>, vector<16xf32>, vector<16xi32>)
        scf.yield %masked_sort3A_1190, %masked_sort3A_1191 : vector<16xf32>, vector<16xi32>
      }
      %scan3A_991 = arith.constant 8 : i32
      %slice3A_992 = vector.extract_strided_slice %masked_sort3A_932 {offsets = [5], sizes = [1], strides = [1]} : vector<16xi32> to vector<1xi32>
      %squeeze3A_993 = vector.extract %slice3A_992[0] : i32 from vector<1xi32>
      %mul3A_994 = arith.constant 128 : i32
      %mul3A_995 = arith.muli %squeeze3A_993, %mul3A_994 : i32
      %scan3A_996 = arith.constant 0 : i32
      %scan3A_997 = arith.constant 8 : i32
      %scan3A_998 = arith.addi %scan3A_996, %scan3A_997 : i32
      %scan3A_999 = arith.constant 1 : i32
      %scan3A_1000:2 = scf.for %scan3A_1167 = %scan3A_996 to %scan3A_998 step %scan3A_999 iter_args(%scan3A_1168 = %scan3A_990#0, %scan3A_1169 = %scan3A_990#1) -> (vector<16xf32>, vector<16xi32>)  : i32 {
        %mul3A_1170 = arith.constant 16 : i32
        %mul3A_1171 = arith.muli %scan3A_1167, %mul3A_1170 : i32
        %get3A_1172 = arith.constant 5 : i32
        %get3A_1173 = arith.index_cast %get3A_1172 : i32 to index
        %get3A_1174 = arith.index_cast %mul3A_1171 : i32 to index
        %get3A_1175 = tpu.vector_load %arg7[%get3A_1173, %get3A_1174] {strides = array<i32>} : memref<16x128xf32, #tpu.memory_space<vmem>>, vector<16xf32>,
        %mul3A_1176 = arith.constant 16 : i32
        %mul3A_1177 = arith.muli %scan3A_1167, %mul3A_1176 : i32
        %add3A_1178 = arith.addi %mul3A_995, %mul3A_1177 : i32
        %add3A_1179 = vector.broadcast %add3A_1178 : i32 to vector<16xi32>
        %add3A_1180 = arith.addi %add3A_1179, %iota3A : vector<16xi32>
        %masked_sort3A_1181 = arith.constant dense<true> : vector<16xi1>
        %masked_sort3A_1182, %masked_sort3A_1183, %masked_sort3A_1184 = tpu.sort %get3A_1175, %add3A_1180 masked %masked_sort3A_1181 {descending = true} : (vector<16xf32>, vector<16xi32>, vector<16xi1>) -> (vector<16xi1>, vector<16xf32>, vector<16xi32>)
        %ge3A_1185 = arith.cmpf oge, %scan3A_1168, %masked_sort3A_1183 : vector<16xf32>
        %select_n3A_1186 = arith.select %ge3A_1185, %scan3A_1168, %masked_sort3A_1183 : vector<16xi1>, vector<16xf32>
        %select_n3A_1187 = arith.select %ge3A_1185, %scan3A_1169, %masked_sort3A_1184 : vector<16xi1>, vector<16xi32>
        %masked_sort3A_1188 = arith.constant dense<true> : vector<16xi1>
        %masked_sort3A_1189, %masked_sort3A_1190, %masked_sort3A_1191 = tpu.sort %select_n3A_1186, %select_n3A_1187 masked %masked_sort3A_1188 : (vector<16xf32>, vector<16xi32>, vector<16xi1>) -> (vector<16xi1>, vector<16xf32>, vector<16xi32>)
        scf.yield %masked_sort3A_1190, %masked_sort3A_1191 : vector<16xf32>, vector<16xi32>
      }
      %scan3A_1001 = arith.constant 8 : i32
      %slice3A_1002 = vector.extract_strided_slice %masked_sort3A_932 {offsets = [6], sizes = [1], strides = [1]} : vector<16xi32> to vector<1xi32>
      %squeeze3A_1003 = vector.extract %slice3A_1002[0] : i32 from vector<1xi32>
      %mul3A_1004 = arith.constant 128 : i32
      %mul3A_1005 = arith.muli %squeeze3A_1003, %mul3A_1004 : i32
      %scan3A_1006 = arith.constant 0 : i32
      %scan3A_1007 = arith.constant 8 : i32
      %scan3A_1008 = arith.addi %scan3A_1006, %scan3A_1007 : i32
      %scan3A_1009 = arith.constant 1 : i32
      %scan3A_1010:2 = scf.for %scan3A_1167 = %scan3A_1006 to %scan3A_1008 step %scan3A_1009 iter_args(%scan3A_1168 = %scan3A_1000#0, %scan3A_1169 = %scan3A_1000#1) -> (vector<16xf32>, vector<16xi32>)  : i32 {
        %mul3A_1170 = arith.constant 16 : i32
        %mul3A_1171 = arith.muli %scan3A_1167, %mul3A_1170 : i32
        %get3A_1172 = arith.constant 6 : i32
        %get3A_1173 = arith.index_cast %get3A_1172 : i32 to index
        %get3A_1174 = arith.index_cast %mul3A_1171 : i32 to index
        %get3A_1175 = tpu.vector_load %arg7[%get3A_1173, %get3A_1174] {strides = array<i32>} : memref<16x128xf32, #tpu.memory_space<vmem>>, vector<16xf32>,
        %mul3A_1176 = arith.constant 16 : i32
        %mul3A_1177 = arith.muli %scan3A_1167, %mul3A_1176 : i32
        %add3A_1178 = arith.addi %mul3A_1005, %mul3A_1177 : i32
        %add3A_1179 = vector.broadcast %add3A_1178 : i32 to vector<16xi32>
        %add3A_1180 = arith.addi %add3A_1179, %iota3A : vector<16xi32>
        %masked_sort3A_1181 = arith.constant dense<true> : vector<16xi1>
        %masked_sort3A_1182, %masked_sort3A_1183, %masked_sort3A_1184 = tpu.sort %get3A_1175, %add3A_1180 masked %masked_sort3A_1181 {descending = true} : (vector<16xf32>, vector<16xi32>, vector<16xi1>) -> (vector<16xi1>, vector<16xf32>, vector<16xi32>)
        %ge3A_1185 = arith.cmpf oge, %scan3A_1168, %masked_sort3A_1183 : vector<16xf32>
        %select_n3A_1186 = arith.select %ge3A_1185, %scan3A_1168, %masked_sort3A_1183 : vector<16xi1>, vector<16xf32>
        %select_n3A_1187 = arith.select %ge3A_1185, %scan3A_1169, %masked_sort3A_1184 : vector<16xi1>, vector<16xi32>
        %masked_sort3A_1188 = arith.constant dense<true> : vector<16xi1>
        %masked_sort3A_1189, %masked_sort3A_1190, %masked_sort3A_1191 = tpu.sort %select_n3A_1186, %select_n3A_1187 masked %masked_sort3A_1188 : (vector<16xf32>, vector<16xi32>, vector<16xi1>) -> (vector<16xi1>, vector<16xf32>, vector<16xi32>)
        scf.yield %masked_sort3A_1190, %masked_sort3A_1191 : vector<16xf32>, vector<16xi32>
      }
      %scan3A_1011 = arith.constant 8 : i32
      %slice3A_1012 = vector.extract_strided_slice %masked_sort3A_932 {offsets = [7], sizes = [1], strides = [1]} : vector<16xi32> to vector<1xi32>
      %squeeze3A_1013 = vector.extract %slice3A_1012[0] : i32 from vector<1xi32>
      %mul3A_1014 = arith.constant 128 : i32
      %mul3A_1015 = arith.muli %squeeze3A_1013, %mul3A_1014 : i32
      %scan3A_1016 = arith.constant 0 : i32
      %scan3A_1017 = arith.constant 8 : i32
      %scan3A_1018 = arith.addi %scan3A_1016, %scan3A_1017 : i32
      %scan3A_1019 = arith.constant 1 : i32
      %scan3A_1020:2 = scf.for %scan3A_1167 = %scan3A_1016 to %scan3A_1018 step %scan3A_1019 iter_args(%scan3A_1168 = %scan3A_1010#0, %scan3A_1169 = %scan3A_1010#1) -> (vector<16xf32>, vector<16xi32>)  : i32 {
        %mul3A_1170 = arith.constant 16 : i32
        %mul3A_1171 = arith.muli %scan3A_1167, %mul3A_1170 : i32
        %get3A_1172 = arith.constant 7 : i32
        %get3A_1173 = arith.index_cast %get3A_1172 : i32 to index
        %get3A_1174 = arith.index_cast %mul3A_1171 : i32 to index
        %get3A_1175 = tpu.vector_load %arg7[%get3A_1173, %get3A_1174] {strides = array<i32>} : memref<16x128xf32, #tpu.memory_space<vmem>>, vector<16xf32>,
        %mul3A_1176 = arith.constant 16 : i32
        %mul3A_1177 = arith.muli %scan3A_1167, %mul3A_1176 : i32
        %add3A_1178 = arith.addi %mul3A_1015, %mul3A_1177 : i32
        %add3A_1179 = vector.broadcast %add3A_1178 : i32 to vector<16xi32>
        %add3A_1180 = arith.addi %add3A_1179, %iota3A : vector<16xi32>
        %masked_sort3A_1181 = arith.constant dense<true> : vector<16xi1>
        %masked_sort3A_1182, %masked_sort3A_1183, %masked_sort3A_1184 = tpu.sort %get3A_1175, %add3A_1180 masked %masked_sort3A_1181 {descending = true} : (vector<16xf32>, vector<16xi32>, vector<16xi1>) -> (vector<16xi1>, vector<16xf32>, vector<16xi32>)
        %ge3A_1185 = arith.cmpf oge, %scan3A_1168, %masked_sort3A_1183 : vector<16xf32>
        %select_n3A_1186 = arith.select %ge3A_1185, %scan3A_1168, %masked_sort3A_1183 : vector<16xi1>, vector<16xf32>
        %select_n3A_1187 = arith.select %ge3A_1185, %scan3A_1169, %masked_sort3A_1184 : vector<16xi1>, vector<16xi32>
        %masked_sort3A_1188 = arith.constant dense<true> : vector<16xi1>
        %masked_sort3A_1189, %masked_sort3A_1190, %masked_sort3A_1191 = tpu.sort %select_n3A_1186, %select_n3A_1187 masked %masked_sort3A_1188 : (vector<16xf32>, vector<16xi32>, vector<16xi1>) -> (vector<16xi1>, vector<16xf32>, vector<16xi32>)
        scf.yield %masked_sort3A_1190, %masked_sort3A_1191 : vector<16xf32>, vector<16xi32>
      }
      %scan3A_1021 = arith.constant 8 : i32
      %slice3A_1022 = vector.extract_strided_slice %masked_sort3A_932 {offsets = [8], sizes = [1], strides = [1]} : vector<16xi32> to vector<1xi32>
      %squeeze3A_1023 = vector.extract %slice3A_1022[0] : i32 from vector<1xi32>
      %mul3A_1024 = arith.constant 128 : i32
      %mul3A_1025 = arith.muli %squeeze3A_1023, %mul3A_1024 : i32
      %scan3A_1026 = arith.constant 0 : i32
      %scan3A_1027 = arith.constant 8 : i32
      %scan3A_1028 = arith.addi %scan3A_1026, %scan3A_1027 : i32
      %scan3A_1029 = arith.constant 1 : i32
      %scan3A_1030:2 = scf.for %scan3A_1167 = %scan3A_1026 to %scan3A_1028 step %scan3A_1029 iter_args(%scan3A_1168 = %scan3A_1020#0, %scan3A_1169 = %scan3A_1020#1) -> (vector<16xf32>, vector<16xi32>)  : i32 {
        %mul3A_1170 = arith.constant 16 : i32
        %mul3A_1171 = arith.muli %scan3A_1167, %mul3A_1170 : i32
        %get3A_1172 = arith.constant 8 : i32
        %get3A_1173 = arith.index_cast %get3A_1172 : i32 to index
        %get3A_1174 = arith.index_cast %mul3A_1171 : i32 to index
        %get3A_1175 = tpu.vector_load %arg7[%get3A_1173, %get3A_1174] {strides = array<i32>} : memref<16x128xf32, #tpu.memory_space<vmem>>, vector<16xf32>,
        %mul3A_1176 = arith.constant 16 : i32
        %mul3A_1177 = arith.muli %scan3A_1167, %mul3A_1176 : i32
        %add3A_1178 = arith.addi %mul3A_1025, %mul3A_1177 : i32
        %add3A_1179 = vector.broadcast %add3A_1178 : i32 to vector<16xi32>
        %add3A_1180 = arith.addi %add3A_1179, %iota3A : vector<16xi32>
        %masked_sort3A_1181 = arith.constant dense<true> : vector<16xi1>
        %masked_sort3A_1182, %masked_sort3A_1183, %masked_sort3A_1184 = tpu.sort %get3A_1175, %add3A_1180 masked %masked_sort3A_1181 {descending = true} : (vector<16xf32>, vector<16xi32>, vector<16xi1>) -> (vector<16xi1>, vector<16xf32>, vector<16xi32>)
        %ge3A_1185 = arith.cmpf oge, %scan3A_1168, %masked_sort3A_1183 : vector<16xf32>
        %select_n3A_1186 = arith.select %ge3A_1185, %scan3A_1168, %masked_sort3A_1183 : vector<16xi1>, vector<16xf32>
        %select_n3A_1187 = arith.select %ge3A_1185, %scan3A_1169, %masked_sort3A_1184 : vector<16xi1>, vector<16xi32>
        %masked_sort3A_1188 = arith.constant dense<true> : vector<16xi1>
        %masked_sort3A_1189, %masked_sort3A_1190, %masked_sort3A_1191 = tpu.sort %select_n3A_1186, %select_n3A_1187 masked %masked_sort3A_1188 : (vector<16xf32>, vector<16xi32>, vector<16xi1>) -> (vector<16xi1>, vector<16xf32>, vector<16xi32>)
        scf.yield %masked_sort3A_1190, %masked_sort3A_1191 : vector<16xf32>, vector<16xi32>
      }
      %scan3A_1031 = arith.constant 8 : i32
      %slice3A_1032 = vector.extract_strided_slice %masked_sort3A_932 {offsets = [9], sizes = [1], strides = [1]} : vector<16xi32> to vector<1xi32>
      %squeeze3A_1033 = vector.extract %slice3A_1032[0] : i32 from vector<1xi32>
      %mul3A_1034 = arith.constant 128 : i32
      %mul3A_1035 = arith.muli %squeeze3A_1033, %mul3A_1034 : i32
      %scan3A_1036 = arith.constant 0 : i32
      %scan3A_1037 = arith.constant 8 : i32
      %scan3A_1038 = arith.addi %scan3A_1036, %scan3A_1037 : i32
      %scan3A_1039 = arith.constant 1 : i32
      %scan3A_1040:2 = scf.for %scan3A_1167 = %scan3A_1036 to %scan3A_1038 step %scan3A_1039 iter_args(%scan3A_1168 = %scan3A_1030#0, %scan3A_1169 = %scan3A_1030#1) -> (vector<16xf32>, vector<16xi32>)  : i32 {
        %mul3A_1170 = arith.constant 16 : i32
        %mul3A_1171 = arith.muli %scan3A_1167, %mul3A_1170 : i32
        %get3A_1172 = arith.constant 9 : i32
        %get3A_1173 = arith.index_cast %get3A_1172 : i32 to index
        %get3A_1174 = arith.index_cast %mul3A_1171 : i32 to index
        %get3A_1175 = tpu.vector_load %arg7[%get3A_1173, %get3A_1174] {strides = array<i32>} : memref<16x128xf32, #tpu.memory_space<vmem>>, vector<16xf32>,
        %mul3A_1176 = arith.constant 16 : i32
        %mul3A_1177 = arith.muli %scan3A_1167, %mul3A_1176 : i32
        %add3A_1178 = arith.addi %mul3A_1035, %mul3A_1177 : i32
        %add3A_1179 = vector.broadcast %add3A_1178 : i32 to vector<16xi32>
        %add3A_1180 = arith.addi %add3A_1179, %iota3A : vector<16xi32>
        %masked_sort3A_1181 = arith.constant dense<true> : vector<16xi1>
        %masked_sort3A_1182, %masked_sort3A_1183, %masked_sort3A_1184 = tpu.sort %get3A_1175, %add3A_1180 masked %masked_sort3A_1181 {descending = true} : (vector<16xf32>, vector<16xi32>, vector<16xi1>) -> (vector<16xi1>, vector<16xf32>, vector<16xi32>)
        %ge3A_1185 = arith.cmpf oge, %scan3A_1168, %masked_sort3A_1183 : vector<16xf32>
        %select_n3A_1186 = arith.select %ge3A_1185, %scan3A_1168, %masked_sort3A_1183 : vector<16xi1>, vector<16xf32>
        %select_n3A_1187 = arith.select %ge3A_1185, %scan3A_1169, %masked_sort3A_1184 : vector<16xi1>, vector<16xi32>
        %masked_sort3A_1188 = arith.constant dense<true> : vector<16xi1>
        %masked_sort3A_1189, %masked_sort3A_1190, %masked_sort3A_1191 = tpu.sort %select_n3A_1186, %select_n3A_1187 masked %masked_sort3A_1188 : (vector<16xf32>, vector<16xi32>, vector<16xi1>) -> (vector<16xi1>, vector<16xf32>, vector<16xi32>)
        scf.yield %masked_sort3A_1190, %masked_sort3A_1191 : vector<16xf32>, vector<16xi32>
      }
      %scan3A_1041 = arith.constant 8 : i32
      %slice3A_1042 = vector.extract_strided_slice %masked_sort3A_932 {offsets = [10], sizes = [1], strides = [1]} : vector<16xi32> to vector<1xi32>
      %squeeze3A_1043 = vector.extract %slice3A_1042[0] : i32 from vector<1xi32>
      %mul3A_1044 = arith.constant 128 : i32
      %mul3A_1045 = arith.muli %squeeze3A_1043, %mul3A_1044 : i32
      %scan3A_1046 = arith.constant 0 : i32
      %scan3A_1047 = arith.constant 8 : i32
      %scan3A_1048 = arith.addi %scan3A_1046, %scan3A_1047 : i32
      %scan3A_1049 = arith.constant 1 : i32
      %scan3A_1050:2 = scf.for %scan3A_1167 = %scan3A_1046 to %scan3A_1048 step %scan3A_1049 iter_args(%scan3A_1168 = %scan3A_1040#0, %scan3A_1169 = %scan3A_1040#1) -> (vector<16xf32>, vector<16xi32>)  : i32 {
        %mul3A_1170 = arith.constant 16 : i32
        %mul3A_1171 = arith.muli %scan3A_1167, %mul3A_1170 : i32
        %get3A_1172 = arith.constant 10 : i32
        %get3A_1173 = arith.index_cast %get3A_1172 : i32 to index
        %get3A_1174 = arith.index_cast %mul3A_1171 : i32 to index
        %get3A_1175 = tpu.vector_load %arg7[%get3A_1173, %get3A_1174] {strides = array<i32>} : memref<16x128xf32, #tpu.memory_space<vmem>>, vector<16xf32>,
        %mul3A_1176 = arith.constant 16 : i32
        %mul3A_1177 = arith.muli %scan3A_1167, %mul3A_1176 : i32
        %add3A_1178 = arith.addi %mul3A_1045, %mul3A_1177 : i32
        %add3A_1179 = vector.broadcast %add3A_1178 : i32 to vector<16xi32>
        %add3A_1180 = arith.addi %add3A_1179, %iota3A : vector<16xi32>
        %masked_sort3A_1181 = arith.constant dense<true> : vector<16xi1>
        %masked_sort3A_1182, %masked_sort3A_1183, %masked_sort3A_1184 = tpu.sort %get3A_1175, %add3A_1180 masked %masked_sort3A_1181 {descending = true} : (vector<16xf32>, vector<16xi32>, vector<16xi1>) -> (vector<16xi1>, vector<16xf32>, vector<16xi32>)
        %ge3A_1185 = arith.cmpf oge, %scan3A_1168, %masked_sort3A_1183 : vector<16xf32>
        %select_n3A_1186 = arith.select %ge3A_1185, %scan3A_1168, %masked_sort3A_1183 : vector<16xi1>, vector<16xf32>
        %select_n3A_1187 = arith.select %ge3A_1185, %scan3A_1169, %masked_sort3A_1184 : vector<16xi1>, vector<16xi32>
        %masked_sort3A_1188 = arith.constant dense<true> : vector<16xi1>
        %masked_sort3A_1189, %masked_sort3A_1190, %masked_sort3A_1191 = tpu.sort %select_n3A_1186, %select_n3A_1187 masked %masked_sort3A_1188 : (vector<16xf32>, vector<16xi32>, vector<16xi1>) -> (vector<16xi1>, vector<16xf32>, vector<16xi32>)
        scf.yield %masked_sort3A_1190, %masked_sort3A_1191 : vector<16xf32>, vector<16xi32>
      }
      %scan3A_1051 = arith.constant 8 : i32
      %slice3A_1052 = vector.extract_strided_slice %masked_sort3A_932 {offsets = [11], sizes = [1], strides = [1]} : vector<16xi32> to vector<1xi32>
      %squeeze3A_1053 = vector.extract %slice3A_1052[0] : i32 from vector<1xi32>
      %mul3A_1054 = arith.constant 128 : i32
      %mul3A_1055 = arith.muli %squeeze3A_1053, %mul3A_1054 : i32
      %scan3A_1056 = arith.constant 0 : i32
      %scan3A_1057 = arith.constant 8 : i32
      %scan3A_1058 = arith.addi %scan3A_1056, %scan3A_1057 : i32
      %scan3A_1059 = arith.constant 1 : i32
      %scan3A_1060:2 = scf.for %scan3A_1167 = %scan3A_1056 to %scan3A_1058 step %scan3A_1059 iter_args(%scan3A_1168 = %scan3A_1050#0, %scan3A_1169 = %scan3A_1050#1) -> (vector<16xf32>, vector<16xi32>)  : i32 {
        %mul3A_1170 = arith.constant 16 : i32
        %mul3A_1171 = arith.muli %scan3A_1167, %mul3A_1170 : i32
        %get3A_1172 = arith.constant 11 : i32
        %get3A_1173 = arith.index_cast %get3A_1172 : i32 to index
        %get3A_1174 = arith.index_cast %mul3A_1171 : i32 to index
        %get3A_1175 = tpu.vector_load %arg7[%get3A_1173, %get3A_1174] {strides = array<i32>} : memref<16x128xf32, #tpu.memory_space<vmem>>, vector<16xf32>,
        %mul3A_1176 = arith.constant 16 : i32
        %mul3A_1177 = arith.muli %scan3A_1167, %mul3A_1176 : i32
        %add3A_1178 = arith.addi %mul3A_1055, %mul3A_1177 : i32
        %add3A_1179 = vector.broadcast %add3A_1178 : i32 to vector<16xi32>
        %add3A_1180 = arith.addi %add3A_1179, %iota3A : vector<16xi32>
        %masked_sort3A_1181 = arith.constant dense<true> : vector<16xi1>
        %masked_sort3A_1182, %masked_sort3A_1183, %masked_sort3A_1184 = tpu.sort %get3A_1175, %add3A_1180 masked %masked_sort3A_1181 {descending = true} : (vector<16xf32>, vector<16xi32>, vector<16xi1>) -> (vector<16xi1>, vector<16xf32>, vector<16xi32>)
        %ge3A_1185 = arith.cmpf oge, %scan3A_1168, %masked_sort3A_1183 : vector<16xf32>
        %select_n3A_1186 = arith.select %ge3A_1185, %scan3A_1168, %masked_sort3A_1183 : vector<16xi1>, vector<16xf32>
        %select_n3A_1187 = arith.select %ge3A_1185, %scan3A_1169, %masked_sort3A_1184 : vector<16xi1>, vector<16xi32>
        %masked_sort3A_1188 = arith.constant dense<true> : vector<16xi1>
        %masked_sort3A_1189, %masked_sort3A_1190, %masked_sort3A_1191 = tpu.sort %select_n3A_1186, %select_n3A_1187 masked %masked_sort3A_1188 : (vector<16xf32>, vector<16xi32>, vector<16xi1>) -> (vector<16xi1>, vector<16xf32>, vector<16xi32>)
        scf.yield %masked_sort3A_1190, %masked_sort3A_1191 : vector<16xf32>, vector<16xi32>
      }
      %scan3A_1061 = arith.constant 8 : i32
      %slice3A_1062 = vector.extract_strided_slice %masked_sort3A_932 {offsets = [12], sizes = [1], strides = [1]} : vector<16xi32> to vector<1xi32>
      %squeeze3A_1063 = vector.extract %slice3A_1062[0] : i32 from vector<1xi32>
      %mul3A_1064 = arith.constant 128 : i32
      %mul3A_1065 = arith.muli %squeeze3A_1063, %mul3A_1064 : i32
      %scan3A_1066 = arith.constant 0 : i32
      %scan3A_1067 = arith.constant 8 : i32
      %scan3A_1068 = arith.addi %scan3A_1066, %scan3A_1067 : i32
      %scan3A_1069 = arith.constant 1 : i32
      %scan3A_1070:2 = scf.for %scan3A_1167 = %scan3A_1066 to %scan3A_1068 step %scan3A_1069 iter_args(%scan3A_1168 = %scan3A_1060#0, %scan3A_1169 = %scan3A_1060#1) -> (vector<16xf32>, vector<16xi32>)  : i32 {
        %mul3A_1170 = arith.constant 16 : i32
        %mul3A_1171 = arith.muli %scan3A_1167, %mul3A_1170 : i32
        %get3A_1172 = arith.constant 12 : i32
        %get3A_1173 = arith.index_cast %get3A_1172 : i32 to index
        %get3A_1174 = arith.index_cast %mul3A_1171 : i32 to index
        %get3A_1175 = tpu.vector_load %arg7[%get3A_1173, %get3A_1174] {strides = array<i32>} : memref<16x128xf32, #tpu.memory_space<vmem>>, vector<16xf32>,
        %mul3A_1176 = arith.constant 16 : i32
        %mul3A_1177 = arith.muli %scan3A_1167, %mul3A_1176 : i32
        %add3A_1178 = arith.addi %mul3A_1065, %mul3A_1177 : i32
        %add3A_1179 = vector.broadcast %add3A_1178 : i32 to vector<16xi32>
        %add3A_1180 = arith.addi %add3A_1179, %iota3A : vector<16xi32>
        %masked_sort3A_1181 = arith.constant dense<true> : vector<16xi1>
        %masked_sort3A_1182, %masked_sort3A_1183, %masked_sort3A_1184 = tpu.sort %get3A_1175, %add3A_1180 masked %masked_sort3A_1181 {descending = true} : (vector<16xf32>, vector<16xi32>, vector<16xi1>) -> (vector<16xi1>, vector<16xf32>, vector<16xi32>)
        %ge3A_1185 = arith.cmpf oge, %scan3A_1168, %masked_sort3A_1183 : vector<16xf32>
        %select_n3A_1186 = arith.select %ge3A_1185, %scan3A_1168, %masked_sort3A_1183 : vector<16xi1>, vector<16xf32>
        %select_n3A_1187 = arith.select %ge3A_1185, %scan3A_1169, %masked_sort3A_1184 : vector<16xi1>, vector<16xi32>
        %masked_sort3A_1188 = arith.constant dense<true> : vector<16xi1>
        %masked_sort3A_1189, %masked_sort3A_1190, %masked_sort3A_1191 = tpu.sort %select_n3A_1186, %select_n3A_1187 masked %masked_sort3A_1188 : (vector<16xf32>, vector<16xi32>, vector<16xi1>) -> (vector<16xi1>, vector<16xf32>, vector<16xi32>)
        scf.yield %masked_sort3A_1190, %masked_sort3A_1191 : vector<16xf32>, vector<16xi32>
      }
      %scan3A_1071 = arith.constant 8 : i32
      %slice3A_1072 = vector.extract_strided_slice %masked_sort3A_932 {offsets = [13], sizes = [1], strides = [1]} : vector<16xi32> to vector<1xi32>
      %squeeze3A_1073 = vector.extract %slice3A_1072[0] : i32 from vector<1xi32>
      %mul3A_1074 = arith.constant 128 : i32
      %mul3A_1075 = arith.muli %squeeze3A_1073, %mul3A_1074 : i32
      %scan3A_1076 = arith.constant 0 : i32
      %scan3A_1077 = arith.constant 8 : i32
      %scan3A_1078 = arith.addi %scan3A_1076, %scan3A_1077 : i32
      %scan3A_1079 = arith.constant 1 : i32
      %scan3A_1080:2 = scf.for %scan3A_1167 = %scan3A_1076 to %scan3A_1078 step %scan3A_1079 iter_args(%scan3A_1168 = %scan3A_1070#0, %scan3A_1169 = %scan3A_1070#1) -> (vector<16xf32>, vector<16xi32>)  : i32 {
        %mul3A_1170 = arith.constant 16 : i32
        %mul3A_1171 = arith.muli %scan3A_1167, %mul3A_1170 : i32
        %get3A_1172 = arith.constant 13 : i32
        %get3A_1173 = arith.index_cast %get3A_1172 : i32 to index
        %get3A_1174 = arith.index_cast %mul3A_1171 : i32 to index
        %get3A_1175 = tpu.vector_load %arg7[%get3A_1173, %get3A_1174] {strides = array<i32>} : memref<16x128xf32, #tpu.memory_space<vmem>>, vector<16xf32>,
        %mul3A_1176 = arith.constant 16 : i32
        %mul3A_1177 = arith.muli %scan3A_1167, %mul3A_1176 : i32
        %add3A_1178 = arith.addi %mul3A_1075, %mul3A_1177 : i32
        %add3A_1179 = vector.broadcast %add3A_1178 : i32 to vector<16xi32>
        %add3A_1180 = arith.addi %add3A_1179, %iota3A : vector<16xi32>
        %masked_sort3A_1181 = arith.constant dense<true> : vector<16xi1>
        %masked_sort3A_1182, %masked_sort3A_1183, %masked_sort3A_1184 = tpu.sort %get3A_1175, %add3A_1180 masked %masked_sort3A_1181 {descending = true} : (vector<16xf32>, vector<16xi32>, vector<16xi1>) -> (vector<16xi1>, vector<16xf32>, vector<16xi32>)
        %ge3A_1185 = arith.cmpf oge, %scan3A_1168, %masked_sort3A_1183 : vector<16xf32>
        %select_n3A_1186 = arith.select %ge3A_1185, %scan3A_1168, %masked_sort3A_1183 : vector<16xi1>, vector<16xf32>
        %select_n3A_1187 = arith.select %ge3A_1185, %scan3A_1169, %masked_sort3A_1184 : vector<16xi1>, vector<16xi32>
        %masked_sort3A_1188 = arith.constant dense<true> : vector<16xi1>
        %masked_sort3A_1189, %masked_sort3A_1190, %masked_sort3A_1191 = tpu.sort %select_n3A_1186, %select_n3A_1187 masked %masked_sort3A_1188 : (vector<16xf32>, vector<16xi32>, vector<16xi1>) -> (vector<16xi1>, vector<16xf32>, vector<16xi32>)
        scf.yield %masked_sort3A_1190, %masked_sort3A_1191 : vector<16xf32>, vector<16xi32>
      }
      %scan3A_1081 = arith.constant 8 : i32
      %slice3A_1082 = vector.extract_strided_slice %masked_sort3A_932 {offsets = [14], sizes = [1], strides = [1]} : vector<16xi32> to vector<1xi32>
      %squeeze3A_1083 = vector.extract %slice3A_1082[0] : i32 from vector<1xi32>
      %mul3A_1084 = arith.constant 128 : i32
      %mul3A_1085 = arith.muli %squeeze3A_1083, %mul3A_1084 : i32
      %scan3A_1086 = arith.constant 0 : i32
      %scan3A_1087 = arith.constant 8 : i32
      %scan3A_1088 = arith.addi %scan3A_1086, %scan3A_1087 : i32
      %scan3A_1089 = arith.constant 1 : i32
      %scan3A_1090:2 = scf.for %scan3A_1167 = %scan3A_1086 to %scan3A_1088 step %scan3A_1089 iter_args(%scan3A_1168 = %scan3A_1080#0, %scan3A_1169 = %scan3A_1080#1) -> (vector<16xf32>, vector<16xi32>)  : i32 {
        %mul3A_1170 = arith.constant 16 : i32
        %mul3A_1171 = arith.muli %scan3A_1167, %mul3A_1170 : i32
        %get3A_1172 = arith.constant 14 : i32
        %get3A_1173 = arith.index_cast %get3A_1172 : i32 to index
        %get3A_1174 = arith.index_cast %mul3A_1171 : i32 to index
        %get3A_1175 = tpu.vector_load %arg7[%get3A_1173, %get3A_1174] {strides = array<i32>} : memref<16x128xf32, #tpu.memory_space<vmem>>, vector<16xf32>,
        %mul3A_1176 = arith.constant 16 : i32
        %mul3A_1177 = arith.muli %scan3A_1167, %mul3A_1176 : i32
        %add3A_1178 = arith.addi %mul3A_1085, %mul3A_1177 : i32
        %add3A_1179 = vector.broadcast %add3A_1178 : i32 to vector<16xi32>
        %add3A_1180 = arith.addi %add3A_1179, %iota3A : vector<16xi32>
        %masked_sort3A_1181 = arith.constant dense<true> : vector<16xi1>
        %masked_sort3A_1182, %masked_sort3A_1183, %masked_sort3A_1184 = tpu.sort %get3A_1175, %add3A_1180 masked %masked_sort3A_1181 {descending = true} : (vector<16xf32>, vector<16xi32>, vector<16xi1>) -> (vector<16xi1>, vector<16xf32>, vector<16xi32>)
        %ge3A_1185 = arith.cmpf oge, %scan3A_1168, %masked_sort3A_1183 : vector<16xf32>
        %select_n3A_1186 = arith.select %ge3A_1185, %scan3A_1168, %masked_sort3A_1183 : vector<16xi1>, vector<16xf32>
        %select_n3A_1187 = arith.select %ge3A_1185, %scan3A_1169, %masked_sort3A_1184 : vector<16xi1>, vector<16xi32>
        %masked_sort3A_1188 = arith.constant dense<true> : vector<16xi1>
        %masked_sort3A_1189, %masked_sort3A_1190, %masked_sort3A_1191 = tpu.sort %select_n3A_1186, %select_n3A_1187 masked %masked_sort3A_1188 : (vector<16xf32>, vector<16xi32>, vector<16xi1>) -> (vector<16xi1>, vector<16xf32>, vector<16xi32>)
        scf.yield %masked_sort3A_1190, %masked_sort3A_1191 : vector<16xf32>, vector<16xi32>
      }
      %scan3A_1091 = arith.constant 8 : i32
      %slice3A_1092 = vector.extract_strided_slice %masked_sort3A_932 {offsets = [15], sizes = [1], strides = [1]} : vector<16xi32> to vector<1xi32>
      %squeeze3A_1093 = vector.extract %slice3A_1092[0] : i32 from vector<1xi32>
      %mul3A_1094 = arith.constant 128 : i32
      %mul3A_1095 = arith.muli %squeeze3A_1093, %mul3A_1094 : i32
      %scan3A_1096 = arith.constant 0 : i32
      %scan3A_1097 = arith.constant 8 : i32
      %scan3A_1098 = arith.addi %scan3A_1096, %scan3A_1097 : i32
      %scan3A_1099 = arith.constant 1 : i32
      %scan3A_1100:2 = scf.for %scan3A_1167 = %scan3A_1096 to %scan3A_1098 step %scan3A_1099 iter_args(%scan3A_1168 = %scan3A_1090#0, %scan3A_1169 = %scan3A_1090#1) -> (vector<16xf32>, vector<16xi32>)  : i32 {
        %mul3A_1170 = arith.constant 16 : i32
        %mul3A_1171 = arith.muli %scan3A_1167, %mul3A_1170 : i32
        %get3A_1172 = arith.constant 15 : i32
        %get3A_1173 = arith.index_cast %get3A_1172 : i32 to index
        %get3A_1174 = arith.index_cast %mul3A_1171 : i32 to index
        %get3A_1175 = tpu.vector_load %arg7[%get3A_1173, %get3A_1174] {strides = array<i32>} : memref<16x128xf32, #tpu.memory_space<vmem>>, vector<16xf32>,
        %mul3A_1176 = arith.constant 16 : i32
        %mul3A_1177 = arith.muli %scan3A_1167, %mul3A_1176 : i32
        %add3A_1178 = arith.addi %mul3A_1095, %mul3A_1177 : i32
        %add3A_1179 = vector.broadcast %add3A_1178 : i32 to vector<16xi32>
        %add3A_1180 = arith.addi %add3A_1179, %iota3A : vector<16xi32>
        %masked_sort3A_1181 = arith.constant dense<true> : vector<16xi1>
        %masked_sort3A_1182, %masked_sort3A_1183, %masked_sort3A_1184 = tpu.sort %get3A_1175, %add3A_1180 masked %masked_sort3A_1181 {descending = true} : (vector<16xf32>, vector<16xi32>, vector<16xi1>) -> (vector<16xi1>, vector<16xf32>, vector<16xi32>)
        %ge3A_1185 = arith.cmpf oge, %scan3A_1168, %masked_sort3A_1183 : vector<16xf32>
        %select_n3A_1186 = arith.select %ge3A_1185, %scan3A_1168, %masked_sort3A_1183 : vector<16xi1>, vector<16xf32>
        %select_n3A_1187 = arith.select %ge3A_1185, %scan3A_1169, %masked_sort3A_1184 : vector<16xi1>, vector<16xi32>
        %masked_sort3A_1188 = arith.constant dense<true> : vector<16xi1>
        %masked_sort3A_1189, %masked_sort3A_1190, %masked_sort3A_1191 = tpu.sort %select_n3A_1186, %select_n3A_1187 masked %masked_sort3A_1188 : (vector<16xf32>, vector<16xi32>, vector<16xi1>) -> (vector<16xi1>, vector<16xf32>, vector<16xi32>)
        scf.yield %masked_sort3A_1190, %masked_sort3A_1191 : vector<16xf32>, vector<16xi32>
      }
      %scan3A_1101 = arith.constant 8 : i32
      %slice3A_1102 = vector.extract_strided_slice %scan3A_1100#0 {offsets = [15], sizes = [1], strides = [1]} : vector<16xf32> to vector<1xf32>
      %squeeze3A_1103 = vector.extract %slice3A_1102[0] : f32 from vector<1xf32>
      %broadcast_in_dim3A_1104 = vector.broadcast %squeeze3A_1103 : f32 to vector<16xf32>
      %sub3A = arith.subf %scan3A_1100#0, %broadcast_in_dim3A_1104 : vector<16xf32>
      %exp3A = math.exp %sub3A : vector<16xf32>
      %slice3A_1105 = vector.extract_strided_slice %exp3A {offsets = [6], sizes = [1], strides = [1]} : vector<16xf32> to vector<1xf32>
      %squeeze3A_1106 = vector.extract %slice3A_1105[0] : f32 from vector<1xf32>
      %slice3A_1107 = vector.extract_strided_slice %exp3A {offsets = [7], sizes = [1], strides = [1]} : vector<16xf32> to vector<1xf32>
      %squeeze3A_1108 = vector.extract %slice3A_1107[0] : f32 from vector<1xf32>
      %add3A_1109 = arith.addf %squeeze3A_1106, %squeeze3A_1108 : f32
      %slice3A_1110 = vector.extract_strided_slice %exp3A {offsets = [8], sizes = [1], strides = [1]} : vector<16xf32> to vector<1xf32>
      %squeeze3A_1111 = vector.extract %slice3A_1110[0] : f32 from vector<1xf32>
      %add3A_1112 = arith.addf %add3A_1109, %squeeze3A_1111 : f32
      %slice3A_1113 = vector.extract_strided_slice %exp3A {offsets = [9], sizes = [1], strides = [1]} : vector<16xf32> to vector<1xf32>
      %squeeze3A_1114 = vector.extract %slice3A_1113[0] : f32 from vector<1xf32>
      %add3A_1115 = arith.addf %add3A_1112, %squeeze3A_1114 : f32
      %slice3A_1116 = vector.extract_strided_slice %exp3A {offsets = [10], sizes = [1], strides = [1]} : vector<16xf32> to vector<1xf32>
      %squeeze3A_1117 = vector.extract %slice3A_1116[0] : f32 from vector<1xf32>
      %add3A_1118 = arith.addf %add3A_1115, %squeeze3A_1117 : f32
      %slice3A_1119 = vector.extract_strided_slice %exp3A {offsets = [11], sizes = [1], strides = [1]} : vector<16xf32> to vector<1xf32>
      %squeeze3A_1120 = vector.extract %slice3A_1119[0] : f32 from vector<1xf32>
      %add3A_1121 = arith.addf %add3A_1118, %squeeze3A_1120 : f32
      %slice3A_1122 = vector.extract_strided_slice %exp3A {offsets = [12], sizes = [1], strides = [1]} : vector<16xf32> to vector<1xf32>
      %squeeze3A_1123 = vector.extract %slice3A_1122[0] : f32 from vector<1xf32>
      %add3A_1124 = arith.addf %add3A_1121, %squeeze3A_1123 : f32
      %slice3A_1125 = vector.extract_strided_slice %exp3A {offsets = [13], sizes = [1], strides = [1]} : vector<16xf32> to vector<1xf32>
      %squeeze3A_1126 = vector.extract %slice3A_1125[0] : f32 from vector<1xf32>
      %add3A_1127 = arith.addf %add3A_1124, %squeeze3A_1126 : f32
      %slice3A_1128 = vector.extract_strided_slice %exp3A {offsets = [14], sizes = [1], strides = [1]} : vector<16xf32> to vector<1xf32>
      %squeeze3A_1129 = vector.extract %slice3A_1128[0] : f32 from vector<1xf32>
      %add3A_1130 = arith.addf %add3A_1127, %squeeze3A_1129 : f32
      %slice3A_1131 = vector.extract_strided_slice %exp3A {offsets = [15], sizes = [1], strides = [1]} : vector<16xf32> to vector<1xf32>
      %squeeze3A_1132 = vector.extract %slice3A_1131[0] : f32 from vector<1xf32>
      %add3A_1133 = arith.addf %add3A_1130, %squeeze3A_1132 : f32
      %broadcast_in_dim3A_1134 = vector.broadcast %add3A_1133 : f32 to vector<16xf32>
      %div3A = arith.divf %exp3A, %broadcast_in_dim3A_1134 : vector<16xf32>
      %slice3A_1135 = vector.extract_strided_slice %div3A {offsets = [6], sizes = [1], strides = [1]} : vector<16xf32> to vector<1xf32>
      %squeeze3A_1136 = vector.extract %slice3A_1135[0] : f32 from vector<1xf32>
      %slice3A_1137 = vector.extract_strided_slice %div3A {offsets = [7], sizes = [1], strides = [1]} : vector<16xf32> to vector<1xf32>
      %squeeze3A_1138 = vector.extract %slice3A_1137[0] : f32 from vector<1xf32>
      %slice3A_1139 = vector.extract_strided_slice %div3A {offsets = [8], sizes = [1], strides = [1]} : vector<16xf32> to vector<1xf32>
      %squeeze3A_1140 = vector.extract %slice3A_1139[0] : f32 from vector<1xf32>
      %slice3A_1141 = vector.extract_strided_slice %div3A {offsets = [9], sizes = [1], strides = [1]} : vector<16xf32> to vector<1xf32>
      %squeeze3A_1142 = vector.extract %slice3A_1141[0] : f32 from vector<1xf32>
      %slice3A_1143 = vector.extract_strided_slice %div3A {offsets = [10], sizes = [1], strides = [1]} : vector<16xf32> to vector<1xf32>
      %squeeze3A_1144 = vector.extract %slice3A_1143[0] : f32 from vector<1xf32>
      %slice3A_1145 = vector.extract_strided_slice %div3A {offsets = [11], sizes = [1], strides = [1]} : vector<16xf32> to vector<1xf32>
      %squeeze3A_1146 = vector.extract %slice3A_1145[0] : f32 from vector<1xf32>
      %slice3A_1147 = vector.extract_strided_slice %div3A {offsets = [12], sizes = [1], strides = [1]} : vector<16xf32> to vector<1xf32>
      %squeeze3A_1148 = vector.extract %slice3A_1147[0] : f32 from vector<1xf32>
      %slice3A_1149 = vector.extract_strided_slice %div3A {offsets = [13], sizes = [1], strides = [1]} : vector<16xf32> to vector<1xf32>
      %squeeze3A_1150 = vector.extract %slice3A_1149[0] : f32 from vector<1xf32>
      %slice3A_1151 = vector.extract_strided_slice %div3A {offsets = [14], sizes = [1], strides = [1]} : vector<16xf32> to vector<1xf32>
      %squeeze3A_1152 = vector.extract %slice3A_1151[0] : f32 from vector<1xf32>
      %slice3A_1153 = vector.extract_strided_slice %div3A {offsets = [15], sizes = [1], strides = [1]} : vector<16xf32> to vector<1xf32>
      %squeeze3A_1154 = vector.extract %slice3A_1153[0] : f32 from vector<1xf32>
      %dma_start3A_1155 = arith.constant 0 : i32
      %dma_start3A_1156 = arith.constant 0 : i32
      %dma_start3A_1157 = tpu.memref_slice %arg4[%dma_start3A_1155, %dma_start3A_1156] : memref<100000x1024xf32, #tpu.memory_space<hbm>> -> memref<100000x1024xf32, #tpu.memory_space<hbm>>
      tpu.enqueue_indirect_dma source(%dma_start3A_1157 : memref<100000x1024xf32, #tpu.memory_space<hbm>>) target(%arg8 : memref<16x1024xf32, #tpu.memory_space<vmem>>) offsets(%scan3A_1100#1 : vector<16xi32>) semaphore(%arg10 : memref<!tpu.dma_semaphore, #tpu.memory_space<semaphore_mem>>)
      %dma_wait3A_1158 = arith.constant 0 : i32
      %dma_wait3A_1159 = arith.constant 0 : i32
      %dma_wait3A_1160 = tpu.memref_slice %arg4[%dma_wait3A_1158, %dma_wait3A_1159] : memref<100000x1024xf32, #tpu.memory_space<hbm>> -> memref<100000x1024xf32, #tpu.memory_space<hbm>>
      tpu.wait_indirect_dma semaphore(%arg10 : memref<!tpu.dma_semaphore, #tpu.memory_space<semaphore_mem>>) src(%dma_wait3A_1160 : memref<100000x1024xf32, #tpu.memory_space<hbm>>) dst(%arg8 : memref<16x1024xf32, #tpu.memory_space<vmem>>)
      %scan3A_1161 = arith.constant 0 : i32
      %scan3A_1162 = arith.constant 0 : i32
      %scan3A_1163 = arith.constant 64 : i32
      %scan3A_1164 = arith.addi %scan3A_1162, %scan3A_1163 : i32
      %scan3A_1165 = arith.constant 1 : i32
      scf.for %scan3A_1167 = %scan3A_1162 to %scan3A_1164 step %scan3A_1165  : i32 {
        %broadcast_in_dim3A_1168 = arith.constant 0.000000e+00 : f32
        %broadcast_in_dim3A_1169 = vector.broadcast %broadcast_in_dim3A_1168 : f32 to vector<16xf32>
        %mul3A_1170 = arith.constant 16 : i32
        %mul3A_1171 = arith.muli %scan3A_1167, %mul3A_1170 : i32
        %get3A_1172 = arith.constant 6 : i32
        %get3A_1173 = arith.index_cast %get3A_1172 : i32 to index
        %get3A_1174 = arith.index_cast %mul3A_1171 : i32 to index
        %get3A_1175 = tpu.vector_load %arg8[%get3A_1173, %get3A_1174] {strides = array<i32>} : memref<16x1024xf32, #tpu.memory_space<vmem>>, vector<16xf32>,
        %mul3A_1176 = vector.broadcast %squeeze3A_1136 : f32 to vector<16xf32>
        %mul3A_1177 = arith.mulf %mul3A_1176, %get3A_1175 : vector<16xf32>
        %add3A_1178 = arith.addf %broadcast_in_dim3A_1169, %mul3A_1177 : vector<16xf32>
        %mul3A_1179 = arith.constant 16 : i32
        %mul3A_1180 = arith.muli %scan3A_1167, %mul3A_1179 : i32
        %get3A_1181 = arith.constant 7 : i32
        %get3A_1182 = arith.index_cast %get3A_1181 : i32 to index
        %get3A_1183 = arith.index_cast %mul3A_1180 : i32 to index
        %get3A_1184 = tpu.vector_load %arg8[%get3A_1182, %get3A_1183] {strides = array<i32>} : memref<16x1024xf32, #tpu.memory_space<vmem>>, vector<16xf32>,
        %mul3A_1185 = vector.broadcast %squeeze3A_1138 : f32 to vector<16xf32>
        %mul3A_1186 = arith.mulf %mul3A_1185, %get3A_1184 : vector<16xf32>
        %add3A_1187 = arith.addf %add3A_1178, %mul3A_1186 : vector<16xf32>
        %mul3A_1188 = arith.constant 16 : i32
        %mul3A_1189 = arith.muli %scan3A_1167, %mul3A_1188 : i32
        %get3A_1190 = arith.constant 8 : i32
        %get3A_1191 = arith.index_cast %get3A_1190 : i32 to index
        %get3A_1192 = arith.index_cast %mul3A_1189 : i32 to index
        %get3A_1193 = tpu.vector_load %arg8[%get3A_1191, %get3A_1192] {strides = array<i32>} : memref<16x1024xf32, #tpu.memory_space<vmem>>, vector<16xf32>,
        %mul3A_1194 = vector.broadcast %squeeze3A_1140 : f32 to vector<16xf32>
        %mul3A_1195 = arith.mulf %mul3A_1194, %get3A_1193 : vector<16xf32>
        %add3A_1196 = arith.addf %add3A_1187, %mul3A_1195 : vector<16xf32>
        %mul3A_1197 = arith.constant 16 : i32
        %mul3A_1198 = arith.muli %scan3A_1167, %mul3A_1197 : i32
        %get3A_1199 = arith.constant 9 : i32
        %get3A_1200 = arith.index_cast %get3A_1199 : i32 to index
        %get3A_1201 = arith.index_cast %mul3A_1198 : i32 to index
        %get3A_1202 = tpu.vector_load %arg8[%get3A_1200, %get3A_1201] {strides = array<i32>} : memref<16x1024xf32, #tpu.memory_space<vmem>>, vector<16xf32>,
        %mul3A_1203 = vector.broadcast %squeeze3A_1142 : f32 to vector<16xf32>
        %mul3A_1204 = arith.mulf %mul3A_1203, %get3A_1202 : vector<16xf32>
        %add3A_1205 = arith.addf %add3A_1196, %mul3A_1204 : vector<16xf32>
        %mul3A_1206 = arith.constant 16 : i32
        %mul3A_1207 = arith.muli %scan3A_1167, %mul3A_1206 : i32
        %get3A_1208 = arith.constant 10 : i32
        %get3A_1209 = arith.index_cast %get3A_1208 : i32 to index
        %get3A_1210 = arith.index_cast %mul3A_1207 : i32 to index
        %get3A_1211 = tpu.vector_load %arg8[%get3A_1209, %get3A_1210] {strides = array<i32>} : memref<16x1024xf32, #tpu.memory_space<vmem>>, vector<16xf32>,
        %mul3A_1212 = vector.broadcast %squeeze3A_1144 : f32 to vector<16xf32>
        %mul3A_1213 = arith.mulf %mul3A_1212, %get3A_1211 : vector<16xf32>
        %add3A_1214 = arith.addf %add3A_1205, %mul3A_1213 : vector<16xf32>
        %mul3A_1215 = arith.constant 16 : i32
        %mul3A_1216 = arith.muli %scan3A_1167, %mul3A_1215 : i32
        %get3A_1217 = arith.constant 11 : i32
        %get3A_1218 = arith.index_cast %get3A_1217 : i32 to index
        %get3A_1219 = arith.index_cast %mul3A_1216 : i32 to index
        %get3A_1220 = tpu.vector_load %arg8[%get3A_1218, %get3A_1219] {strides = array<i32>} : memref<16x1024xf32, #tpu.memory_space<vmem>>, vector<16xf32>,
        %mul3A_1221 = vector.broadcast %squeeze3A_1146 : f32 to vector<16xf32>
        %mul3A_1222 = arith.mulf %mul3A_1221, %get3A_1220 : vector<16xf32>
        %add3A_1223 = arith.addf %add3A_1214, %mul3A_1222 : vector<16xf32>
        %mul3A_1224 = arith.constant 16 : i32
        %mul3A_1225 = arith.muli %scan3A_1167, %mul3A_1224 : i32
        %get3A_1226 = arith.constant 12 : i32
        %get3A_1227 = arith.index_cast %get3A_1226 : i32 to index
        %get3A_1228 = arith.index_cast %mul3A_1225 : i32 to index
        %get3A_1229 = tpu.vector_load %arg8[%get3A_1227, %get3A_1228] {strides = array<i32>} : memref<16x1024xf32, #tpu.memory_space<vmem>>, vector<16xf32>,
        %mul3A_1230 = vector.broadcast %squeeze3A_1148 : f32 to vector<16xf32>
        %mul3A_1231 = arith.mulf %mul3A_1230, %get3A_1229 : vector<16xf32>
        %add3A_1232 = arith.addf %add3A_1223, %mul3A_1231 : vector<16xf32>
        %mul3A_1233 = arith.constant 16 : i32
        %mul3A_1234 = arith.muli %scan3A_1167, %mul3A_1233 : i32
        %get3A_1235 = arith.constant 13 : i32
        %get3A_1236 = arith.index_cast %get3A_1235 : i32 to index
        %get3A_1237 = arith.index_cast %mul3A_1234 : i32 to index
        %get3A_1238 = tpu.vector_load %arg8[%get3A_1236, %get3A_1237] {strides = array<i32>} : memref<16x1024xf32, #tpu.memory_space<vmem>>, vector<16xf32>,
        %mul3A_1239 = vector.broadcast %squeeze3A_1150 : f32 to vector<16xf32>
        %mul3A_1240 = arith.mulf %mul3A_1239, %get3A_1238 : vector<16xf32>
        %add3A_1241 = arith.addf %add3A_1232, %mul3A_1240 : vector<16xf32>
        %mul3A_1242 = arith.constant 16 : i32
        %mul3A_1243 = arith.muli %scan3A_1167, %mul3A_1242 : i32
        %get3A_1244 = arith.constant 14 : i32
        %get3A_1245 = arith.index_cast %get3A_1244 : i32 to index
        %get3A_1246 = arith.index_cast %mul3A_1243 : i32 to index
        %get3A_1247 = tpu.vector_load %arg8[%get3A_1245, %get3A_1246] {strides = array<i32>} : memref<16x1024xf32, #tpu.memory_space<vmem>>, vector<16xf32>,
        %mul3A_1248 = vector.broadcast %squeeze3A_1152 : f32 to vector<16xf32>
        %mul3A_1249 = arith.mulf %mul3A_1248, %get3A_1247 : vector<16xf32>
        %add3A_1250 = arith.addf %add3A_1241, %mul3A_1249 : vector<16xf32>
        %mul3A_1251 = arith.constant 16 : i32
        %mul3A_1252 = arith.muli %scan3A_1167, %mul3A_1251 : i32
        %get3A_1253 = arith.constant 15 : i32
        %get3A_1254 = arith.index_cast %get3A_1253 : i32 to index
        %get3A_1255 = arith.index_cast %mul3A_1252 : i32 to index
        %get3A_1256 = tpu.vector_load %arg8[%get3A_1254, %get3A_1255] {strides = array<i32>} : memref<16x1024xf32, #tpu.memory_space<vmem>>, vector<16xf32>,
        %mul3A_1257 = vector.broadcast %squeeze3A_1154 : f32 to vector<16xf32>
        %mul3A_1258 = arith.mulf %mul3A_1257, %get3A_1256 : vector<16xf32>
        %add3A_1259 = arith.addf %add3A_1250, %mul3A_1258 : vector<16xf32>
        %mul3A_1260 = arith.constant 16 : i32
        %mul3A_1261 = arith.muli %scan3A_1167, %mul3A_1260 : i32
        %swap3A = arith.index_cast %mul3A_1261 : i32 to index
        %swap3A_1262 = tpu.vector_load %arg9[%swap3A] {strides = array<i32>} : memref<1024xf32, #tpu.memory_space<vmem>>, vector<16xf32>,
        tpu.vector_store %arg9[%swap3A], %add3A_1259 {strides = array<i32>} : memref<1024xf32, #tpu.memory_space<vmem>>, vector<16xf32>,
      }
      %scan3A_1166 = arith.constant 64 : i32
      "tpu.region"() ({
        %run_scoped3A = tpu.sem_alloc : memref<!tpu.dma_semaphore, #tpu.memory_space<semaphore_mem>>
        %dma_start3A_1167 = arith.constant 0 : i32
        %dma_start3A_1168 = tpu.memref_slice %arg5[%add3A, %dma_start3A_1167] : memref<8x1024xf32, #tpu.memory_space<hbm>> -> memref<1x1024xf32, #tpu.memory_space<hbm>>
        %dma_start3A_1169 = tpu.memref_squeeze %dma_start3A_1168 : memref<1x1024xf32, #tpu.memory_space<hbm>> -> memref<1024xf32, #tpu.memory_space<hbm>>
        %dma_start3A_1170 = arith.constant 0 : i32
        %dma_start3A_1171 = tpu.memref_slice %arg5[%add3A, %dma_start3A_1170] : memref<8x1024xf32, #tpu.memory_space<hbm>> -> memref<1x1024xf32, #tpu.memory_space<hbm>>
        %dma_start3A_1172 = tpu.memref_squeeze %dma_start3A_1171 : memref<1x1024xf32, #tpu.memory_space<hbm>> -> memref<1024xf32, #tpu.memory_space<hbm>>
        tpu.enqueue_dma source(%arg9 : memref<1024xf32, #tpu.memory_space<vmem>>) target(%dma_start3A_1172 : memref<1024xf32, #tpu.memory_space<hbm>>) target_semaphore(%run_scoped3A : memref<!tpu.dma_semaphore, #tpu.memory_space<semaphore_mem>>)
        %dma_wait3A_1173 = arith.constant 0 : i32
        %dma_wait3A_1174 = tpu.memref_slice %arg5[%add3A, %dma_wait3A_1173] : memref<8x1024xf32, #tpu.memory_space<hbm>> -> memref<1x1024xf32, #tpu.memory_space<hbm>>
        %dma_wait3A_1175 = tpu.memref_squeeze %dma_wait3A_1174 : memref<1x1024xf32, #tpu.memory_space<hbm>> -> memref<1024xf32, #tpu.memory_space<hbm>>
        %dma_wait3A_1176 = arith.constant 0 : i32
        %dma_wait3A_1177 = tpu.memref_slice %arg5[%add3A, %dma_wait3A_1176] : memref<8x1024xf32, #tpu.memory_space<hbm>> -> memref<1x1024xf32, #tpu.memory_space<hbm>>
        %dma_wait3A_1178 = tpu.memref_squeeze %dma_wait3A_1177 : memref<1x1024xf32, #tpu.memory_space<hbm>> -> memref<1024xf32, #tpu.memory_space<hbm>>
        tpu.wait_dma2 semaphore(%run_scoped3A : memref<!tpu.dma_semaphore, #tpu.memory_space<semaphore_mem>>) src(%arg9 : memref<1024xf32, #tpu.memory_space<vmem>>) dst(%dma_wait3A_1178 : memref<1024xf32, #tpu.memory_space<hbm>>)
        tpu.yield
      }) : () -> ()
    } else {
    }
    return
  }
}

module attributes {stable_mosaic.version = 14 : i64} {
  func.func @_logits_kernel(%arg0: i32, %arg1: memref<8x1024xf32, #tpu.memory_space<vmem>>, %arg2: memref<2048x1024xf32, #tpu.memory_space<vmem>>, %arg3: memref<8x2048xf32, #tpu.memory_space<vmem>>, %arg4: memref<1x8x16xf32, #tpu.memory_space<vmem>>) attributes {dimension_semantics = [#tpu.dimension_semantics<arbitrary>], iteration_bounds = array<i64: 49>, scalar_prefetch = 0 : i64, scratch_operands = 0 : i64, tpu.core_type = #tpu.core_type<tc>, window_params = [{pipeline_mode = #tpu.pipeline_mode<synchronous>, transform_indices = @transform_0, window_bounds = array<i64: 8, 1024>}, {transform_indices = @transform_1, window_bounds = array<i64: 2048, 1024>}, {transform_indices = @transform_2, window_bounds = array<i64: 8, 2048>}, {transform_indices = @transform_3, window_bounds = array<i64: 1, 8, 16>}]} {
    %get3A = arith.constant 0 : index
    %get3A_0 = arith.constant 0 : index
    %get3A_1 = vector.load %arg1[%get3A, %get3A_0] : memref<8x1024xf32, #tpu.memory_space<vmem>>, vector<8x1024xf32>
    %get3A_2 = arith.constant 0 : index
    %get3A_3 = arith.constant 0 : index
    %get3A_4 = vector.load %arg2[%get3A_2, %get3A_3] : memref<2048x1024xf32, #tpu.memory_space<vmem>>, vector<2048x1024xf32>
    %dot_general3A = arith.constant dense<0.000000e+00> : vector<8x2048xf32>
    %dot_general3A_5 = tpu.matmul %get3A_1, %get3A_4, %dot_general3A {dimension_numbers = #tpu.dot_dimension_numbers<[1], [1], [0], [0], [0, 0, 1, 0], [], []>, transpose_lhs_hint = false} : vector<8x1024xf32>, vector<2048x1024xf32>, vector<8x2048xf32> -> vector<8x2048xf32>
    %mul3A = arith.constant 2048 : i32
    %mul3A_6 = arith.muli %arg0, %mul3A : i32
    %iota3A = tpu.iota {dimensions = array<i32: 1>} : vector<8x2048xi32>
    %add3A = vector.broadcast %mul3A_6 : i32 to vector<8x2048xi32>
    %add3A_7 = arith.addi %add3A, %iota3A : vector<8x2048xi32>
    %lt3A = arith.constant 100000 : i32
    %lt3A_8 = vector.broadcast %lt3A : i32 to vector<8x2048xi32>
    %lt3A_9 = arith.cmpi slt, %add3A_7, %lt3A_8 : vector<8x2048xi32>
    %jit3A = arith.constant 0xFF800000 : f32
    %broadcast_in_dim3A = vector.broadcast %jit3A : f32 to vector<8x2048xf32>
    %select_n3A = arith.select %lt3A_9, %dot_general3A_5, %broadcast_in_dim3A : vector<8x2048xi1>, vector<8x2048xf32>
    %swap3A = arith.constant 0 : index
    %swap3A_10 = arith.constant 0 : index
    %swap3A_11 = vector.load %arg3[%swap3A, %swap3A_10] : memref<8x2048xf32, #tpu.memory_space<vmem>>, vector<8x2048xf32>
    tpu.vector_store %arg3[%swap3A, %swap3A_10], %select_n3A {strides = array<i32>} : memref<8x2048xf32, #tpu.memory_space<vmem>>, vector<8x2048xf32>,
    %slice3A = vector.extract_strided_slice %select_n3A {offsets = [0, 0], sizes = [8, 128], strides = [1, 1]} : vector<8x2048xf32> to vector<8x128xf32>
    %reduce_max3A = arith.constant dense<0xFF800000> : vector<8xf32>
    %reduce_max3A_12 = vector.multi_reduction <maximumf>, %slice3A, %reduce_max3A [1] : vector<8x128xf32> to vector<8xf32>
    %broadcast_in_dim3A_13 = vector.shape_cast %reduce_max3A_12 : vector<8xf32> to vector<8x1xf32>
    %slice3A_14 = vector.extract_strided_slice %select_n3A {offsets = [0, 128], sizes = [8, 128], strides = [1, 1]} : vector<8x2048xf32> to vector<8x128xf32>
    %reduce_max3A_15 = arith.constant dense<0xFF800000> : vector<8xf32>
    %reduce_max3A_16 = vector.multi_reduction <maximumf>, %slice3A_14, %reduce_max3A_15 [1] : vector<8x128xf32> to vector<8xf32>
    %broadcast_in_dim3A_17 = vector.shape_cast %reduce_max3A_16 : vector<8xf32> to vector<8x1xf32>
    %slice3A_18 = vector.extract_strided_slice %select_n3A {offsets = [0, 256], sizes = [8, 128], strides = [1, 1]} : vector<8x2048xf32> to vector<8x128xf32>
    %reduce_max3A_19 = arith.constant dense<0xFF800000> : vector<8xf32>
    %reduce_max3A_20 = vector.multi_reduction <maximumf>, %slice3A_18, %reduce_max3A_19 [1] : vector<8x128xf32> to vector<8xf32>
    %broadcast_in_dim3A_21 = vector.shape_cast %reduce_max3A_20 : vector<8xf32> to vector<8x1xf32>
    %slice3A_22 = vector.extract_strided_slice %select_n3A {offsets = [0, 384], sizes = [8, 128], strides = [1, 1]} : vector<8x2048xf32> to vector<8x128xf32>
    %reduce_max3A_23 = arith.constant dense<0xFF800000> : vector<8xf32>
    %reduce_max3A_24 = vector.multi_reduction <maximumf>, %slice3A_22, %reduce_max3A_23 [1] : vector<8x128xf32> to vector<8xf32>
    %broadcast_in_dim3A_25 = vector.shape_cast %reduce_max3A_24 : vector<8xf32> to vector<8x1xf32>
    %slice3A_26 = vector.extract_strided_slice %select_n3A {offsets = [0, 512], sizes = [8, 128], strides = [1, 1]} : vector<8x2048xf32> to vector<8x128xf32>
    %reduce_max3A_27 = arith.constant dense<0xFF800000> : vector<8xf32>
    %reduce_max3A_28 = vector.multi_reduction <maximumf>, %slice3A_26, %reduce_max3A_27 [1] : vector<8x128xf32> to vector<8xf32>
    %broadcast_in_dim3A_29 = vector.shape_cast %reduce_max3A_28 : vector<8xf32> to vector<8x1xf32>
    %slice3A_30 = vector.extract_strided_slice %select_n3A {offsets = [0, 640], sizes = [8, 128], strides = [1, 1]} : vector<8x2048xf32> to vector<8x128xf32>
    %reduce_max3A_31 = arith.constant dense<0xFF800000> : vector<8xf32>
    %reduce_max3A_32 = vector.multi_reduction <maximumf>, %slice3A_30, %reduce_max3A_31 [1] : vector<8x128xf32> to vector<8xf32>
    %broadcast_in_dim3A_33 = vector.shape_cast %reduce_max3A_32 : vector<8xf32> to vector<8x1xf32>
    %slice3A_34 = vector.extract_strided_slice %select_n3A {offsets = [0, 768], sizes = [8, 128], strides = [1, 1]} : vector<8x2048xf32> to vector<8x128xf32>
    %reduce_max3A_35 = arith.constant dense<0xFF800000> : vector<8xf32>
    %reduce_max3A_36 = vector.multi_reduction <maximumf>, %slice3A_34, %reduce_max3A_35 [1] : vector<8x128xf32> to vector<8xf32>
    %broadcast_in_dim3A_37 = vector.shape_cast %reduce_max3A_36 : vector<8xf32> to vector<8x1xf32>
    %slice3A_38 = vector.extract_strided_slice %select_n3A {offsets = [0, 896], sizes = [8, 128], strides = [1, 1]} : vector<8x2048xf32> to vector<8x128xf32>
    %reduce_max3A_39 = arith.constant dense<0xFF800000> : vector<8xf32>
    %reduce_max3A_40 = vector.multi_reduction <maximumf>, %slice3A_38, %reduce_max3A_39 [1] : vector<8x128xf32> to vector<8xf32>
    %broadcast_in_dim3A_41 = vector.shape_cast %reduce_max3A_40 : vector<8xf32> to vector<8x1xf32>
    %slice3A_42 = vector.extract_strided_slice %select_n3A {offsets = [0, 1024], sizes = [8, 128], strides = [1, 1]} : vector<8x2048xf32> to vector<8x128xf32>
    %reduce_max3A_43 = arith.constant dense<0xFF800000> : vector<8xf32>
    %reduce_max3A_44 = vector.multi_reduction <maximumf>, %slice3A_42, %reduce_max3A_43 [1] : vector<8x128xf32> to vector<8xf32>
    %broadcast_in_dim3A_45 = vector.shape_cast %reduce_max3A_44 : vector<8xf32> to vector<8x1xf32>
    %slice3A_46 = vector.extract_strided_slice %select_n3A {offsets = [0, 1152], sizes = [8, 128], strides = [1, 1]} : vector<8x2048xf32> to vector<8x128xf32>
    %reduce_max3A_47 = arith.constant dense<0xFF800000> : vector<8xf32>
    %reduce_max3A_48 = vector.multi_reduction <maximumf>, %slice3A_46, %reduce_max3A_47 [1] : vector<8x128xf32> to vector<8xf32>
    %broadcast_in_dim3A_49 = vector.shape_cast %reduce_max3A_48 : vector<8xf32> to vector<8x1xf32>
    %slice3A_50 = vector.extract_strided_slice %select_n3A {offsets = [0, 1280], sizes = [8, 128], strides = [1, 1]} : vector<8x2048xf32> to vector<8x128xf32>
    %reduce_max3A_51 = arith.constant dense<0xFF800000> : vector<8xf32>
    %reduce_max3A_52 = vector.multi_reduction <maximumf>, %slice3A_50, %reduce_max3A_51 [1] : vector<8x128xf32> to vector<8xf32>
    %broadcast_in_dim3A_53 = vector.shape_cast %reduce_max3A_52 : vector<8xf32> to vector<8x1xf32>
    %slice3A_54 = vector.extract_strided_slice %select_n3A {offsets = [0, 1408], sizes = [8, 128], strides = [1, 1]} : vector<8x2048xf32> to vector<8x128xf32>
    %reduce_max3A_55 = arith.constant dense<0xFF800000> : vector<8xf32>
    %reduce_max3A_56 = vector.multi_reduction <maximumf>, %slice3A_54, %reduce_max3A_55 [1] : vector<8x128xf32> to vector<8xf32>
    %broadcast_in_dim3A_57 = vector.shape_cast %reduce_max3A_56 : vector<8xf32> to vector<8x1xf32>
    %slice3A_58 = vector.extract_strided_slice %select_n3A {offsets = [0, 1536], sizes = [8, 128], strides = [1, 1]} : vector<8x2048xf32> to vector<8x128xf32>
    %reduce_max3A_59 = arith.constant dense<0xFF800000> : vector<8xf32>
    %reduce_max3A_60 = vector.multi_reduction <maximumf>, %slice3A_58, %reduce_max3A_59 [1] : vector<8x128xf32> to vector<8xf32>
    %broadcast_in_dim3A_61 = vector.shape_cast %reduce_max3A_60 : vector<8xf32> to vector<8x1xf32>
    %slice3A_62 = vector.extract_strided_slice %select_n3A {offsets = [0, 1664], sizes = [8, 128], strides = [1, 1]} : vector<8x2048xf32> to vector<8x128xf32>
    %reduce_max3A_63 = arith.constant dense<0xFF800000> : vector<8xf32>
    %reduce_max3A_64 = vector.multi_reduction <maximumf>, %slice3A_62, %reduce_max3A_63 [1] : vector<8x128xf32> to vector<8xf32>
    %broadcast_in_dim3A_65 = vector.shape_cast %reduce_max3A_64 : vector<8xf32> to vector<8x1xf32>
    %slice3A_66 = vector.extract_strided_slice %select_n3A {offsets = [0, 1792], sizes = [8, 128], strides = [1, 1]} : vector<8x2048xf32> to vector<8x128xf32>
    %reduce_max3A_67 = arith.constant dense<0xFF800000> : vector<8xf32>
    %reduce_max3A_68 = vector.multi_reduction <maximumf>, %slice3A_66, %reduce_max3A_67 [1] : vector<8x128xf32> to vector<8xf32>
    %broadcast_in_dim3A_69 = vector.shape_cast %reduce_max3A_68 : vector<8xf32> to vector<8x1xf32>
    %slice3A_70 = vector.extract_strided_slice %select_n3A {offsets = [0, 1920], sizes = [8, 128], strides = [1, 1]} : vector<8x2048xf32> to vector<8x128xf32>
    %reduce_max3A_71 = arith.constant dense<0xFF800000> : vector<8xf32>
    %reduce_max3A_72 = vector.multi_reduction <maximumf>, %slice3A_70, %reduce_max3A_71 [1] : vector<8x128xf32> to vector<8xf32>
    %broadcast_in_dim3A_73 = vector.shape_cast %reduce_max3A_72 : vector<8xf32> to vector<8x1xf32>
    %concatenate3A = tpu.concatenate %broadcast_in_dim3A_13, %broadcast_in_dim3A_17, %broadcast_in_dim3A_21, %broadcast_in_dim3A_25, %broadcast_in_dim3A_29, %broadcast_in_dim3A_33, %broadcast_in_dim3A_37, %broadcast_in_dim3A_41, %broadcast_in_dim3A_45, %broadcast_in_dim3A_49, %broadcast_in_dim3A_53, %broadcast_in_dim3A_57, %broadcast_in_dim3A_61, %broadcast_in_dim3A_65, %broadcast_in_dim3A_69, %broadcast_in_dim3A_73 in 1 : vector<8x1xf32>, vector<8x1xf32>, vector<8x1xf32>, vector<8x1xf32>, vector<8x1xf32>, vector<8x1xf32>, vector<8x1xf32>, vector<8x1xf32>, vector<8x1xf32>, vector<8x1xf32>, vector<8x1xf32>, vector<8x1xf32>, vector<8x1xf32>, vector<8x1xf32>, vector<8x1xf32>, vector<8x1xf32> -> vector<8x16xf32>
    %reshape3A = vector.shape_cast %concatenate3A : vector<8x16xf32> to vector<1x8x16xf32>
    %swap3A_74 = arith.constant 0 : index
    %swap3A_75 = arith.constant 0 : index
    %swap3A_76 = arith.constant 0 : index
    %swap3A_77 = vector.load %arg4[%swap3A_74, %swap3A_75, %swap3A_76] : memref<1x8x16xf32, #tpu.memory_space<vmem>>, vector<1x8x16xf32>
    tpu.vector_store %arg4[%swap3A_74, %swap3A_75, %swap3A_76], %reshape3A {strides = array<i32>} : memref<1x8x16xf32, #tpu.memory_space<vmem>>, vector<1x8x16xf32>,
    return
  }
  func.func @transform_0(%arg0: i32) -> (i32, i32) {
    %c0_i32 = arith.constant 0 : i32
    %c0_i32_0 = arith.constant 0 : i32
    %c0_i32_1 = arith.constant 0 : i32
    return %c0_i32, %c0_i32_0 : i32, i32
  }
  func.func @transform_1(%arg0: i32) -> (i32, i32) {
    %c0_i32 = arith.constant 0 : i32
    %c0_i32_0 = arith.constant 0 : i32
    return %arg0, %c0_i32 : i32, i32
  }
  func.func @transform_2(%arg0: i32) -> (i32, i32) {
    %c0_i32 = arith.constant 0 : i32
    %c0_i32_0 = arith.constant 0 : i32
    return %c0_i32, %arg0 : i32, i32
  }
  func.func @transform_3(%arg0: i32) -> (i32, i32, i32) {
    %c0_i32 = arith.constant 0 : i32
    %c0_i32_0 = arith.constant 0 : i32
    %c0_i32_1 = arith.constant 0 : i32
    return %arg0, %c0_i32, %c0_i32_0 : i32, i32, i32
  }
}

</mosaic_0001>

<sc_bundles>
// kernel: kernel.4.cloned.1.call-start
scs
__scs_entry_jumppad:
0x0: {  	(pc) =	sbr.rel $0x88, $3  }
0x1: {  	(tag) =	ssettag $0x0;
	lr =	simm.s32 $0x1  }
0x2: {  	[smem:$0x3F9E] =	sst lr;
	_ =	strace $0xD0000000  }
0x3: {  	_ = 	snop  }
0x4: {  	_ = 	snop  }
0x5: {  	_ = 	snop  }
0x6: {  	_ = 	snop  }
0x7: {  	_ = 	snop  }
__scs_overlays_trampoline_lowered:
0x8: {  	[smem:$0x3FAD] =	sst s0  }
0x9: {  	[smem:$0x3FAE] =	sst s1  }
0xa: {  	[smem:$0x3FAF] =	sst s2  }
0xb: {  	[smem:$0x3FB0] =	sst s3  }
0xc: {  	[smem:$0x3FB1] =	sst s4  }
0xd: {  	[smem:$0x3FB2] =	sst s5  }
0xe: {  	[smem:$0x3FB3] =	sst s6  }
0xf: {  	[smem:$0x3FB4] =	sst s7  }
0x10: {  	[smem:$0x3FB5] =	sst s8  }
0x11: {  	[smem:$0x3FB6] =	sst s9;
	s0 =	simm.s32 @!p0 $0x0  }
0x12: {  	s1 =	sld [smem:$0x3F9C];
	s0 =	simm.s32 @p0 $0x1  }
0x13: {  	[smem:$0x3FB7] =	sst s0;
	s0 =	simm.s32 @!p1 $0x0  }
0x14: {  	s2 =	sld [smem:$0x3F9B];
	s0 =	simm.s32 @p1 $0x1  }
0x15: {  	[smem:$0x3FB8] =	sst s0;
	s0 =	simm.s32 @!p2 $0x0  }
0x16: {  	s3 =	sld [smem:$0x3FDB];
	s0 =	simm.s32 @p2 $0x1  }
0x17: {  	s4 =	simm.s32 $0x1BF5;
	[smem:$0x3FBA] =	sst s0  }
0x18: {  	s0 =	sld [smem:$0x3F9D];
	_ =	swait.ge [sflag:s4], $0x0  }
0x19: {  	s7 =	sld [smem:$0x3F9E]  }
0x1a: {  	s8 =	sadd.s32 $0xFFFFE003, lr  }
0x1b: {  	s9 =	sadd.s32 $0xFFFFFEF7, lr;
	s5 =	simm.s32 $0xFFFFFFFF;
	p2 =	slt.u32 s8, $0xFFFFF086  }
0x1c: {  	p1 =	slt.u32 s9, $0xF7A;
	s5 =	simm.s32 @!p2 $0x0  }
0x1d: {  	s5 =	simm.s32 @p1 $0x1;
	p0 =	seq.s32 s7, s2  }
0x1e: {  	s7 =	smul.u32 @!p0 $0xF7A, s2;
	p2 =	seq.s32 @!p0 s5, $0x0  }
0x1f: {  	s9 =	smul.u32 $0xF7A, s1;
	s8 =	simm.s32 @!p0 $0x1BF5;
	p2 =	por !p2, p0  }
0x20: {  	[sflag:s8] =	ssyncset.s32 @!p0 $0xFFFFF086;
	s6 =	sadd.s32 @!p0 s3, s7;
	s7 =	simm.s32 @!p0 $0x108  }
0x21: {  	s3 =	sadd.s32 s3, s9;
	s6 =	sadd.s32 @!p0 $0x88, s6;
	s7 =	simm.s32 @p2 $0x1082  }
0x22: {  	[simem:s7], [sflag:s8] =	dma.local @!p0 [hbm:s6], $0xF7A  }
0x23: {  	s9 =	sor.u32 $0xD0000000, s2;
	s6 =	simm.s32 $0x108;
	_ =	swait.ge @!p0 [sflag:s8], $0x0  }
0x24: {  	s3 =	sadd.s32 $0x88, s3;
	s6 =	simm.s32 @!p1 $0x1082;
	[sflag:s4] =	ssyncset.s32 $0xFFFFF086  }
0x25: {  	[simem:s6], [sflag:s4] =	dma.local [hbm:s3], $0xF7A  }
0x26: {  	[smem:$0x3F9E] =	sst s1;
	(tag) =	ssettag s2;
	_ =	strace s9  }
0x27: {  	s1 =	sld [smem:$0x3FAE]  }
0x28: {  	s2 =	sld [smem:$0x3FAF]  }
0x29: {  	s4 =	sld [smem:$0x3FB1]  }
0x2a: {  	p0 =	seq.s32 s5, $0x0;
	s5 =	sld [smem:$0x3FB2]  }
0x2b: {  	s6 =	sld [smem:$0x3FB3]  }
0x2c: {  	s7 =	sld [smem:$0x3FB4]  }
0x2d: {  	s3 =	simm.s32 $0x108;
	s8 =	sld [smem:$0x3FB5]  }
0x2e: {  	s3 =	simm.s32 @!p0 $0x1082;
	s9 =	sld [smem:$0x3FB6]  }
0x2f: {  	lr =	sadd.s32 s0, s3;
	s0 =	sld [smem:$0x3FAD]  }
0x30: {  	s3 =	sld [smem:$0x3FB0]  }
0x31: {  	[smem:$0x3FB9] =	sst s10  }
0x32: {  	s10 =	sld [smem:$0x3FB7];
	_ =	sdelay $0x3  }
0x33: {  	p0 =	seq.s32 s10, $0x1;
	s10 =	sld [smem:$0x3FB9];
	_ =	sdelay $0x3  }
0x34: {  	[smem:$0x3FB9] =	sst s10  }
0x35: {  	s10 =	sld [smem:$0x3FB8];
	_ =	sdelay $0x3  }
0x36: {  	p1 =	seq.s32 s10, $0x1;
	s10 =	sld [smem:$0x3FB9];
	_ =	sdelay $0x3  }
0x37: {  	[smem:$0x3FB9] =	sst s10  }
0x38: {  	s10 =	sld [smem:$0x3FBA]  }
0x39: {  	_ = 	snop;
	(pc) =	sbr.ind lr, $3  }
0x3a: {  	_ = 	snop  }
0x3b: {  	_ = 	snop  }
0x3c: {  	p2 =	seq.s32 s10, $0x1;
	s10 =	sld [smem:$0x3FB9]  }
0x3d: {  	_ =	shalt  }
0x3e: {  	_ =	shalt  }
0x3f: {  	_ =	shalt  }
0x40: {  	_ =	shalt  }
0x41: {  	_ =	shalt  }
0x42: {  	_ =	shalt  }
0x43: {  	_ =	shalt  }
0x44: {  	_ =	shalt  }
0x45: {  	_ =	shalt  }
0x46: {  	_ =	shalt  }
0x47: {  	_ =	shalt  }
0x48: {  	_ =	shalt  }
0x49: {  	_ =	shalt  }
0x4a: {  	_ =	shalt  }
0x4b: {  	_ =	shalt  }
0x4c: {  	_ =	shalt  }
0x4d: {  	_ =	shalt  }
0x4e: {  	_ =	shalt  }
0x4f: {  	_ =	shalt  }
0x50: {  	_ =	shalt  }
0x51: {  	_ =	shalt  }
0x52: {  	_ =	shalt  }
0x53: {  	_ =	shalt  }
0x54: {  	_ =	shalt  }
0x55: {  	_ =	shalt  }
0x56: {  	_ =	shalt  }
0x57: {  	_ =	shalt  }
0x58: {  	_ =	shalt  }
0x59: {  	_ =	shalt  }
0x5a: {  	_ =	shalt  }
0x5b: {  	_ =	shalt  }
0x5c: {  	_ =	shalt  }
0x5d: {  	_ =	shalt  }
0x5e: {  	_ =	shalt  }
0x5f: {  	_ =	shalt  }
0x60: {  	_ =	shalt  }
0x61: {  	_ =	shalt  }
0x62: {  	_ =	shalt  }
0x63: {  	_ =	shalt  }
0x64: {  	_ =	shalt  }
0x65: {  	_ =	shalt  }
0x66: {  	_ =	shalt  }
0x67: {  	_ =	shalt  }
0x68: {  	_ =	shalt  }
0x69: {  	_ =	shalt  }
0x6a: {  	_ =	shalt  }
0x6b: {  	_ =	shalt  }
0x6c: {  	_ =	shalt  }
0x6d: {  	_ =	shalt  }
0x6e: {  	_ =	shalt  }
0x6f: {  	_ =	shalt  }
0x70: {  	_ =	shalt  }
0x71: {  	_ =	shalt  }
0x72: {  	_ =	shalt  }
0x73: {  	_ =	shalt  }
0x74: {  	_ =	shalt  }
0x75: {  	_ =	shalt  }
0x76: {  	_ =	shalt  }
0x77: {  	_ =	shalt  }
0x78: {  	_ =	shalt  }
0x79: {  	_ =	shalt  }
0x7a: {  	_ =	shalt  }
0x7b: {  	_ =	shalt  }
0x7c: {  	_ =	shalt  }
0x7d: {  	_ =	shalt  }
0x7e: {  	_ =	shalt  }
0x7f: {  	_ =	shalt  }
0x80: {  	_ =	shalt  }
0x81: {  	_ =	shalt  }
0x82: {  	_ =	shalt  }
0x83: {  	_ =	shalt  }
0x84: {  	_ =	shalt  }
0x85: {  	_ =	shalt  }
0x86: {  	_ =	shalt  }
0x87: {  	_ =	shalt  }
.Lfunc_end0:
.L_simem_size_0:
called_computation_lowered:
.L_overlay_start_0:
0x88: {  	s2 =	sld [smem:$0x3FD9]  }
0x89: {  	s3 =	sld [smem:$0x3FFE];
	_ =	sdelay $0x1  }
0x8a: {  	s1 =	srdreg.scid  }
0x8b: {  	s0 =	sand.u32 $0x1, s1  }
0x8c: {  	s17 =	sshll.u32 s0, $0xA;
	s2 =	sadd.s32 s3, s2  }
0x8d: {  	s2 =	sadd.s32 s2, s17  }
0x8e: {  	[smem:$0x3FC5] =	sst s2  }
0x8f: {  	_ = 	snop  }
0x90: {  	s2 =	sld [smem:$0x3FC7]  }
0x91: {  	s18 =	sld [smem:$0x3FD0];
	(tm) =	ssettm $0x1  }
0x92: {  	s4 =	sld [smem:$0x3FFB];
	_ =	sdelay $0x3  }
0x93: {  	_ =	strace s4  }
0x94: {  	s4 =	sld [smem:$0x3FFC];
	_ =	sdelay $0x3  }
0x95: {  	_ =	strace s4  }
0x96: {  	s4 =	sld [smem:$0x3FFD];
	_ =	sdelay $0x3  }
0x97: {  	_ =	strace s4  }
0x98: {  	_ =	strace $0x8FFFFFFF  }
0x99: {  	s19 =	sld [smem:$0x3FDB];
	_ =	sdelay $0x1  }
0x9a: {  	s5 =	simm.s32 $_scs_section_size  }
0x9b: {  	s6 =	simm.s32 $_size__tile_overlayer_lowered;
	s7 =	simm.s32 $_tile_overlayer_lowered  }
0x9c: {  	s22 =	simm.s32 $0x1BFF;
	s21 =	sshll.u32 s7, $0x1;
	s4 =	sadd.s32 s5, s19  }
0x9d: {  	s8 =	simm.s32 $0x0;
	s20 =	sshll.u32 s6, $0x1;
	s6 =	sadd.s32 s21, s4  }
0x9e: {  	[timem:s8], [sflag:s22] =	dma.local [hbm:s6], s20  }
0x9f: {  	_ =	swait.ge [sflag:s22], s20  }
0xa0: {  	s5 =	ssub.s32 $0x0, s20;
	[sflag:s22] =	ssyncset.done $0x0  }
0xa1: {  	[sflag:s22] =	ssyncadd.s32 s5;
	_ =	sdelay $0x1  }
0xa2: {  	s23 =	simm.s32 $0x1B8B  }
0xa3: {  	_ =	swait.ge [sflag:s23], $0x1  }
0xa4: {  	[sflag:s23] =	ssyncset.done $0x0  }
0xa5: {  	s25 =	simm.s32 $0x1B8E;
	s24 =	sld [smem:$0x3FFE];
	[sflag:s23] =	ssyncadd.s32 $0xFFFFFFFF  }
0xa6: {  	s26 =	simm.s32 $execute0_lowered;
	[smem:$0x3FD2] =	sst s25  }
0xa7: {  	s6 =	sshll.u32 s26, $0x1;
	_ =	strace $0x80000046;
	[dreg:$0x1] =	wrdreg $0xFFFFFFFF  }
0xa8: {  	s28 =	simm.s32 $_size_execute0_lowered;
	s4 =	sadd.s32 s4, s6;
	[dreg:$0x0] =	wrdreg $0x0  }
0xa9: {  	s6 =	sshll.u32 s28, $0x1;
	[dreg:$0x2] =	wrdreg s4  }
0xaa: {  	[dreg:$0x3] =	wrdreg s6  }
0xab: {  	[dreg:$0x4] =	wrdreg $0xC0  }
0xac: {  	_ =	task [dreg:s8], $0x5FFFF  }
0xad: {  	[dreg:$0x1] =	wrdreg $0xFFFFFFFF  }
0xae: {  	[dreg:$0x0] =	wrdreg $0x60  }
0xaf: {  	[dreg:$0x2] =	wrdreg s24  }
0xb0: {  	[dreg:$0x3] =	wrdreg s2  }
0xb1: {  	[dreg:$0x4] =	wrdreg s18  }
0xb2: {  	[dreg:$0x5] =	wrdreg $0x9  }
0xb3: {  	_ =	task.clear_ibuf [dreg:s8], $0x6FFFF;
	_ =	strace $0x90000046  }
0xb4: {  	s29 =	simm.s32 $0x9;
	_ =	strace $0x80000048  }
0xb5: {  	_ =	swait.ge [sflag:s29], $0x1  }
0xb6: {  	[sflag:s29] =	ssyncadd.s32 $0xFFFFFFFF  }
0xb7: {  	_ =	strace $0x90000048  }
0xb8: {  	_ =	sfence  }
0xb9: {  	s30 =	sld [smem:$0x0];
	_ =	sdelay $0x2  }
0xba: {  	s31 =	sshll.u32 s1, $0xD;
	s1 =	sshrl.u32 s1, $0x2  }
0xbb: {  	s3 =	sand.u32 $0x4000, s31;
	s1 =	sadd.s32 s1, s30  }
0xbc: {  	s0 =	sor.u32 s3, s0;
	s1 =	sshll.u32 s1, $0x11  }
0xbd: {  	s0 =	sor.u32 s1, s0  }
0xbe: {  	s0 =	sadd.s32 $0x8F2B, s0  }
0xbf: {  	[sflag:s0] =	ssyncadd.remote.s32 $0x1  }
0xc0: {  	_ =	sfence.sel $0xFFFF  }
0xc1: {  	[dreg:$0x0] =	wrdreg $0xFFFFFFFF;
	(pc) =	sbr.abs _section_cstart, $3  }
0xc2: {  	[dreg:$0x1] =	wrdreg $0xFFFFFFFF  }
0xc3: {  	_ =	task.clear_ibuf [dreg:s8], $0x2FFFF;
	_ =	strace $0x9FFFFFFF  }
0xc4: {  	(tm) =	ssettm $0x7FFFFFFF  }
0xc5: {  	_ =	shalt  }
tec
execute0_lowered:
.L_overlay_start_1:
0x0: {  	(tag) =	ssettag $0x1  }
0x1: {  	s1 =	stileid.u32  }
0x2: {  	p0 =	sgt.u32 s1, $0x3  }
.Ltmp0:
0x3: {  	s5 =	rddreg [dreg:$0x0];
	(pc) =	sbr.rel @p0 .LBB2_37-.Ltmp0, $4  }
0x4: {  	s2 =	rddreg [dreg:$0x1]  }
0x5: {  	s10 =	rddreg [dreg:$0x2];
	s3 =	simm.s32 $0x0  }
0x6: {  	[smem:$0x7FF] =	sst s3  }
0x7: {  	s0 =	rddreg [dreg:$0x3];
	_ =	strace $0x80000047  }
0x8: {  	v1 =	vlaneseq.u32  }
0x9: {  	vm0 =	vmmov $0xffff;
	v2 =	vor.u32 $0x10, v1  }
0xa: {  	v3 =	vor.u32 $0x20, v1;
	v4 =	vor.u32 $0x30, v1;
	v5 =	vor.u32 $0x40, v1  }
0xb: {  	v6 =	vor.u32 $0x50, v1;
	v7 =	vor.u32 $0x60, v1;
	v8 =	vor.u32 $0x70, v1  }
0xc: {  	v9 =	vor.u32 $0x80, v1;
	v10 =	vor.u32 $0x90, v1;
	v11 =	vor.u32 $0xA0, v1  }
0xd: {  	v12 =	vor.u32 $0xB0, v1;
	v13 =	vor.u32 $0xC0, v1;
	v14 =	vor.u32 $0xD0, v1  }
0xe: {  	v15 =	vor.u32 $0xE0, v1;
	v16 =	vor.u32 $0xF0, v1;
	v17 =	vor.u32 $0x100, v1  }
0xf: {  	s4 =	srdreg.scid;
	v18 =	vor.u32 $0x110, v1;
	v19 =	vor.u32 $0x120, v1;
	v20 =	vor.u32 $0x130, v1  }
0x10: {  	s31 =	sshll.u32 s1, $0x1;
	s7 =	sadd.s32 $0x100, s2;
	s14 =	simm.s32 $0x1;
	v21 =	vor.u32 $0x140, v1;
	v22 =	vor.u32 $0x150, v1;
	v23 =	vor.u32 $0x160, v1  }
0x11: {  	s15 =	simm.s32 $0xCC00;
	s16 =	simm.s32 $0xD400;
	s17 =	simm.s32 $0xDC00;
	v24 =	vor.u32 $0x170, v1;
	v25 =	vor.u32 $0x180, v1;
	v26 =	vor.u32 $0x190, v1  }
0x12: {  	s18 =	simm.s32 $0xE400;
	s19 =	simm.s32 $0xEC00;
	s20 =	simm.s32 $0xF400;
	v27 =	vor.u32 $0x1A0, v1;
	v28 =	vor.u32 $0x1B0, v1;
	v29 =	vor.u32 $0x1C0, v1  }
0x13: {  	s21 =	simm.s32 $0xFC00;
	s22 =	simm.s32 $0x10400;
	s23 =	simm.s32 $0x80;
	v30 =	vor.u32 $0x1D0, v1;
	v31 =	vor.u32 $0x1E0, v1;
	v32 =	vor.u32 $0x1F0, v1  }
0x14: {  	s24 =	simm.s32 $0x400;
	s25 =	simm.s32 $0x10C00;
	s8 =	sand.u32 $0x1, s4;
	v33 =	vor.u32 $0x200, v1;
	v34 =	vor.u32 $0x210, v1;
	v35 =	vor.u32 $0x220, v1  }
0x15: {  	v36 =	vor.u32 $0x230, v1;
	v37 =	vor.u32 $0x240, v1;
	v38 =	vor.u32 $0x250, v1;
	s9 =	sor.u32 s8, s31;
	s11 =	ssub.s32 $0x2, s8;
	s8 =	sadd.s32 $0x200, s2  }
0x16: {  	v39 =	vor.u32 $0x260, v1;
	v40 =	vor.u32 $0x270, v1;
	v41 =	vor.u32 $0x280, v1;
	s4 =	smul.u32 $0x310, s9;
	s6 =	sshll.u32 s9, $0x7;
	s12 =	sshll.u32 s9, $0x4  }
0x17: {  	v42 =	vor.u32 $0x290, v1;
	v43 =	vor.u32 $0x2A0, v1;
	v44 =	vor.u32 $0x2B0, v1;
	s13 =	sshrl.u32 s11, $0x1;
	s9 =	sadd.s32 $0x300, s2;
	s10 =	sadd.s32 s10, s12  }
0x18: {  	v45 =	vor.u32 $0x2C0, v1;
	v46 =	vor.u32 $0x2D0, v1;
	s11 =	ssub.s32 s11, s13;
	s12 =	simm.s32 $0x2;
	s13 =	simm.s32 $0xC400;
	v0 =	vmov s4  }
0x19: {  	v47 =	vor.u32 $0x2E0, v1;
	v48 =	vor.u32 $0x2F0, v1;
	v49 =	vor.u32 $0x300, v1;
	s4 =	sadd.s32 $0x2400, s5;
	s5 =	sadd.s32 $0xA00, s5;
	s11 =	smax.u32 s11, $0x1;
	[tilespmem:$0x1FFF0] =	vst v0  }
.LBB2_2:
0x1a: {  	s26 =	simm.s32 $0x0  }
0x1b: {  	[tilespmem:s26], [sflag:$0x2] =	stream.linear.gather [hbm4b:s5+s26], $0xC400, $0x38;
	[tilespmem:$0x11000] =	vst v63  }
0x1c: {  	_ =	swait.ge [sflag:s12], $0xC400  }
0x1d: {  	[sflag:s12] =	ssyncset.done $0x0  }
0x1e: {  	[sflag:s12] =	ssyncadd.s32 $0xFFFF3C00  }
0x1f: {  	v50 =	vld [tilespmem:s6+$0x0];
	_ =	sdelay $0x4  }
0x20: {  	(xrf1) =	vsort.dscd.msk.f32 $0xffff, v50, v1;
	_ =	sdelay $0xc  }
0x21: {  	v57 =	vld [tilespmem:s6+$0x400]  }
0x22: {  	v51, v52, _ =	vpop (xrf1)  }
0x23: {  	vm1 =	veq.f32 v51, $-Inf  }
0x24: {  	v52 =	vsel vm1, $0x0, v52  }
0x25: {  	(xrf1) =	vsort.ascd.msk.f32 $0xffff, v51, v52  }
0x26: {  	(xrf1) =	vsort.dscd.msk.f32 $0xffff, v57, v2;
	_ =	sdelay $0xc  }
0x27: {  	v59 =	vld [tilespmem:s6+$0x800];
	v58, v51, _ =	vpop (xrf1)  }
0x28: {  	v53, v54, _ =	vpop (xrf1)  }
0x29: {  	vm1 =	vge.f32 v58, v53  }
0x2a: {  	v50 =	vsel vm1, v58, v53;
	v51 =	vsel vm1, v51, v54  }
0x2b: {  	(xrf1) =	vsort.ascd.msk.f32 $0xffff, v50, v51  }
0x2c: {  	(xrf1) =	vsort.dscd.msk.f32 $0xffff, v59, v3;
	_ =	sdelay $0xc  }
0x2d: {  	v60 =	vld [tilespmem:s6+$0xC00];
	v50, v51, _ =	vpop (xrf1)  }
0x2e: {  	v61, v62, _ =	vpop (xrf1)  }
0x2f: {  	vm1 =	vge.f32 v50, v61  }
0x30: {  	v50 =	vsel vm1, v50, v61;
	v51 =	vsel vm1, v51, v62  }
0x31: {  	(xrf1) =	vsort.ascd.msk.f32 $0xffff, v50, v51  }
0x32: {  	(xrf1) =	vsort.dscd.msk.f32 $0xffff, v60, v4;
	_ =	sdelay $0xc  }
0x33: {  	v63 =	vld [tilespmem:s6+$0x1000];
	v50, v51, _ =	vpop (xrf1)  }
0x34: {  	v57, v58, _ =	vpop (xrf1)  }
0x35: {  	vm1 =	vge.f32 v50, v57  }
0x36: {  	v50 =	vsel vm1, v50, v57;
	v51 =	vsel vm1, v51, v58  }
0x37: {  	(xrf1) =	vsort.ascd.msk.f32 $0xffff, v50, v51  }
0x38: {  	(xrf1) =	vsort.dscd.msk.f32 $0xffff, v63, v5;
	_ =	sdelay $0xc  }
0x39: {  	v59 =	vld [tilespmem:s6+$0x1400];
	v50, v51, _ =	vpop (xrf1)  }
0x3a: {  	v60, v61, _ =	vpop (xrf1)  }
0x3b: {  	vm1 =	vge.f32 v50, v60  }
0x3c: {  	v50 =	vsel vm1, v50, v60;
	v51 =	vsel vm1, v51, v61  }
0x3d: {  	(xrf1) =	vsort.ascd.msk.f32 $0xffff, v50, v51  }
0x3e: {  	(xrf1) =	vsort.dscd.msk.f32 $0xffff, v59, v6;
	_ =	sdelay $0xc  }
0x3f: {  	v62 =	vld [tilespmem:s6+$0x1800];
	v50, v51, _ =	vpop (xrf1)  }
0x40: {  	v63, v57, _ =	vpop (xrf1)  }
0x41: {  	vm1 =	vge.f32 v50, v63  }
0x42: {  	v50 =	vsel vm1, v50, v63;
	v51 =	vsel vm1, v51, v57  }
0x43: {  	(xrf1) =	vsort.ascd.msk.f32 $0xffff, v50, v51  }
0x44: {  	(xrf1) =	vsort.dscd.msk.f32 $0xffff, v62, v7;
	_ =	sdelay $0xc  }
0x45: {  	v58 =	vld [tilespmem:s6+$0x1C00];
	v50, v51, _ =	vpop (xrf1)  }
0x46: {  	v59, v60, _ =	vpop (xrf1)  }
0x47: {  	vm1 =	vge.f32 v50, v59  }
0x48: {  	v50 =	vsel vm1, v50, v59;
	v51 =	vsel vm1, v51, v60  }
0x49: {  	(xrf1) =	vsort.ascd.msk.f32 $0xffff, v50, v51  }
0x4a: {  	(xrf1) =	vsort.dscd.msk.f32 $0xffff, v58, v8;
	_ =	sdelay $0xc  }
0x4b: {  	v61 =	vld [tilespmem:s6+$0x2000];
	v50, v51, _ =	vpop (xrf1)  }
0x4c: {  	v62, v63, _ =	vpop (xrf1)  }
0x4d: {  	vm1 =	vge.f32 v50, v62  }
0x4e: {  	v50 =	vsel vm1, v50, v62;
	v51 =	vsel vm1, v51, v63  }
0x4f: {  	(xrf1) =	vsort.ascd.msk.f32 $0xffff, v50, v51  }
0x50: {  	(xrf1) =	vsort.dscd.msk.f32 $0xffff, v61, v9;
	_ =	sdelay $0xc  }
0x51: {  	v57 =	vld [tilespmem:s6+$0x2400];
	v50, v51, _ =	vpop (xrf1)  }
0x52: {  	v58, v59, _ =	vpop (xrf1)  }
0x53: {  	vm1 =	vge.f32 v50, v58  }
0x54: {  	v50 =	vsel vm1, v50, v58;
	v51 =	vsel vm1, v51, v59  }
0x55: {  	(xrf1) =	vsort.ascd.msk.f32 $0xffff, v50, v51  }
0x56: {  	(xrf1) =	vsort.dscd.msk.f32 $0xffff, v57, v10;
	_ =	sdelay $0xc  }
0x57: {  	v60 =	vld [tilespmem:s6+$0x2800];
	v50, v51, _ =	vpop (xrf1)  }
0x58: {  	v61, v62, _ =	vpop (xrf1)  }
0x59: {  	vm1 =	vge.f32 v50, v61  }
0x5a: {  	v50 =	vsel vm1, v50, v61;
	v51 =	vsel vm1, v51, v62  }
0x5b: {  	(xrf1) =	vsort.ascd.msk.f32 $0xffff, v50, v51  }
0x5c: {  	(xrf1) =	vsort.dscd.msk.f32 $0xffff, v60, v11;
	_ =	sdelay $0xc  }
0x5d: {  	v63 =	vld [tilespmem:s6+$0x2C00];
	v50, v51, _ =	vpop (xrf1)  }
0x5e: {  	v57, v58, _ =	vpop (xrf1)  }
0x5f: {  	vm1 =	vge.f32 v50, v57  }
0x60: {  	v50 =	vsel vm1, v50, v57;
	v51 =	vsel vm1, v51, v58  }
0x61: {  	(xrf1) =	vsort.ascd.msk.f32 $0xffff, v50, v51  }
0x62: {  	(xrf1) =	vsort.dscd.msk.f32 $0xffff, v63, v12;
	_ =	sdelay $0xc  }
0x63: {  	v59 =	vld [tilespmem:s6+$0x3000];
	v50, v51, _ =	vpop (xrf1)  }
0x64: {  	v60, v61, _ =	vpop (xrf1)  }
0x65: {  	vm1 =	vge.f32 v50, v60  }
0x66: {  	v50 =	vsel vm1, v50, v60;
	v51 =	vsel vm1, v51, v61  }
0x67: {  	(xrf1) =	vsort.ascd.msk.f32 $0xffff, v50, v51  }
0x68: {  	(xrf1) =	vsort.dscd.msk.f32 $0xffff, v59, v13;
	_ =	sdelay $0xc  }
0x69: {  	v62 =	vld [tilespmem:s6+$0x3400];
	v50, v51, _ =	vpop (xrf1)  }
0x6a: {  	v63, v57, _ =	vpop (xrf1)  }
0x6b: {  	vm1 =	vge.f32 v50, v63  }
0x6c: {  	v50 =	vsel vm1, v50, v63;
	v51 =	vsel vm1, v51, v57  }
0x6d: {  	(xrf1) =	vsort.ascd.msk.f32 $0xffff, v50, v51  }
0x6e: {  	(xrf1) =	vsort.dscd.msk.f32 $0xffff, v62, v14;
	_ =	sdelay $0xc  }
0x6f: {  	v58 =	vld [tilespmem:s6+$0x3800];
	v50, v51, _ =	vpop (xrf1)  }
0x70: {  	v59, v60, _ =	vpop (xrf1)  }
0x71: {  	vm1 =	vge.f32 v50, v59  }
0x72: {  	v50 =	vsel vm1, v50, v59;
	v51 =	vsel vm1, v51, v60  }
0x73: {  	(xrf1) =	vsort.ascd.msk.f32 $0xffff, v50, v51  }
0x74: {  	(xrf1) =	vsort.dscd.msk.f32 $0xffff, v58, v15;
	_ =	sdelay $0xc  }
0x75: {  	v61 =	vld [tilespmem:s6+$0x3C00];
	v50, v51, _ =	vpop (xrf1)  }
0x76: {  	v62, v63, _ =	vpop (xrf1)  }
0x77: {  	vm1 =	vge.f32 v50, v62  }
0x78: {  	v50 =	vsel vm1, v50, v62;
	v51 =	vsel vm1, v51, v63  }
0x79: {  	(xrf1) =	vsort.ascd.msk.f32 $0xffff, v50, v51  }
0x7a: {  	(xrf1) =	vsort.dscd.msk.f32 $0xffff, v61, v16;
	_ =	sdelay $0xc  }
0x7b: {  	v57 =	vld [tilespmem:s6+$0x4000];
	v50, v51, _ =	vpop (xrf1)  }
0x7c: {  	v58, v59, _ =	vpop (xrf1)  }
0x7d: {  	vm1 =	vge.f32 v50, v58  }
0x7e: {  	v50 =	vsel vm1, v50, v58;
	v51 =	vsel vm1, v51, v59  }
0x7f: {  	(xrf1) =	vsort.ascd.msk.f32 $0xffff, v50, v51  }
0x80: {  	(xrf1) =	vsort.dscd.msk.f32 $0xffff, v57, v17;
	_ =	sdelay $0xc  }
0x81: {  	v60 =	vld [tilespmem:s6+$0x4400];
	v50, v51, _ =	vpop (xrf1)  }
0x82: {  	v61, v62, _ =	vpop (xrf1)  }
0x83: {  	vm1 =	vge.f32 v50, v61  }
0x84: {  	v50 =	vsel vm1, v50, v61;
	v51 =	vsel vm1, v51, v62  }
0x85: {  	(xrf1) =	vsort.ascd.msk.f32 $0xffff, v50, v51  }
0x86: {  	(xrf1) =	vsort.dscd.msk.f32 $0xffff, v60, v18;
	_ =	sdelay $0xc  }
0x87: {  	v63 =	vld [tilespmem:s6+$0x4800];
	v50, v51, _ =	vpop (xrf1)  }
0x88: {  	v57, v58, _ =	vpop (xrf1)  }
0x89: {  	vm1 =	vge.f32 v50, v57  }
0x8a: {  	v50 =	vsel vm1, v50, v57;
	v51 =	vsel vm1, v51, v58  }
0x8b: {  	(xrf1) =	vsort.ascd.msk.f32 $0xffff, v50, v51  }
0x8c: {  	(xrf1) =	vsort.dscd.msk.f32 $0xffff, v63, v19;
	_ =	sdelay $0xc  }
0x8d: {  	v59 =	vld [tilespmem:s6+$0x4C00];
	v50, v51, _ =	vpop (xrf1)  }
0x8e: {  	v60, v61, _ =	vpop (xrf1)  }
0x8f: {  	vm1 =	vge.f32 v50, v60  }
0x90: {  	v50 =	vsel vm1, v50, v60;
	v51 =	vsel vm1, v51, v61  }
0x91: {  	(xrf1) =	vsort.ascd.msk.f32 $0xffff, v50, v51  }
0x92: {  	(xrf1) =	vsort.dscd.msk.f32 $0xffff, v59, v20;
	_ =	sdelay $0xc  }
0x93: {  	v62 =	vld [tilespmem:s6+$0x5000];
	v50, v51, _ =	vpop (xrf1)  }
0x94: {  	v63, v57, _ =	vpop (xrf1)  }
0x95: {  	vm1 =	vge.f32 v50, v63  }
0x96: {  	v50 =	vsel vm1, v50, v63;
	v51 =	vsel vm1, v51, v57  }
0x97: {  	(xrf1) =	vsort.ascd.msk.f32 $0xffff, v50, v51  }
0x98: {  	(xrf1) =	vsort.dscd.msk.f32 $0xffff, v62, v21;
	_ =	sdelay $0xc  }
0x99: {  	v58 =	vld [tilespmem:s6+$0x5400];
	v50, v51, _ =	vpop (xrf1)  }
0x9a: {  	v59, v60, _ =	vpop (xrf1)  }
0x9b: {  	vm1 =	vge.f32 v50, v59  }
0x9c: {  	v50 =	vsel vm1, v50, v59;
	v51 =	vsel vm1, v51, v60  }
0x9d: {  	(xrf1) =	vsort.ascd.msk.f32 $0xffff, v50, v51  }
0x9e: {  	(xrf1) =	vsort.dscd.msk.f32 $0xffff, v58, v22;
	_ =	sdelay $0xc  }
0x9f: {  	v61 =	vld [tilespmem:s6+$0x5800];
	v50, v51, _ =	vpop (xrf1)  }
0xa0: {  	v62, v63, _ =	vpop (xrf1)  }
0xa1: {  	vm1 =	vge.f32 v50, v62  }
0xa2: {  	v50 =	vsel vm1, v50, v62;
	v51 =	vsel vm1, v51, v63  }
0xa3: {  	(xrf1) =	vsort.ascd.msk.f32 $0xffff, v50, v51  }
0xa4: {  	(xrf1) =	vsort.dscd.msk.f32 $0xffff, v61, v23;
	_ =	sdelay $0xc  }
0xa5: {  	v57 =	vld [tilespmem:s6+$0x5C00];
	v50, v51, _ =	vpop (xrf1)  }
0xa6: {  	v58, v59, _ =	vpop (xrf1)  }
0xa7: {  	vm1 =	vge.f32 v50, v58  }
0xa8: {  	v50 =	vsel vm1, v50, v58;
	v51 =	vsel vm1, v51, v59  }
0xa9: {  	(xrf1) =	vsort.ascd.msk.f32 $0xffff, v50, v51  }
0xaa: {  	(xrf1) =	vsort.dscd.msk.f32 $0xffff, v57, v24;
	_ =	sdelay $0xc  }
0xab: {  	v60 =	vld [tilespmem:s6+$0x6000];
	v50, v51, _ =	vpop (xrf1)  }
0xac: {  	v61, v62, _ =	vpop (xrf1)  }
0xad: {  	vm1 =	vge.f32 v50, v61  }
0xae: {  	v50 =	vsel vm1, v50, v61;
	v51 =	vsel vm1, v51, v62  }
0xaf: {  	(xrf1) =	vsort.ascd.msk.f32 $0xffff, v50, v51  }
0xb0: {  	(xrf1) =	vsort.dscd.msk.f32 $0xffff, v60, v25;
	_ =	sdelay $0xc  }
0xb1: {  	v63 =	vld [tilespmem:s6+$0x6400];
	v50, v51, _ =	vpop (xrf1)  }
0xb2: {  	v57, v58, _ =	vpop (xrf1)  }
0xb3: {  	vm1 =	vge.f32 v50, v57  }
0xb4: {  	v50 =	vsel vm1, v50, v57;
	v51 =	vsel vm1, v51, v58  }
0xb5: {  	(xrf1) =	vsort.ascd.msk.f32 $0xffff, v50, v51  }
0xb6: {  	(xrf1) =	vsort.dscd.msk.f32 $0xffff, v63, v26;
	_ =	sdelay $0xc  }
0xb7: {  	v59 =	vld [tilespmem:s6+$0x6800];
	v50, v51, _ =	vpop (xrf1)  }
0xb8: {  	v60, v61, _ =	vpop (xrf1)  }
0xb9: {  	vm1 =	vge.f32 v50, v60  }
0xba: {  	v50 =	vsel vm1, v50, v60;
	v51 =	vsel vm1, v51, v61  }
0xbb: {  	(xrf1) =	vsort.ascd.msk.f32 $0xffff, v50, v51  }
0xbc: {  	(xrf1) =	vsort.dscd.msk.f32 $0xffff, v59, v27;
	_ =	sdelay $0xc  }
0xbd: {  	v62 =	vld [tilespmem:s6+$0x6C00];
	v50, v51, _ =	vpop (xrf1)  }
0xbe: {  	v63, v57, _ =	vpop (xrf1)  }
0xbf: {  	vm1 =	vge.f32 v50, v63  }
0xc0: {  	v50 =	vsel vm1, v50, v63;
	v51 =	vsel vm1, v51, v57  }
0xc1: {  	(xrf1) =	vsort.ascd.msk.f32 $0xffff, v50, v51  }
0xc2: {  	(xrf1) =	vsort.dscd.msk.f32 $0xffff, v62, v28;
	_ =	sdelay $0xc  }
0xc3: {  	v58 =	vld [tilespmem:s6+$0x7000];
	v50, v51, _ =	vpop (xrf1)  }
0xc4: {  	v59, v60, _ =	vpop (xrf1)  }
0xc5: {  	vm1 =	vge.f32 v50, v59  }
0xc6: {  	v50 =	vsel vm1, v50, v59;
	v51 =	vsel vm1, v51, v60  }
0xc7: {  	(xrf1) =	vsort.ascd.msk.f32 $0xffff, v50, v51  }
0xc8: {  	(xrf1) =	vsort.dscd.msk.f32 $0xffff, v58, v29;
	_ =	sdelay $0xc  }
0xc9: {  	v61 =	vld [tilespmem:s6+$0x7400];
	v50, v51, _ =	vpop (xrf1)  }
0xca: {  	v62, v63, _ =	vpop (xrf1)  }
0xcb: {  	vm1 =	vge.f32 v50, v62  }
0xcc: {  	v50 =	vsel vm1, v50, v62;
	v51 =	vsel vm1, v51, v63  }
0xcd: {  	(xrf1) =	vsort.ascd.msk.f32 $0xffff, v50, v51  }
0xce: {  	(xrf1) =	vsort.dscd.msk.f32 $0xffff, v61, v30;
	_ =	sdelay $0xc  }
0xcf: {  	v57 =	vld [tilespmem:s6+$0x7800];
	v50, v51, _ =	vpop (xrf1)  }
0xd0: {  	v58, v59, _ =	vpop (xrf1)  }
0xd1: {  	vm1 =	vge.f32 v50, v58  }
0xd2: {  	v50 =	vsel vm1, v50, v58;
	v51 =	vsel vm1, v51, v59  }
0xd3: {  	(xrf1) =	vsort.ascd.msk.f32 $0xffff, v50, v51  }
0xd4: {  	(xrf1) =	vsort.dscd.msk.f32 $0xffff, v57, v31;
	_ =	sdelay $0xc  }
0xd5: {  	v60 =	vld [tilespmem:s6+$0x7C00];
	v50, v51, _ =	vpop (xrf1)  }
0xd6: {  	v61, v62, _ =	vpop (xrf1)  }
0xd7: {  	vm1 =	vge.f32 v50, v61  }
0xd8: {  	v50 =	vsel vm1, v50, v61;
	v51 =	vsel vm1, v51, v62  }
0xd9: {  	(xrf1) =	vsort.ascd.msk.f32 $0xffff, v50, v51  }
0xda: {  	(xrf1) =	vsort.dscd.msk.f32 $0xffff, v60, v32;
	_ =	sdelay $0xc  }
0xdb: {  	v63 =	vld [tilespmem:s6+$0x8000];
	v50, v51, _ =	vpop (xrf1)  }
0xdc: {  	v57, v58, _ =	vpop (xrf1)  }
0xdd: {  	vm1 =	vge.f32 v50, v57  }
0xde: {  	v50 =	vsel vm1, v50, v57;
	v51 =	vsel vm1, v51, v58  }
0xdf: {  	(xrf1) =	vsort.ascd.msk.f32 $0xffff, v50, v51  }
0xe0: {  	(xrf1) =	vsort.dscd.msk.f32 $0xffff, v63, v33;
	_ =	sdelay $0xc  }
0xe1: {  	v59 =	vld [tilespmem:s6+$0x8400];
	v50, v51, _ =	vpop (xrf1)  }
0xe2: {  	v60, v61, _ =	vpop (xrf1)  }
0xe3: {  	vm1 =	vge.f32 v50, v60  }
0xe4: {  	v50 =	vsel vm1, v50, v60;
	v51 =	vsel vm1, v51, v61  }
0xe5: {  	(xrf1) =	vsort.ascd.msk.f32 $0xffff, v50, v51  }
0xe6: {  	(xrf1) =	vsort.dscd.msk.f32 $0xffff, v59, v34;
	_ =	sdelay $0xc  }
0xe7: {  	v62 =	vld [tilespmem:s6+$0x8800];
	v50, v51, _ =	vpop (xrf1)  }
0xe8: {  	v63, v57, _ =	vpop (xrf1)  }
0xe9: {  	vm1 =	vge.f32 v50, v63  }
0xea: {  	v50 =	vsel vm1, v50, v63;
	v51 =	vsel vm1, v51, v57  }
0xeb: {  	(xrf1) =	vsort.ascd.msk.f32 $0xffff, v50, v51  }
0xec: {  	(xrf1) =	vsort.dscd.msk.f32 $0xffff, v62, v35;
	_ =	sdelay $0xc  }
0xed: {  	v58 =	vld [tilespmem:s6+$0x8C00];
	v50, v51, _ =	vpop (xrf1)  }
0xee: {  	v59, v60, _ =	vpop (xrf1)  }
0xef: {  	vm1 =	vge.f32 v50, v59  }
0xf0: {  	v50 =	vsel vm1, v50, v59;
	v51 =	vsel vm1, v51, v60  }
0xf1: {  	(xrf1) =	vsort.ascd.msk.f32 $0xffff, v50, v51  }
0xf2: {  	(xrf1) =	vsort.dscd.msk.f32 $0xffff, v58, v36;
	_ =	sdelay $0xc  }
0xf3: {  	v61 =	vld [tilespmem:s6+$0x9000];
	v50, v51, _ =	vpop (xrf1)  }
0xf4: {  	v62, v63, _ =	vpop (xrf1)  }
0xf5: {  	vm1 =	vge.f32 v50, v62  }
0xf6: {  	v50 =	vsel vm1, v50, v62;
	v51 =	vsel vm1, v51, v63  }
0xf7: {  	(xrf1) =	vsort.ascd.msk.f32 $0xffff, v50, v51  }
0xf8: {  	(xrf1) =	vsort.dscd.msk.f32 $0xffff, v61, v37;
	_ =	sdelay $0xc  }
0xf9: {  	v57 =	vld [tilespmem:s6+$0x9400];
	v50, v51, _ =	vpop (xrf1)  }
0xfa: {  	v58, v59, _ =	vpop (xrf1)  }
0xfb: {  	vm1 =	vge.f32 v50, v58  }
0xfc: {  	v50 =	vsel vm1, v50, v58;
	v51 =	vsel vm1, v51, v59  }
0xfd: {  	(xrf1) =	vsort.ascd.msk.f32 $0xffff, v50, v51  }
0xfe: {  	(xrf1) =	vsort.dscd.msk.f32 $0xffff, v57, v38;
	_ =	sdelay $0xc  }
0xff: {  	v60 =	vld [tilespmem:s6+$0x9800];
	v50, v51, _ =	vpop (xrf1)  }
0x100: {  	v61, v62, _ =	vpop (xrf1)  }
0x101: {  	vm1 =	vge.f32 v50, v61  }
0x102: {  	v50 =	vsel vm1, v50, v61;
	v51 =	vsel vm1, v51, v62  }
0x103: {  	(xrf1) =	vsort.ascd.msk.f32 $0xffff, v50, v51  }
0x104: {  	(xrf1) =	vsort.dscd.msk.f32 $0xffff, v60, v39;
	_ =	sdelay $0xc  }
0x105: {  	v63 =	vld [tilespmem:s6+$0x9C00];
	v50, v51, _ =	vpop (xrf1)  }
0x106: {  	v57, v58, _ =	vpop (xrf1)  }
0x107: {  	vm1 =	vge.f32 v50, v57  }
0x108: {  	v50 =	vsel vm1, v50, v57;
	v51 =	vsel vm1, v51, v58  }
0x109: {  	(xrf1) =	vsort.ascd.msk.f32 $0xffff, v50, v51  }
0x10a: {  	(xrf1) =	vsort.dscd.msk.f32 $0xffff, v63, v40;
	_ =	sdelay $0xc  }
0x10b: {  	v59 =	vld [tilespmem:s6+$0xA000];
	v50, v51, _ =	vpop (xrf1)  }
0x10c: {  	v60, v61, _ =	vpop (xrf1)  }
0x10d: {  	vm1 =	vge.f32 v50, v60  }
0x10e: {  	v50 =	vsel vm1, v50, v60;
	v51 =	vsel vm1, v51, v61  }
0x10f: {  	(xrf1) =	vsort.ascd.msk.f32 $0xffff, v50, v51  }
0x110: {  	(xrf1) =	vsort.dscd.msk.f32 $0xffff, v59, v41;
	_ =	sdelay $0xc  }
0x111: {  	v62 =	vld [tilespmem:s6+$0xA400];
	v50, v51, _ =	vpop (xrf1)  }
0x112: {  	v63, v57, _ =	vpop (xrf1)  }
0x113: {  	vm1 =	vge.f32 v50, v63  }
0x114: {  	v50 =	vsel vm1, v50, v63;
	v51 =	vsel vm1, v51, v57  }
0x115: {  	(xrf1) =	vsort.ascd.msk.f32 $0xffff, v50, v51  }
0x116: {  	(xrf1) =	vsort.dscd.msk.f32 $0xffff, v62, v42;
	_ =	sdelay $0xc  }
0x117: {  	v58 =	vld [tilespmem:s6+$0xA800];
	v50, v51, _ =	vpop (xrf1)  }
0x118: {  	v59, v60, _ =	vpop (xrf1)  }
0x119: {  	vm1 =	vge.f32 v50, v59  }
0x11a: {  	v50 =	vsel vm1, v50, v59;
	v51 =	vsel vm1, v51, v60  }
0x11b: {  	(xrf1) =	vsort.ascd.msk.f32 $0xffff, v50, v51  }
0x11c: {  	(xrf1) =	vsort.dscd.msk.f32 $0xffff, v58, v43;
	_ =	sdelay $0xc  }
0x11d: {  	v61 =	vld [tilespmem:s6+$0xAC00];
	v50, v51, _ =	vpop (xrf1)  }
0x11e: {  	v62, v63, _ =	vpop (xrf1)  }
0x11f: {  	vm1 =	vge.f32 v50, v62  }
0x120: {  	v50 =	vsel vm1, v50, v62;
	v51 =	vsel vm1, v51, v63  }
0x121: {  	(xrf1) =	vsort.ascd.msk.f32 $0xffff, v50, v51  }
0x122: {  	(xrf1) =	vsort.dscd.msk.f32 $0xffff, v61, v44;
	_ =	sdelay $0xc  }
0x123: {  	v57 =	vld [tilespmem:s6+$0xB000];
	v50, v51, _ =	vpop (xrf1)  }
0x124: {  	v58, v59, _ =	vpop (xrf1)  }
0x125: {  	vm1 =	vge.f32 v50, v58  }
0x126: {  	v50 =	vsel vm1, v50, v58;
	v51 =	vsel vm1, v51, v59  }
0x127: {  	(xrf1) =	vsort.ascd.msk.f32 $0xffff, v50, v51  }
0x128: {  	(xrf1) =	vsort.dscd.msk.f32 $0xffff, v57, v45;
	_ =	sdelay $0xc  }
0x129: {  	v60 =	vld [tilespmem:s6+$0xB400];
	v50, v51, _ =	vpop (xrf1)  }
0x12a: {  	v61, v62, _ =	vpop (xrf1)  }
0x12b: {  	vm1 =	vge.f32 v50, v61  }
0x12c: {  	v50 =	vsel vm1, v50, v61;
	v51 =	vsel vm1, v51, v62  }
0x12d: {  	(xrf1) =	vsort.ascd.msk.f32 $0xffff, v50, v51  }
0x12e: {  	(xrf1) =	vsort.dscd.msk.f32 $0xffff, v60, v46;
	_ =	sdelay $0xc  }
0x12f: {  	v63 =	vld [tilespmem:s6+$0xB800];
	v50, v51, _ =	vpop (xrf1)  }
0x130: {  	v57, v58, _ =	vpop (xrf1)  }
0x131: {  	vm1 =	vge.f32 v50, v57  }
0x132: {  	v50 =	vsel vm1, v50, v57;
	v51 =	vsel vm1, v51, v58  }
0x133: {  	(xrf1) =	vsort.ascd.msk.f32 $0xffff, v50, v51  }
0x134: {  	(xrf1) =	vsort.dscd.msk.f32 $0xffff, v63, v47;
	_ =	sdelay $0xc  }
0x135: {  	v59 =	vld [tilespmem:s6+$0xBC00];
	v50, v51, _ =	vpop (xrf1)  }
0x136: {  	v60, v61, _ =	vpop (xrf1)  }
0x137: {  	vm1 =	vge.f32 v50, v60  }
0x138: {  	v50 =	vsel vm1, v50, v60;
	v51 =	vsel vm1, v51, v61  }
0x139: {  	(xrf1) =	vsort.ascd.msk.f32 $0xffff, v50, v51  }
0x13a: {  	(xrf1) =	vsort.dscd.msk.f32 $0xffff, v59, v48;
	_ =	sdelay $0xc  }
0x13b: {  	v62 =	vld [tilespmem:s6+$0xC000];
	v50, v51, _ =	vpop (xrf1)  }
0x13c: {  	v63, v57, _ =	vpop (xrf1)  }
0x13d: {  	vm1 =	vge.f32 v50, v63  }
0x13e: {  	v50 =	vsel vm1, v50, v63;
	v51 =	vsel vm1, v51, v57  }
0x13f: {  	(xrf1) =	vsort.ascd.msk.f32 $0xffff, v50, v51  }
0x140: {  	(xrf1) =	vsort.dscd.msk.f32 $0xffff, v62, v49;
	_ =	sdelay $0xc  }
0x141: {  	v50, v51, _ =	vpop (xrf1)  }
0x142: {  	v52, v58, _ =	vpop (xrf1)  }
0x143: {  	vm1 =	vge.f32 v50, v52  }
0x144: {  	v50 =	vsel vm1, v50, v52;
	v51 =	vsel vm1, v51, v58  }
0x145: {  	(xrf1) =	vsort.ascd.msk.f32 $0xffff, v50, v51;
	_ =	sdelay $0x9  }
0x146: {  	v0 =	vld [tilespmem:$0x1FFF0];
	_ =	sdelay $0x3  }
0x147: {  	_, v50, _ =	vpop (xrf1)  }
0x148: {  	v59 =	vadd.s32 v0, v50;
	_ =	sdelay $0x4  }
0x149: {  	[tilespmem:s13], [sflag:$0x1] =	stream.indirect_vreg.gather [hbm4b:s4+s26], $0x80, v59, vm0, $0xb8;
	[tilespmem:$0x11000] =	vst v63  }
0x14a: {  	_ =	swait.ge [sflag:s14], $0x800  }
0x14b: {  	(v2sf) =	vpush v50, $0x0;
	_ =	sdelay $0xa  }
0x14c: {  	[sflag:s14] =	ssyncset.done $0x0  }
0x14d: {  	s30 =	simm.s32 $0x0;
	[sflag:s14] =	ssyncadd.s32 $0xFFFFF800  }
0x14e: {  	v60 =	vld [tilespmem:s30+$0xC400];
	_ =	sdelay $0x1  }
0x14f: {  	s31 =	spop (v2sf)  }
0x150: {  	s26 =	sshll.u32 s31, $0x7  }
0x151: {  	v61 =	vor.u32 s26, v1  }
0x152: {  	(xrf1) =	vsort.dscd.msk.f32 $0xffff, v60, v61;
	_ =	sdelay $0x9  }
0x153: {  	s28 =	simm.s32 $0x10  }
0x154: {  	v62 =	vld [tilespmem:s28+$0xC400];
	_ =	sdelay $0x2  }
0x155: {  	v63 =	vimm.f32 $-Inf;
	s26 =	sadd.s32 $0x10, s26;
	v61, v60, _ =	vpop (xrf1)  }
0x156: {  	v55 =	vimm.s32 $0x0;
	v56 =	vor.u32 s26, v1;
	vm1 =	vge.f32 v63, v61  }
0x157: {  	(xrf1) =	vsort.dscd.msk.f32 $0xffff, v62, v56;
	v62 =	vsel vm1, v63, v61;
	v63 =	vsel vm1, v55, v60  }
0x158: {  	(xrf1) =	vsort.ascd.msk.f32 $0xffff, v62, v63;
	_ =	sdelay $0x9  }
0x159: {  	s28 =	simm.s32 $0x20  }
0x15a: {  	v51 =	vld [tilespmem:s28+$0xC400];
	s28 =	simm.s32 $0xC0  }
.LBB2_3:
0x15b: {  	p0 =	sne.s32 s28, $0x1C0  }
0x15c: {  	v52, v53, _ =	vpop (xrf1)  }
0x15d: {  	s26 =	sadd.s32 $0x10, s26;
	v54, v55, _ =	vpop (xrf1)  }
0x15e: {  	v56 =	vor.u32 s26, v1;
	vm1 =	vge.f32 v54, v52  }
0x15f: {  	(xrf1) =	vsort.dscd.msk.f32 $0xffff, v51, v56;
	v51 =	vsel vm1, v54, v52;
	v52 =	vsel vm1, v55, v53  }
0x160: {  	(xrf1) =	vsort.ascd.msk.f32 $0xffff, v51, v52;
	_ =	sdelay $0x6  }
.Ltmp1:
0x161: {  	(pc) =	sbr.rel @p0 .LBB2_3-.Ltmp1, $3  }
0x162: {  	_ =	sdelay $0x1  }
0x163: {  	s29 =	sshra.s32 s28, $0x2  }
0x164: {  	s28 =	sadd.s32 $0x40, s28;
	v51 =	vld [tilespmem:s29+$0xC400]  }
0x165: {  	_ = 	snop  }
0x166: {  	v52, v53, _ =	vpop (xrf1)  }
0x167: {  	s26 =	sadd.s32 $0x10, s26;
	v54, v55, _ =	vpop (xrf1)  }
0x168: {  	v56 =	vor.u32 s26, v1;
	vm1 =	vge.f32 v54, v52  }
0x169: {  	(xrf1) =	vsort.dscd.msk.f32 $0xffff, v51, v56;
	v56 =	vsel vm1, v54, v52;
	v57 =	vsel vm1, v55, v53  }
0x16a: {  	(v2sf) =	vpush v50, $0x1;
	(xrf1) =	vsort.ascd.msk.f32 $0xffff, v56, v57;
	_ =	sdelay $0xb  }
0x16b: {  	s30 =	simm.s32 $0x0  }
0x16c: {  	v58 =	vld [tilespmem:s30+$0xC480];
	v51, v52, _ =	vpop (xrf1)  }
0x16d: {  	v59, v60, _ =	vpop (xrf1)  }
0x16e: {  	s31 =	spop (v2sf);
	vm1 =	vge.f32 v59, v51  }
0x16f: {  	s26 =	sshll.u32 s31, $0x7;
	v51 =	vsel vm1, v59, v51;
	v52 =	vsel vm1, v60, v52  }
0x170: {  	v61 =	vor.u32 s26, v1;
	(xrf1) =	vsort.ascd.msk.f32 $0xffff, v51, v52  }
0x171: {  	(xrf1) =	vsort.dscd.msk.f32 $0xffff, v58, v61;
	_ =	sdelay $0x9  }
0x172: {  	s28 =	simm.s32 $0x10  }
0x173: {  	v62 =	vld [tilespmem:s28+$0xC480];
	_ =	sdelay $0x1  }
0x174: {  	v52, v53, _ =	vpop (xrf1)  }
0x175: {  	s26 =	sadd.s32 $0x10, s26;
	v63, v60, _ =	vpop (xrf1)  }
0x176: {  	v61 =	vor.u32 s26, v1;
	vm1 =	vge.f32 v52, v63  }
0x177: {  	(xrf1) =	vsort.dscd.msk.f32 $0xffff, v62, v61;
	v62 =	vsel vm1, v52, v63;
	v63 =	vsel vm1, v53, v60  }
0x178: {  	(xrf1) =	vsort.ascd.msk.f32 $0xffff, v62, v63;
	_ =	sdelay $0x9  }
0x179: {  	s28 =	simm.s32 $0x20  }
0x17a: {  	v51 =	vld [tilespmem:s28+$0xC480];
	s28 =	simm.s32 $0xC0  }
.LBB2_5:
0x17b: {  	p0 =	sne.s32 s28, $0x1C0  }
0x17c: {  	v52, v53, _ =	vpop (xrf1)  }
0x17d: {  	s26 =	sadd.s32 $0x10, s26;
	v54, v55, _ =	vpop (xrf1)  }
0x17e: {  	v56 =	vor.u32 s26, v1;
	vm1 =	vge.f32 v54, v52  }
0x17f: {  	(xrf1) =	vsort.dscd.msk.f32 $0xffff, v51, v56;
	v51 =	vsel vm1, v54, v52;
	v52 =	vsel vm1, v55, v53  }
0x180: {  	(xrf1) =	vsort.ascd.msk.f32 $0xffff, v51, v52;
	_ =	sdelay $0x6  }
.Ltmp2:
0x181: {  	(pc) =	sbr.rel @p0 .LBB2_5-.Ltmp2, $3  }
0x182: {  	_ =	sdelay $0x1  }
0x183: {  	s29 =	sshra.s32 s28, $0x2  }
0x184: {  	s28 =	sadd.s32 $0x40, s28;
	v51 =	vld [tilespmem:s29+$0xC480]  }
0x185: {  	_ = 	snop  }
0x186: {  	v52, v53, _ =	vpop (xrf1)  }
0x187: {  	s26 =	sadd.s32 $0x10, s26;
	v54, v55, _ =	vpop (xrf1)  }
0x188: {  	v56 =	vor.u32 s26, v1;
	vm1 =	vge.f32 v54, v52  }
0x189: {  	(xrf1) =	vsort.dscd.msk.f32 $0xffff, v51, v56;
	v56 =	vsel vm1, v54, v52;
	v57 =	vsel vm1, v55, v53  }
0x18a: {  	(v2sf) =	vpush v50, $0x2;
	(xrf1) =	vsort.ascd.msk.f32 $0xffff, v56, v57;
	_ =	sdelay $0xb  }
0x18b: {  	s30 =	simm.s32 $0x0  }
0x18c: {  	v58 =	vld [tilespmem:s30+$0xC500];
	v51, v52, _ =	vpop (xrf1)  }
0x18d: {  	v59, v60, _ =	vpop (xrf1)  }
0x18e: {  	s31 =	spop (v2sf);
	vm1 =	vge.f32 v59, v51  }
0x18f: {  	s26 =	sshll.u32 s31, $0x7;
	v51 =	vsel vm1, v59, v51;
	v52 =	vsel vm1, v60, v52  }
0x190: {  	v61 =	vor.u32 s26, v1;
	(xrf1) =	vsort.ascd.msk.f32 $0xffff, v51, v52  }
0x191: {  	(xrf1) =	vsort.dscd.msk.f32 $0xffff, v58, v61;
	_ =	sdelay $0x9  }
0x192: {  	s28 =	simm.s32 $0x10  }
0x193: {  	v62 =	vld [tilespmem:s28+$0xC500];
	_ =	sdelay $0x1  }
0x194: {  	v52, v53, _ =	vpop (xrf1)  }
0x195: {  	s26 =	sadd.s32 $0x10, s26;
	v63, v60, _ =	vpop (xrf1)  }
0x196: {  	v61 =	vor.u32 s26, v1;
	vm1 =	vge.f32 v52, v63  }
0x197: {  	(xrf1) =	vsort.dscd.msk.f32 $0xffff, v62, v61;
	v62 =	vsel vm1, v52, v63;
	v63 =	vsel vm1, v53, v60  }
0x198: {  	(xrf1) =	vsort.ascd.msk.f32 $0xffff, v62, v63;
	_ =	sdelay $0x9  }
0x199: {  	s28 =	simm.s32 $0x20  }
0x19a: {  	v51 =	vld [tilespmem:s28+$0xC500];
	s28 =	simm.s32 $0xC0  }
.LBB2_7:
0x19b: {  	p0 =	sne.s32 s28, $0x1C0  }
0x19c: {  	v52, v53, _ =	vpop (xrf1)  }
0x19d: {  	s26 =	sadd.s32 $0x10, s26;
	v54, v55, _ =	vpop (xrf1)  }
0x19e: {  	v56 =	vor.u32 s26, v1;
	vm1 =	vge.f32 v54, v52  }
0x19f: {  	(xrf1) =	vsort.dscd.msk.f32 $0xffff, v51, v56;
	v51 =	vsel vm1, v54, v52;
	v52 =	vsel vm1, v55, v53  }
0x1a0: {  	(xrf1) =	vsort.ascd.msk.f32 $0xffff, v51, v52;
	_ =	sdelay $0x6  }
.Ltmp3:
0x1a1: {  	(pc) =	sbr.rel @p0 .LBB2_7-.Ltmp3, $3  }
0x1a2: {  	_ =	sdelay $0x1  }
0x1a3: {  	s29 =	sshra.s32 s28, $0x2  }
0x1a4: {  	s28 =	sadd.s32 $0x40, s28;
	v51 =	vld [tilespmem:s29+$0xC500]  }
0x1a5: {  	_ = 	snop  }
0x1a6: {  	v52, v53, _ =	vpop (xrf1)  }
0x1a7: {  	s26 =	sadd.s32 $0x10, s26;
	v54, v55, _ =	vpop (xrf1)  }
0x1a8: {  	v56 =	vor.u32 s26, v1;
	vm1 =	vge.f32 v54, v52  }
0x1a9: {  	(xrf1) =	vsort.dscd.msk.f32 $0xffff, v51, v56;
	v56 =	vsel vm1, v54, v52;
	v57 =	vsel vm1, v55, v53  }
0x1aa: {  	(v2sf) =	vpush v50, $0x3;
	(xrf1) =	vsort.ascd.msk.f32 $0xffff, v56, v57;
	_ =	sdelay $0xb  }
0x1ab: {  	s30 =	simm.s32 $0x0  }
0x1ac: {  	v58 =	vld [tilespmem:s30+$0xC580];
	v51, v52, _ =	vpop (xrf1)  }
0x1ad: {  	v59, v60, _ =	vpop (xrf1)  }
0x1ae: {  	s31 =	spop (v2sf);
	vm1 =	vge.f32 v59, v51  }
0x1af: {  	s26 =	sshll.u32 s31, $0x7;
	v51 =	vsel vm1, v59, v51;
	v52 =	vsel vm1, v60, v52  }
0x1b0: {  	v61 =	vor.u32 s26, v1;
	(xrf1) =	vsort.ascd.msk.f32 $0xffff, v51, v52  }
0x1b1: {  	(xrf1) =	vsort.dscd.msk.f32 $0xffff, v58, v61;
	_ =	sdelay $0x9  }
0x1b2: {  	s28 =	simm.s32 $0x10  }
0x1b3: {  	v62 =	vld [tilespmem:s28+$0xC580];
	_ =	sdelay $0x1  }
0x1b4: {  	v52, v53, _ =	vpop (xrf1)  }
0x1b5: {  	s26 =	sadd.s32 $0x10, s26;
	v63, v60, _ =	vpop (xrf1)  }
0x1b6: {  	v61 =	vor.u32 s26, v1;
	vm1 =	vge.f32 v52, v63  }
0x1b7: {  	(xrf1) =	vsort.dscd.msk.f32 $0xffff, v62, v61;
	v62 =	vsel vm1, v52, v63;
	v63 =	vsel vm1, v53, v60  }
0x1b8: {  	(xrf1) =	vsort.ascd.msk.f32 $0xffff, v62, v63;
	_ =	sdelay $0x9  }
0x1b9: {  	s28 =	simm.s32 $0x20  }
0x1ba: {  	v51 =	vld [tilespmem:s28+$0xC580];
	s28 =	simm.s32 $0xC0  }
.LBB2_9:
0x1bb: {  	p0 =	sne.s32 s28, $0x1C0  }
0x1bc: {  	v52, v53, _ =	vpop (xrf1)  }
0x1bd: {  	s26 =	sadd.s32 $0x10, s26;
	v54, v55, _ =	vpop (xrf1)  }
0x1be: {  	v56 =	vor.u32 s26, v1;
	vm1 =	vge.f32 v54, v52  }
0x1bf: {  	(xrf1) =	vsort.dscd.msk.f32 $0xffff, v51, v56;
	v51 =	vsel vm1, v54, v52;
	v52 =	vsel vm1, v55, v53  }
0x1c0: {  	(xrf1) =	vsort.ascd.msk.f32 $0xffff, v51, v52;
	_ =	sdelay $0x6  }
.Ltmp4:
0x1c1: {  	(pc) =	sbr.rel @p0 .LBB2_9-.Ltmp4, $3  }
0x1c2: {  	_ =	sdelay $0x1  }
0x1c3: {  	s29 =	sshra.s32 s28, $0x2  }
0x1c4: {  	s28 =	sadd.s32 $0x40, s28;
	v51 =	vld [tilespmem:s29+$0xC580]  }
0x1c5: {  	_ = 	snop  }
0x1c6: {  	v52, v53, _ =	vpop (xrf1)  }
0x1c7: {  	s26 =	sadd.s32 $0x10, s26;
	v54, v55, _ =	vpop (xrf1)  }
0x1c8: {  	v56 =	vor.u32 s26, v1;
	vm1 =	vge.f32 v54, v52  }
0x1c9: {  	(xrf1) =	vsort.dscd.msk.f32 $0xffff, v51, v56;
	v56 =	vsel vm1, v54, v52;
	v57 =	vsel vm1, v55, v53  }
0x1ca: {  	(v2sf) =	vpush v50, $0x4;
	(xrf1) =	vsort.ascd.msk.f32 $0xffff, v56, v57;
	_ =	sdelay $0xb  }
0x1cb: {  	s30 =	simm.s32 $0x0  }
0x1cc: {  	v58 =	vld [tilespmem:s30+$0xC600];
	v51, v52, _ =	vpop (xrf1)  }
0x1cd: {  	v59, v60, _ =	vpop (xrf1)  }
0x1ce: {  	s31 =	spop (v2sf);
	vm1 =	vge.f32 v59, v51  }
0x1cf: {  	s26 =	sshll.u32 s31, $0x7;
	v51 =	vsel vm1, v59, v51;
	v52 =	vsel vm1, v60, v52  }
0x1d0: {  	v61 =	vor.u32 s26, v1;
	(xrf1) =	vsort.ascd.msk.f32 $0xffff, v51, v52  }
0x1d1: {  	(xrf1) =	vsort.dscd.msk.f32 $0xffff, v58, v61;
	_ =	sdelay $0x9  }
0x1d2: {  	s28 =	simm.s32 $0x10  }
0x1d3: {  	v62 =	vld [tilespmem:s28+$0xC600];
	_ =	sdelay $0x1  }
0x1d4: {  	v52, v53, _ =	vpop (xrf1)  }
0x1d5: {  	s26 =	sadd.s32 $0x10, s26;
	v63, v60, _ =	vpop (xrf1)  }
0x1d6: {  	v61 =	vor.u32 s26, v1;
	vm1 =	vge.f32 v52, v63  }
0x1d7: {  	(xrf1) =	vsort.dscd.msk.f32 $0xffff, v62, v61;
	v62 =	vsel vm1, v52, v63;
	v63 =	vsel vm1, v53, v60  }
0x1d8: {  	(xrf1) =	vsort.ascd.msk.f32 $0xffff, v62, v63;
	_ =	sdelay $0x9  }
0x1d9: {  	s28 =	simm.s32 $0x20  }
0x1da: {  	v51 =	vld [tilespmem:s28+$0xC600];
	s28 =	simm.s32 $0xC0  }
.LBB2_11:
0x1db: {  	p0 =	sne.s32 s28, $0x1C0  }
0x1dc: {  	v52, v53, _ =	vpop (xrf1)  }
0x1dd: {  	s26 =	sadd.s32 $0x10, s26;
	v54, v55, _ =	vpop (xrf1)  }
0x1de: {  	v56 =	vor.u32 s26, v1;
	vm1 =	vge.f32 v54, v52  }
0x1df: {  	(xrf1) =	vsort.dscd.msk.f32 $0xffff, v51, v56;
	v51 =	vsel vm1, v54, v52;
	v52 =	vsel vm1, v55, v53  }
0x1e0: {  	(xrf1) =	vsort.ascd.msk.f32 $0xffff, v51, v52;
	_ =	sdelay $0x6  }
.Ltmp5:
0x1e1: {  	(pc) =	sbr.rel @p0 .LBB2_11-.Ltmp5, $3  }
0x1e2: {  	_ =	sdelay $0x1  }
0x1e3: {  	s29 =	sshra.s32 s28, $0x2  }
0x1e4: {  	s28 =	sadd.s32 $0x40, s28;
	v51 =	vld [tilespmem:s29+$0xC600]  }
0x1e5: {  	_ = 	snop  }
0x1e6: {  	v52, v53, _ =	vpop (xrf1)  }
0x1e7: {  	s26 =	sadd.s32 $0x10, s26;
	v54, v55, _ =	vpop (xrf1)  }
0x1e8: {  	v56 =	vor.u32 s26, v1;
	vm1 =	vge.f32 v54, v52  }
0x1e9: {  	(xrf1) =	vsort.dscd.msk.f32 $0xffff, v51, v56;
	v56 =	vsel vm1, v54, v52;
	v57 =	vsel vm1, v55, v53  }
0x1ea: {  	(v2sf) =	vpush v50, $0x5;
	(xrf1) =	vsort.ascd.msk.f32 $0xffff, v56, v57;
	_ =	sdelay $0xb  }
0x1eb: {  	s30 =	simm.s32 $0x0  }
0x1ec: {  	v58 =	vld [tilespmem:s30+$0xC680];
	v51, v52, _ =	vpop (xrf1)  }
0x1ed: {  	v59, v60, _ =	vpop (xrf1)  }
0x1ee: {  	s31 =	spop (v2sf);
	vm1 =	vge.f32 v59, v51  }
0x1ef: {  	s26 =	sshll.u32 s31, $0x7;
	v51 =	vsel vm1, v59, v51;
	v52 =	vsel vm1, v60, v52  }
0x1f0: {  	v61 =	vor.u32 s26, v1;
	(xrf1) =	vsort.ascd.msk.f32 $0xffff, v51, v52  }
0x1f1: {  	(xrf1) =	vsort.dscd.msk.f32 $0xffff, v58, v61;
	_ =	sdelay $0x9  }
0x1f2: {  	s28 =	simm.s32 $0x10  }
0x1f3: {  	v62 =	vld [tilespmem:s28+$0xC680];
	_ =	sdelay $0x1  }
0x1f4: {  	v52, v53, _ =	vpop (xrf1)  }
0x1f5: {  	s26 =	sadd.s32 $0x10, s26;
	v63, v60, _ =	vpop (xrf1)  }
0x1f6: {  	v61 =	vor.u32 s26, v1;
	vm1 =	vge.f32 v52, v63  }
0x1f7: {  	(xrf1) =	vsort.dscd.msk.f32 $0xffff, v62, v61;
	v62 =	vsel vm1, v52, v63;
	v63 =	vsel vm1, v53, v60  }
0x1f8: {  	(xrf1) =	vsort.ascd.msk.f32 $0xffff, v62, v63;
	_ =	sdelay $0x9  }
0x1f9: {  	s28 =	simm.s32 $0x20  }
0x1fa: {  	v51 =	vld [tilespmem:s28+$0xC680];
	s28 =	simm.s32 $0xC0  }
.LBB2_13:
0x1fb: {  	p0 =	sne.s32 s28, $0x1C0  }
0x1fc: {  	v52, v53, _ =	vpop (xrf1)  }
0x1fd: {  	s26 =	sadd.s32 $0x10, s26;
	v54, v55, _ =	vpop (xrf1)  }
0x1fe: {  	v56 =	vor.u32 s26, v1;
	vm1 =	vge.f32 v54, v52  }
0x1ff: {  	(xrf1) =	vsort.dscd.msk.f32 $0xffff, v51, v56;
	v51 =	vsel vm1, v54, v52;
	v52 =	vsel vm1, v55, v53  }
0x200: {  	(xrf1) =	vsort.ascd.msk.f32 $0xffff, v51, v52;
	_ =	sdelay $0x6  }
.Ltmp6:
0x201: {  	(pc) =	sbr.rel @p0 .LBB2_13-.Ltmp6, $3  }
0x202: {  	_ =	sdelay $0x1  }
0x203: {  	s29 =	sshra.s32 s28, $0x2  }
0x204: {  	s28 =	sadd.s32 $0x40, s28;
	v51 =	vld [tilespmem:s29+$0xC680]  }
0x205: {  	_ = 	snop  }
0x206: {  	v52, v53, _ =	vpop (xrf1)  }
0x207: {  	s26 =	sadd.s32 $0x10, s26;
	v54, v55, _ =	vpop (xrf1)  }
0x208: {  	v56 =	vor.u32 s26, v1;
	vm1 =	vge.f32 v54, v52  }
0x209: {  	(xrf1) =	vsort.dscd.msk.f32 $0xffff, v51, v56;
	v56 =	vsel vm1, v54, v52;
	v57 =	vsel vm1, v55, v53  }
0x20a: {  	(v2sf) =	vpush v50, $0x6;
	(xrf1) =	vsort.ascd.msk.f32 $0xffff, v56, v57;
	_ =	sdelay $0xb  }
0x20b: {  	s30 =	simm.s32 $0x0  }
0x20c: {  	v58 =	vld [tilespmem:s30+$0xC700];
	v51, v52, _ =	vpop (xrf1)  }
0x20d: {  	v59, v60, _ =	vpop (xrf1)  }
0x20e: {  	s31 =	spop (v2sf);
	vm1 =	vge.f32 v59, v51  }
0x20f: {  	s26 =	sshll.u32 s31, $0x7;
	v51 =	vsel vm1, v59, v51;
	v52 =	vsel vm1, v60, v52  }
0x210: {  	v61 =	vor.u32 s26, v1;
	(xrf1) =	vsort.ascd.msk.f32 $0xffff, v51, v52  }
0x211: {  	(xrf1) =	vsort.dscd.msk.f32 $0xffff, v58, v61;
	_ =	sdelay $0x9  }
0x212: {  	s28 =	simm.s32 $0x10  }
0x213: {  	v62 =	vld [tilespmem:s28+$0xC700];
	_ =	sdelay $0x1  }
0x214: {  	v52, v53, _ =	vpop (xrf1)  }
0x215: {  	s26 =	sadd.s32 $0x10, s26;
	v63, v60, _ =	vpop (xrf1)  }
0x216: {  	v61 =	vor.u32 s26, v1;
	vm1 =	vge.f32 v52, v63  }
0x217: {  	(xrf1) =	vsort.dscd.msk.f32 $0xffff, v62, v61;
	v62 =	vsel vm1, v52, v63;
	v63 =	vsel vm1, v53, v60  }
0x218: {  	(xrf1) =	vsort.ascd.msk.f32 $0xffff, v62, v63;
	_ =	sdelay $0x9  }
0x219: {  	s28 =	simm.s32 $0x20  }
0x21a: {  	v51 =	vld [tilespmem:s28+$0xC700];
	s28 =	simm.s32 $0xC0  }
.LBB2_15:
0x21b: {  	p0 =	sne.s32 s28, $0x1C0  }
0x21c: {  	v52, v53, _ =	vpop (xrf1)  }
0x21d: {  	s26 =	sadd.s32 $0x10, s26;
	v54, v55, _ =	vpop (xrf1)  }
0x21e: {  	v56 =	vor.u32 s26, v1;
	vm1 =	vge.f32 v54, v52  }
0x21f: {  	(xrf1) =	vsort.dscd.msk.f32 $0xffff, v51, v56;
	v51 =	vsel vm1, v54, v52;
	v52 =	vsel vm1, v55, v53  }
0x220: {  	(xrf1) =	vsort.ascd.msk.f32 $0xffff, v51, v52;
	_ =	sdelay $0x6  }
.Ltmp7:
0x221: {  	(pc) =	sbr.rel @p0 .LBB2_15-.Ltmp7, $3  }
0x222: {  	_ =	sdelay $0x1  }
0x223: {  	s29 =	sshra.s32 s28, $0x2  }
0x224: {  	s28 =	sadd.s32 $0x40, s28;
	v51 =	vld [tilespmem:s29+$0xC700]  }
0x225: {  	_ = 	snop  }
0x226: {  	v52, v53, _ =	vpop (xrf1)  }
0x227: {  	s26 =	sadd.s32 $0x10, s26;
	v54, v55, _ =	vpop (xrf1)  }
0x228: {  	v56 =	vor.u32 s26, v1;
	vm1 =	vge.f32 v54, v52  }
0x229: {  	(xrf1) =	vsort.dscd.msk.f32 $0xffff, v51, v56;
	v56 =	vsel vm1, v54, v52;
	v57 =	vsel vm1, v55, v53  }
0x22a: {  	(v2sf) =	vpush v50, $0x7;
	(xrf1) =	vsort.ascd.msk.f32 $0xffff, v56, v57;
	_ =	sdelay $0xb  }
0x22b: {  	s30 =	simm.s32 $0x0  }
0x22c: {  	v58 =	vld [tilespmem:s30+$0xC780];
	v51, v52, _ =	vpop (xrf1)  }
0x22d: {  	v59, v60, _ =	vpop (xrf1)  }
0x22e: {  	s31 =	spop (v2sf);
	vm1 =	vge.f32 v59, v51  }
0x22f: {  	s26 =	sshll.u32 s31, $0x7;
	v51 =	vsel vm1, v59, v51;
	v52 =	vsel vm1, v60, v52  }
0x230: {  	v61 =	vor.u32 s26, v1;
	(xrf1) =	vsort.ascd.msk.f32 $0xffff, v51, v52  }
0x231: {  	(xrf1) =	vsort.dscd.msk.f32 $0xffff, v58, v61;
	_ =	sdelay $0x9  }
0x232: {  	s28 =	simm.s32 $0x10  }
0x233: {  	v62 =	vld [tilespmem:s28+$0xC780];
	_ =	sdelay $0x1  }
0x234: {  	v52, v53, _ =	vpop (xrf1)  }
0x235: {  	s26 =	sadd.s32 $0x10, s26;
	v63, v60, _ =	vpop (xrf1)  }
0x236: {  	v61 =	vor.u32 s26, v1;
	vm1 =	vge.f32 v52, v63  }
0x237: {  	(xrf1) =	vsort.dscd.msk.f32 $0xffff, v62, v61;
	v62 =	vsel vm1, v52, v63;
	v63 =	vsel vm1, v53, v60  }
0x238: {  	(xrf1) =	vsort.ascd.msk.f32 $0xffff, v62, v63;
	_ =	sdelay $0x9  }
0x239: {  	s28 =	simm.s32 $0x20  }
0x23a: {  	v51 =	vld [tilespmem:s28+$0xC780];
	s28 =	simm.s32 $0xC0  }
.LBB2_17:
0x23b: {  	p0 =	sne.s32 s28, $0x1C0  }
0x23c: {  	v52, v53, _ =	vpop (xrf1)  }
0x23d: {  	s26 =	sadd.s32 $0x10, s26;
	v54, v55, _ =	vpop (xrf1)  }
0x23e: {  	v56 =	vor.u32 s26, v1;
	vm1 =	vge.f32 v54, v52  }
0x23f: {  	(xrf1) =	vsort.dscd.msk.f32 $0xffff, v51, v56;
	v51 =	vsel vm1, v54, v52;
	v52 =	vsel vm1, v55, v53  }
0x240: {  	(xrf1) =	vsort.ascd.msk.f32 $0xffff, v51, v52;
	_ =	sdelay $0x6  }
.Ltmp8:
0x241: {  	(pc) =	sbr.rel @p0 .LBB2_17-.Ltmp8, $3  }
0x242: {  	_ =	sdelay $0x1  }
0x243: {  	s29 =	sshra.s32 s28, $0x2  }
0x244: {  	s28 =	sadd.s32 $0x40, s28;
	v51 =	vld [tilespmem:s29+$0xC780]  }
0x245: {  	_ = 	snop  }
0x246: {  	v52, v53, _ =	vpop (xrf1)  }
0x247: {  	s26 =	sadd.s32 $0x10, s26;
	v54, v55, _ =	vpop (xrf1)  }
0x248: {  	v56 =	vor.u32 s26, v1;
	vm1 =	vge.f32 v54, v52  }
0x249: {  	(xrf1) =	vsort.dscd.msk.f32 $0xffff, v51, v56;
	v56 =	vsel vm1, v54, v52;
	v57 =	vsel vm1, v55, v53  }
0x24a: {  	(v2sf) =	vpush v50, $0x8;
	(xrf1) =	vsort.ascd.msk.f32 $0xffff, v56, v57;
	_ =	sdelay $0xb  }
0x24b: {  	s30 =	simm.s32 $0x0  }
0x24c: {  	v58 =	vld [tilespmem:s30+$0xC800];
	v51, v52, _ =	vpop (xrf1)  }
0x24d: {  	v59, v60, _ =	vpop (xrf1)  }
0x24e: {  	s31 =	spop (v2sf);
	vm1 =	vge.f32 v59, v51  }
0x24f: {  	s26 =	sshll.u32 s31, $0x7;
	v51 =	vsel vm1, v59, v51;
	v52 =	vsel vm1, v60, v52  }
0x250: {  	v61 =	vor.u32 s26, v1;
	(xrf1) =	vsort.ascd.msk.f32 $0xffff, v51, v52  }
0x251: {  	(xrf1) =	vsort.dscd.msk.f32 $0xffff, v58, v61;
	_ =	sdelay $0x9  }
0x252: {  	s28 =	simm.s32 $0x10  }
0x253: {  	v62 =	vld [tilespmem:s28+$0xC800];
	_ =	sdelay $0x1  }
0x254: {  	v52, v53, _ =	vpop (xrf1)  }
0x255: {  	s26 =	sadd.s32 $0x10, s26;
	v63, v60, _ =	vpop (xrf1)  }
0x256: {  	v61 =	vor.u32 s26, v1;
	vm1 =	vge.f32 v52, v63  }
0x257: {  	(xrf1) =	vsort.dscd.msk.f32 $0xffff, v62, v61;
	v62 =	vsel vm1, v52, v63;
	v63 =	vsel vm1, v53, v60  }
0x258: {  	(xrf1) =	vsort.ascd.msk.f32 $0xffff, v62, v63;
	_ =	sdelay $0x9  }
0x259: {  	s28 =	simm.s32 $0x20  }
0x25a: {  	v51 =	vld [tilespmem:s28+$0xC800];
	s28 =	simm.s32 $0xC0  }
.LBB2_19:
0x25b: {  	p0 =	sne.s32 s28, $0x1C0  }
0x25c: {  	v52, v53, _ =	vpop (xrf1)  }
0x25d: {  	s26 =	sadd.s32 $0x10, s26;
	v54, v55, _ =	vpop (xrf1)  }
0x25e: {  	v56 =	vor.u32 s26, v1;
	vm1 =	vge.f32 v54, v52  }
0x25f: {  	(xrf1) =	vsort.dscd.msk.f32 $0xffff, v51, v56;
	v51 =	vsel vm1, v54, v52;
	v52 =	vsel vm1, v55, v53  }
0x260: {  	(xrf1) =	vsort.ascd.msk.f32 $0xffff, v51, v52;
	_ =	sdelay $0x6  }
.Ltmp9:
0x261: {  	(pc) =	sbr.rel @p0 .LBB2_19-.Ltmp9, $3  }
0x262: {  	_ =	sdelay $0x1  }
0x263: {  	s29 =	sshra.s32 s28, $0x2  }
0x264: {  	s28 =	sadd.s32 $0x40, s28;
	v51 =	vld [tilespmem:s29+$0xC800]  }
0x265: {  	_ = 	snop  }
0x266: {  	v52, v53, _ =	vpop (xrf1)  }
0x267: {  	s26 =	sadd.s32 $0x10, s26;
	v54, v55, _ =	vpop (xrf1)  }
0x268: {  	v56 =	vor.u32 s26, v1;
	vm1 =	vge.f32 v54, v52  }
0x269: {  	(xrf1) =	vsort.dscd.msk.f32 $0xffff, v51, v56;
	v56 =	vsel vm1, v54, v52;
	v57 =	vsel vm1, v55, v53  }
0x26a: {  	(v2sf) =	vpush v50, $0x9;
	(xrf1) =	vsort.ascd.msk.f32 $0xffff, v56, v57;
	_ =	sdelay $0xb  }
0x26b: {  	s30 =	simm.s32 $0x0  }
0x26c: {  	v58 =	vld [tilespmem:s30+$0xC880];
	v51, v52, _ =	vpop (xrf1)  }
0x26d: {  	v59, v60, _ =	vpop (xrf1)  }
0x26e: {  	s31 =	spop (v2sf);
	vm1 =	vge.f32 v59, v51  }
0x26f: {  	s26 =	sshll.u32 s31, $0x7;
	v51 =	vsel vm1, v59, v51;
	v52 =	vsel vm1, v60, v52  }
0x270: {  	v61 =	vor.u32 s26, v1;
	(xrf1) =	vsort.ascd.msk.f32 $0xffff, v51, v52  }
0x271: {  	(xrf1) =	vsort.dscd.msk.f32 $0xffff, v58, v61;
	_ =	sdelay $0x9  }
0x272: {  	s28 =	simm.s32 $0x10  }
0x273: {  	v62 =	vld [tilespmem:s28+$0xC880];
	_ =	sdelay $0x1  }
0x274: {  	v52, v53, _ =	vpop (xrf1)  }
0x275: {  	s26 =	sadd.s32 $0x10, s26;
	v63, v60, _ =	vpop (xrf1)  }
0x276: {  	v61 =	vor.u32 s26, v1;
	vm1 =	vge.f32 v52, v63  }
0x277: {  	(xrf1) =	vsort.dscd.msk.f32 $0xffff, v62, v61;
	v62 =	vsel vm1, v52, v63;
	v63 =	vsel vm1, v53, v60  }
0x278: {  	(xrf1) =	vsort.ascd.msk.f32 $0xffff, v62, v63;
	_ =	sdelay $0x9  }
0x279: {  	s28 =	simm.s32 $0x20  }
0x27a: {  	v51 =	vld [tilespmem:s28+$0xC880];
	s28 =	simm.s32 $0xC0  }
.LBB2_21:
0x27b: {  	p0 =	sne.s32 s28, $0x1C0  }
0x27c: {  	v52, v53, _ =	vpop (xrf1)  }
0x27d: {  	s26 =	sadd.s32 $0x10, s26;
	v54, v55, _ =	vpop (xrf1)  }
0x27e: {  	v56 =	vor.u32 s26, v1;
	vm1 =	vge.f32 v54, v52  }
0x27f: {  	(xrf1) =	vsort.dscd.msk.f32 $0xffff, v51, v56;
	v51 =	vsel vm1, v54, v52;
	v52 =	vsel vm1, v55, v53  }
0x280: {  	(xrf1) =	vsort.ascd.msk.f32 $0xffff, v51, v52;
	_ =	sdelay $0x6  }
.Ltmp10:
0x281: {  	(pc) =	sbr.rel @p0 .LBB2_21-.Ltmp10, $3  }
0x282: {  	_ =	sdelay $0x1  }
0x283: {  	s29 =	sshra.s32 s28, $0x2  }
0x284: {  	s28 =	sadd.s32 $0x40, s28;
	v51 =	vld [tilespmem:s29+$0xC880]  }
0x285: {  	_ = 	snop  }
0x286: {  	v52, v53, _ =	vpop (xrf1)  }
0x287: {  	s26 =	sadd.s32 $0x10, s26;
	v54, v55, _ =	vpop (xrf1)  }
0x288: {  	v56 =	vor.u32 s26, v1;
	vm1 =	vge.f32 v54, v52  }
0x289: {  	(xrf1) =	vsort.dscd.msk.f32 $0xffff, v51, v56;
	v56 =	vsel vm1, v54, v52;
	v57 =	vsel vm1, v55, v53  }
0x28a: {  	(v2sf) =	vpush v50, $0xA;
	(xrf1) =	vsort.ascd.msk.f32 $0xffff, v56, v57;
	_ =	sdelay $0xb  }
0x28b: {  	s30 =	simm.s32 $0x0  }
0x28c: {  	v58 =	vld [tilespmem:s30+$0xC900];
	v51, v52, _ =	vpop (xrf1)  }
0x28d: {  	v59, v60, _ =	vpop (xrf1)  }
0x28e: {  	s31 =	spop (v2sf);
	vm1 =	vge.f32 v59, v51  }
0x28f: {  	s26 =	sshll.u32 s31, $0x7;
	v51 =	vsel vm1, v59, v51;
	v52 =	vsel vm1, v60, v52  }
0x290: {  	v61 =	vor.u32 s26, v1;
	(xrf1) =	vsort.ascd.msk.f32 $0xffff, v51, v52  }
0x291: {  	(xrf1) =	vsort.dscd.msk.f32 $0xffff, v58, v61;
	_ =	sdelay $0x9  }
0x292: {  	s28 =	simm.s32 $0x10  }
0x293: {  	v62 =	vld [tilespmem:s28+$0xC900];
	_ =	sdelay $0x1  }
0x294: {  	v52, v53, _ =	vpop (xrf1)  }
0x295: {  	s26 =	sadd.s32 $0x10, s26;
	v63, v60, _ =	vpop (xrf1)  }
0x296: {  	v61 =	vor.u32 s26, v1;
	vm1 =	vge.f32 v52, v63  }
0x297: {  	(xrf1) =	vsort.dscd.msk.f32 $0xffff, v62, v61;
	v62 =	vsel vm1, v52, v63;
	v63 =	vsel vm1, v53, v60  }
0x298: {  	(xrf1) =	vsort.ascd.msk.f32 $0xffff, v62, v63;
	_ =	sdelay $0x9  }
0x299: {  	s28 =	simm.s32 $0x20  }
0x29a: {  	v51 =	vld [tilespmem:s28+$0xC900];
	s28 =	simm.s32 $0xC0  }
.LBB2_23:
0x29b: {  	p0 =	sne.s32 s28, $0x1C0  }
0x29c: {  	v52, v53, _ =	vpop (xrf1)  }
0x29d: {  	s26 =	sadd.s32 $0x10, s26;
	v54, v55, _ =	vpop (xrf1)  }
0x29e: {  	v56 =	vor.u32 s26, v1;
	vm1 =	vge.f32 v54, v52  }
0x29f: {  	(xrf1) =	vsort.dscd.msk.f32 $0xffff, v51, v56;
	v51 =	vsel vm1, v54, v52;
	v52 =	vsel vm1, v55, v53  }
0x2a0: {  	(xrf1) =	vsort.ascd.msk.f32 $0xffff, v51, v52;
	_ =	sdelay $0x6  }
.Ltmp11:
0x2a1: {  	(pc) =	sbr.rel @p0 .LBB2_23-.Ltmp11, $3  }
0x2a2: {  	_ =	sdelay $0x1  }
0x2a3: {  	s29 =	sshra.s32 s28, $0x2  }
0x2a4: {  	s28 =	sadd.s32 $0x40, s28;
	v51 =	vld [tilespmem:s29+$0xC900]  }
0x2a5: {  	_ = 	snop  }
0x2a6: {  	v52, v53, _ =	vpop (xrf1)  }
0x2a7: {  	s26 =	sadd.s32 $0x10, s26;
	v54, v55, _ =	vpop (xrf1)  }
0x2a8: {  	v56 =	vor.u32 s26, v1;
	vm1 =	vge.f32 v54, v52  }
0x2a9: {  	(xrf1) =	vsort.dscd.msk.f32 $0xffff, v51, v56;
	v56 =	vsel vm1, v54, v52;
	v57 =	vsel vm1, v55, v53  }
0x2aa: {  	(v2sf) =	vpush v50, $0xB;
	(xrf1) =	vsort.ascd.msk.f32 $0xffff, v56, v57;
	_ =	sdelay $0xb  }
0x2ab: {  	s30 =	simm.s32 $0x0  }
0x2ac: {  	v58 =	vld [tilespmem:s30+$0xC980];
	v51, v52, _ =	vpop (xrf1)  }
0x2ad: {  	v59, v60, _ =	vpop (xrf1)  }
0x2ae: {  	s31 =	spop (v2sf);
	vm1 =	vge.f32 v59, v51  }
0x2af: {  	s26 =	sshll.u32 s31, $0x7;
	v51 =	vsel vm1, v59, v51;
	v52 =	vsel vm1, v60, v52  }
0x2b0: {  	v61 =	vor.u32 s26, v1;
	(xrf1) =	vsort.ascd.msk.f32 $0xffff, v51, v52  }
0x2b1: {  	(xrf1) =	vsort.dscd.msk.f32 $0xffff, v58, v61;
	_ =	sdelay $0x9  }
0x2b2: {  	s28 =	simm.s32 $0x10  }
0x2b3: {  	v62 =	vld [tilespmem:s28+$0xC980];
	_ =	sdelay $0x1  }
0x2b4: {  	v52, v53, _ =	vpop (xrf1)  }
0x2b5: {  	s26 =	sadd.s32 $0x10, s26;
	v63, v60, _ =	vpop (xrf1)  }
0x2b6: {  	v61 =	vor.u32 s26, v1;
	vm1 =	vge.f32 v52, v63  }
0x2b7: {  	(xrf1) =	vsort.dscd.msk.f32 $0xffff, v62, v61;
	v62 =	vsel vm1, v52, v63;
	v63 =	vsel vm1, v53, v60  }
0x2b8: {  	(xrf1) =	vsort.ascd.msk.f32 $0xffff, v62, v63;
	_ =	sdelay $0x9  }
0x2b9: {  	s28 =	simm.s32 $0x20  }
0x2ba: {  	v51 =	vld [tilespmem:s28+$0xC980];
	s28 =	simm.s32 $0xC0  }
.LBB2_25:
0x2bb: {  	p0 =	sne.s32 s28, $0x1C0  }
0x2bc: {  	v52, v53, _ =	vpop (xrf1)  }
0x2bd: {  	s26 =	sadd.s32 $0x10, s26;
	v54, v55, _ =	vpop (xrf1)  }
0x2be: {  	v56 =	vor.u32 s26, v1;
	vm1 =	vge.f32 v54, v52  }
0x2bf: {  	(xrf1) =	vsort.dscd.msk.f32 $0xffff, v51, v56;
	v51 =	vsel vm1, v54, v52;
	v52 =	vsel vm1, v55, v53  }
0x2c0: {  	(xrf1) =	vsort.ascd.msk.f32 $0xffff, v51, v52;
	_ =	sdelay $0x6  }
.Ltmp12:
0x2c1: {  	(pc) =	sbr.rel @p0 .LBB2_25-.Ltmp12, $3  }
0x2c2: {  	_ =	sdelay $0x1  }
0x2c3: {  	s29 =	sshra.s32 s28, $0x2  }
0x2c4: {  	s28 =	sadd.s32 $0x40, s28;
	v51 =	vld [tilespmem:s29+$0xC980]  }
0x2c5: {  	_ = 	snop  }
0x2c6: {  	v52, v53, _ =	vpop (xrf1)  }
0x2c7: {  	s26 =	sadd.s32 $0x10, s26;
	v54, v55, _ =	vpop (xrf1)  }
0x2c8: {  	v56 =	vor.u32 s26, v1;
	vm1 =	vge.f32 v54, v52  }
0x2c9: {  	(xrf1) =	vsort.dscd.msk.f32 $0xffff, v51, v56;
	v56 =	vsel vm1, v54, v52;
	v57 =	vsel vm1, v55, v53  }
0x2ca: {  	(v2sf) =	vpush v50, $0xC;
	(xrf1) =	vsort.ascd.msk.f32 $0xffff, v56, v57;
	_ =	sdelay $0xb  }
0x2cb: {  	s30 =	simm.s32 $0x0  }
0x2cc: {  	v58 =	vld [tilespmem:s30+$0xCA00];
	v51, v52, _ =	vpop (xrf1)  }
0x2cd: {  	v59, v60, _ =	vpop (xrf1)  }
0x2ce: {  	s31 =	spop (v2sf);
	vm1 =	vge.f32 v59, v51  }
0x2cf: {  	s26 =	sshll.u32 s31, $0x7;
	v51 =	vsel vm1, v59, v51;
	v52 =	vsel vm1, v60, v52  }
0x2d0: {  	v61 =	vor.u32 s26, v1;
	(xrf1) =	vsort.ascd.msk.f32 $0xffff, v51, v52  }
0x2d1: {  	(xrf1) =	vsort.dscd.msk.f32 $0xffff, v58, v61;
	_ =	sdelay $0x9  }
0x2d2: {  	s28 =	simm.s32 $0x10  }
0x2d3: {  	v62 =	vld [tilespmem:s28+$0xCA00];
	_ =	sdelay $0x1  }
0x2d4: {  	v52, v53, _ =	vpop (xrf1)  }
0x2d5: {  	s26 =	sadd.s32 $0x10, s26;
	v63, v60, _ =	vpop (xrf1)  }
0x2d6: {  	v61 =	vor.u32 s26, v1;
	vm1 =	vge.f32 v52, v63  }
0x2d7: {  	(xrf1) =	vsort.dscd.msk.f32 $0xffff, v62, v61;
	v62 =	vsel vm1, v52, v63;
	v63 =	vsel vm1, v53, v60  }
0x2d8: {  	(xrf1) =	vsort.ascd.msk.f32 $0xffff, v62, v63;
	_ =	sdelay $0x9  }
0x2d9: {  	s28 =	simm.s32 $0x20  }
0x2da: {  	v51 =	vld [tilespmem:s28+$0xCA00];
	s28 =	simm.s32 $0xC0  }
.LBB2_27:
0x2db: {  	p0 =	sne.s32 s28, $0x1C0  }
0x2dc: {  	v52, v53, _ =	vpop (xrf1)  }
0x2dd: {  	s26 =	sadd.s32 $0x10, s26;
	v54, v55, _ =	vpop (xrf1)  }
0x2de: {  	v56 =	vor.u32 s26, v1;
	vm1 =	vge.f32 v54, v52  }
0x2df: {  	(xrf1) =	vsort.dscd.msk.f32 $0xffff, v51, v56;
	v51 =	vsel vm1, v54, v52;
	v52 =	vsel vm1, v55, v53  }
0x2e0: {  	(xrf1) =	vsort.ascd.msk.f32 $0xffff, v51, v52;
	_ =	sdelay $0x6  }
.Ltmp13:
0x2e1: {  	(pc) =	sbr.rel @p0 .LBB2_27-.Ltmp13, $3  }
0x2e2: {  	_ =	sdelay $0x1  }
0x2e3: {  	s29 =	sshra.s32 s28, $0x2  }
0x2e4: {  	s28 =	sadd.s32 $0x40, s28;
	v51 =	vld [tilespmem:s29+$0xCA00]  }
0x2e5: {  	_ = 	snop  }
0x2e6: {  	v52, v53, _ =	vpop (xrf1)  }
0x2e7: {  	s26 =	sadd.s32 $0x10, s26;
	v54, v55, _ =	vpop (xrf1)  }
0x2e8: {  	v56 =	vor.u32 s26, v1;
	vm1 =	vge.f32 v54, v52  }
0x2e9: {  	(xrf1) =	vsort.dscd.msk.f32 $0xffff, v51, v56;
	v56 =	vsel vm1, v54, v52;
	v57 =	vsel vm1, v55, v53  }
0x2ea: {  	(v2sf) =	vpush v50, $0xD;
	(xrf1) =	vsort.ascd.msk.f32 $0xffff, v56, v57;
	_ =	sdelay $0xb  }
0x2eb: {  	s30 =	simm.s32 $0x0  }
0x2ec: {  	v58 =	vld [tilespmem:s30+$0xCA80];
	v51, v52, _ =	vpop (xrf1)  }
0x2ed: {  	v59, v60, _ =	vpop (xrf1)  }
0x2ee: {  	s31 =	spop (v2sf);
	vm1 =	vge.f32 v59, v51  }
0x2ef: {  	s26 =	sshll.u32 s31, $0x7;
	v51 =	vsel vm1, v59, v51;
	v52 =	vsel vm1, v60, v52  }
0x2f0: {  	v61 =	vor.u32 s26, v1;
	(xrf1) =	vsort.ascd.msk.f32 $0xffff, v51, v52  }
0x2f1: {  	(xrf1) =	vsort.dscd.msk.f32 $0xffff, v58, v61;
	_ =	sdelay $0x9  }
0x2f2: {  	s28 =	simm.s32 $0x10  }
0x2f3: {  	v62 =	vld [tilespmem:s28+$0xCA80];
	_ =	sdelay $0x1  }
0x2f4: {  	v52, v53, _ =	vpop (xrf1)  }
0x2f5: {  	s26 =	sadd.s32 $0x10, s26;
	v63, v60, _ =	vpop (xrf1)  }
0x2f6: {  	v61 =	vor.u32 s26, v1;
	vm1 =	vge.f32 v52, v63  }
0x2f7: {  	(xrf1) =	vsort.dscd.msk.f32 $0xffff, v62, v61;
	v62 =	vsel vm1, v52, v63;
	v63 =	vsel vm1, v53, v60  }
0x2f8: {  	(xrf1) =	vsort.ascd.msk.f32 $0xffff, v62, v63;
	_ =	sdelay $0x9  }
0x2f9: {  	s28 =	simm.s32 $0x20  }
0x2fa: {  	v51 =	vld [tilespmem:s28+$0xCA80];
	s28 =	simm.s32 $0xC0  }
.LBB2_29:
0x2fb: {  	p0 =	sne.s32 s28, $0x1C0  }
0x2fc: {  	v52, v53, _ =	vpop (xrf1)  }
0x2fd: {  	s26 =	sadd.s32 $0x10, s26;
	v54, v55, _ =	vpop (xrf1)  }
0x2fe: {  	v56 =	vor.u32 s26, v1;
	vm1 =	vge.f32 v54, v52  }
0x2ff: {  	(xrf1) =	vsort.dscd.msk.f32 $0xffff, v51, v56;
	v51 =	vsel vm1, v54, v52;
	v52 =	vsel vm1, v55, v53  }
0x300: {  	(xrf1) =	vsort.ascd.msk.f32 $0xffff, v51, v52;
	_ =	sdelay $0x6  }
.Ltmp14:
0x301: {  	(pc) =	sbr.rel @p0 .LBB2_29-.Ltmp14, $3  }
0x302: {  	_ =	sdelay $0x1  }
0x303: {  	s29 =	sshra.s32 s28, $0x2  }
0x304: {  	s28 =	sadd.s32 $0x40, s28;
	v51 =	vld [tilespmem:s29+$0xCA80]  }
0x305: {  	_ = 	snop  }
0x306: {  	v52, v53, _ =	vpop (xrf1)  }
0x307: {  	s26 =	sadd.s32 $0x10, s26;
	v54, v55, _ =	vpop (xrf1)  }
0x308: {  	v56 =	vor.u32 s26, v1;
	vm1 =	vge.f32 v54, v52  }
0x309: {  	(xrf1) =	vsort.dscd.msk.f32 $0xffff, v51, v56;
	v56 =	vsel vm1, v54, v52;
	v57 =	vsel vm1, v55, v53  }
0x30a: {  	(v2sf) =	vpush v50, $0xE;
	(xrf1) =	vsort.ascd.msk.f32 $0xffff, v56, v57;
	_ =	sdelay $0xb  }
0x30b: {  	s30 =	simm.s32 $0x0  }
0x30c: {  	v58 =	vld [tilespmem:s30+$0xCB00];
	v51, v52, _ =	vpop (xrf1)  }
0x30d: {  	v59, v60, _ =	vpop (xrf1)  }
0x30e: {  	s31 =	spop (v2sf);
	vm1 =	vge.f32 v59, v51  }
0x30f: {  	s26 =	sshll.u32 s31, $0x7;
	v51 =	vsel vm1, v59, v51;
	v52 =	vsel vm1, v60, v52  }
0x310: {  	v61 =	vor.u32 s26, v1;
	(xrf1) =	vsort.ascd.msk.f32 $0xffff, v51, v52  }
0x311: {  	(xrf1) =	vsort.dscd.msk.f32 $0xffff, v58, v61;
	_ =	sdelay $0x9  }
0x312: {  	s28 =	simm.s32 $0x10  }
0x313: {  	v62 =	vld [tilespmem:s28+$0xCB00];
	_ =	sdelay $0x1  }
0x314: {  	v52, v53, _ =	vpop (xrf1)  }
0x315: {  	s26 =	sadd.s32 $0x10, s26;
	v63, v60, _ =	vpop (xrf1)  }
0x316: {  	v61 =	vor.u32 s26, v1;
	vm1 =	vge.f32 v52, v63  }
0x317: {  	(xrf1) =	vsort.dscd.msk.f32 $0xffff, v62, v61;
	v62 =	vsel vm1, v52, v63;
	v63 =	vsel vm1, v53, v60  }
0x318: {  	(xrf1) =	vsort.ascd.msk.f32 $0xffff, v62, v63;
	_ =	sdelay $0x9  }
0x319: {  	s28 =	simm.s32 $0x20  }
0x31a: {  	v51 =	vld [tilespmem:s28+$0xCB00];
	s28 =	simm.s32 $0xC0  }
.LBB2_31:
0x31b: {  	p0 =	sne.s32 s28, $0x1C0  }
0x31c: {  	v52, v53, _ =	vpop (xrf1)  }
0x31d: {  	s26 =	sadd.s32 $0x10, s26;
	v54, v55, _ =	vpop (xrf1)  }
0x31e: {  	v56 =	vor.u32 s26, v1;
	vm1 =	vge.f32 v54, v52  }
0x31f: {  	(xrf1) =	vsort.dscd.msk.f32 $0xffff, v51, v56;
	v51 =	vsel vm1, v54, v52;
	v52 =	vsel vm1, v55, v53  }
0x320: {  	(xrf1) =	vsort.ascd.msk.f32 $0xffff, v51, v52;
	_ =	sdelay $0x6  }
.Ltmp15:
0x321: {  	(pc) =	sbr.rel @p0 .LBB2_31-.Ltmp15, $3  }
0x322: {  	_ =	sdelay $0x1  }
0x323: {  	s29 =	sshra.s32 s28, $0x2  }
0x324: {  	s28 =	sadd.s32 $0x40, s28;
	v51 =	vld [tilespmem:s29+$0xCB00]  }
0x325: {  	_ = 	snop  }
0x326: {  	v52, v53, _ =	vpop (xrf1)  }
0x327: {  	s26 =	sadd.s32 $0x10, s26;
	v54, v55, _ =	vpop (xrf1)  }
0x328: {  	v56 =	vor.u32 s26, v1;
	vm1 =	vge.f32 v54, v52  }
0x329: {  	(xrf1) =	vsort.dscd.msk.f32 $0xffff, v51, v56;
	v57 =	vsel vm1, v54, v52;
	v58 =	vsel vm1, v55, v53  }
0x32a: {  	(v2sf) =	vpush v50, $0xF;
	(xrf1) =	vsort.ascd.msk.f32 $0xffff, v57, v58;
	_ =	sdelay $0xb  }
0x32b: {  	s30 =	simm.s32 $0x0  }
0x32c: {  	v61 =	vld [tilespmem:s30+$0xCB80];
	v60, v59, _ =	vpop (xrf1)  }
0x32d: {  	v63, v62, _ =	vpop (xrf1)  }
0x32e: {  	s31 =	spop (v2sf);
	vm1 =	vge.f32 v63, v60  }
0x32f: {  	s26 =	sshll.u32 s31, $0x7;
	v50 =	vsel vm1, v63, v60;
	v51 =	vsel vm1, v62, v59  }
0x330: {  	v56 =	vor.u32 s26, v1;
	(xrf1) =	vsort.ascd.msk.f32 $0xffff, v50, v51  }
0x331: {  	(xrf1) =	vsort.dscd.msk.f32 $0xffff, v61, v56;
	_ =	sdelay $0x9  }
0x332: {  	s28 =	simm.s32 $0x10  }
0x333: {  	v57 =	vld [tilespmem:s28+$0xCB80];
	_ =	sdelay $0x1  }
0x334: {  	v51, v58, _ =	vpop (xrf1)  }
0x335: {  	s26 =	sadd.s32 $0x10, s26;
	v59, v60, _ =	vpop (xrf1)  }
0x336: {  	v61 =	vor.u32 s26, v1;
	vm1 =	vge.f32 v51, v59  }
0x337: {  	(xrf1) =	vsort.dscd.msk.f32 $0xffff, v57, v61;
	v62 =	vsel vm1, v51, v59;
	v63 =	vsel vm1, v58, v60  }
0x338: {  	(xrf1) =	vsort.ascd.msk.f32 $0xffff, v62, v63;
	_ =	sdelay $0x9  }
0x339: {  	s28 =	simm.s32 $0x20  }
0x33a: {  	v50 =	vld [tilespmem:s28+$0xCB80];
	s28 =	simm.s32 $0xC0  }
.LBB2_33:
0x33b: {  	p0 =	sne.s32 s28, $0x1C0  }
0x33c: {  	v51, v52, _ =	vpop (xrf1)  }
0x33d: {  	s26 =	sadd.s32 $0x10, s26;
	v53, v54, _ =	vpop (xrf1)  }
0x33e: {  	v55 =	vor.u32 s26, v1;
	vm1 =	vge.f32 v53, v51  }
0x33f: {  	(xrf1) =	vsort.dscd.msk.f32 $0xffff, v50, v55;
	v50 =	vsel vm1, v53, v51;
	v51 =	vsel vm1, v54, v52  }
0x340: {  	(xrf1) =	vsort.ascd.msk.f32 $0xffff, v50, v51;
	_ =	sdelay $0x6  }
.Ltmp16:
0x341: {  	(pc) =	sbr.rel @p0 .LBB2_33-.Ltmp16, $3  }
0x342: {  	_ =	sdelay $0x1  }
0x343: {  	s29 =	sshra.s32 s28, $0x2  }
0x344: {  	s28 =	sadd.s32 $0x40, s28;
	v50 =	vld [tilespmem:s29+$0xCB80]  }
0x345: {  	_ = 	snop  }
0x346: {  	v51, v52, _ =	vpop (xrf1)  }
0x347: {  	s26 =	sadd.s32 $0x10, s26;
	v53, v54, _ =	vpop (xrf1)  }
0x348: {  	v55 =	vor.u32 s26, v1;
	vm1 =	vge.f32 v53, v51  }
0x349: {  	(xrf1) =	vsort.dscd.msk.f32 $0xffff, v50, v55;
	v57 =	vsel vm1, v53, v51;
	v58 =	vsel vm1, v54, v52  }
0x34a: {  	(xrf1) =	vsort.ascd.msk.f32 $0xffff, v57, v58;
	_ =	sdelay $0xc  }
0x34b: {  	v50, v51, _ =	vpop (xrf1)  }
0x34c: {  	v60, v59, _ =	vpop (xrf1)  }
0x34d: {  	vm1 =	vge.f32 v60, v50  }
0x34e: {  	v50 =	vsel vm1, v60, v50;
	v51 =	vsel vm1, v59, v51  }
0x34f: {  	(xrf1) =	vsort.ascd.msk.f32 $0xffff, v50, v51;
	_ =	sdelay $0xd  }
0x350: {  	v50, v51, _ =	vpop (xrf1)  }
0x351: {  	v61 =	vbroadcast v50, $0xF;
	_ =	sdelay $0x1  }
0x352: {  	v50 =	vsub.f32 v50, v61;
	_ =	sdelay $0x1  }
0x353: {  	v50 =	vmul.f32 $1.442695020e+00, v50;
	_ =	sdelay $0x1  }
0x354: {  	(erf) = vpow2.f32 v50;
	_ =	sdelay $0x8  }
0x355: {  	v50 =	vpop (erf)  }
0x356: {  	(v2sf) =	vpush v50, $0x6  }
0x357: {  	(v2sf) =	vpush v50, $0x7  }
0x358: {  	v62 =	vshll.u32 v51, $0x3  }
0x359: {  	v51 =	vand.u32 $0x7, v51;
	v52 =	vand.u32 $0xFFFFFFC0, v62;
	(v2sf) =	vpush v50, $0x8  }
0x35a: {  	v63 =	vand.u32 $0x7, v1;
	v56 =	vshrl.u32 v1, $0x3;
	v51 =	vor.u32 v51, v52  }
0x35b: {  	v53 =	vmul.u32 $0x8, v56;
	v52 =	vperm.xlane v51, v63;
	(v2sf) =	vpush v50, $0x9;
	_ =	sdelay $0x1  }
0x35c: {  	v52 =	vadd.s32 v53, v52;
	(v2sf) =	vpush v50, $0xA;
	_ =	sdelay $0x1  }
0x35d: {  	(v2sf) =	vpush v50, $0xB;
	_ =	sdelay $0x1  }
0x35e: {  	s29 =	simm.s32 $0x0;
	(v2sf) =	vpush v50, $0xC  }
0x35f: {  	[tilespmem:s15], [sflag:$0x1] =	stream.indirect_vreg.gather [hbm4b:s2+s29], $0x80, v52, vm0, $0xb8;
	[tilespmem:$0x11000] =	vst v63  }
0x360: {  	(v2sf) =	vpush v50, $0xD  }
0x361: {  	[tilespmem:s16], [sflag:$0x1] =	stream.indirect_vreg.gather [hbm4b:s7+s29], $0x80, v52, vm0, $0xb8;
	[tilespmem:$0x11000] =	vst v63  }
0x362: {  	s26 =	spop (v2sf);
	(v2sf) =	vpush v50, $0xE  }
0x363: {  	s28 =	spop (v2sf)  }
0x364: {  	(v2sf) =	vpush v50, $0xF;
	s26 =	sadd.f32 s28, s26  }
0x365: {  	s28 =	spop (v2sf)  }
0x366: {  	s26 =	sadd.f32 s26, s28  }
0x367: {  	s28 =	spop (v2sf)  }
0x368: {  	s26 =	sadd.f32 s26, s28  }
0x369: {  	s28 =	spop (v2sf)  }
0x36a: {  	s26 =	sadd.f32 s26, s28  }
0x36b: {  	s28 =	spop (v2sf)  }
0x36c: {  	s26 =	sadd.f32 s26, s28  }
0x36d: {  	s28 =	spop (v2sf)  }
0x36e: {  	s26 =	sadd.f32 s26, s28  }
0x36f: {  	s28 =	spop (v2sf)  }
0x370: {  	s26 =	sadd.f32 s26, s28  }
0x371: {  	s28 =	spop (v2sf)  }
0x372: {  	v57 =	vor.u32 $0x8, v1;
	s26 =	sadd.f32 s26, s28  }
0x373: {  	v51 =	vperm.xlane v51, v57;
	s28 =	spop (v2sf)  }
0x374: {  	s26 =	sadd.f32 s26, s28  }
0x375: {  	v51 =	vadd.s32 v53, v51  }
0x376: {  	[tilespmem:s17], [sflag:$0x1] =	stream.indirect_vreg.gather [hbm4b:s8+s29], $0x80, v52, vm0, $0xb8;
	v58 =	vmov s26;
	[tilespmem:$0x11000] =	vst v63  }
0x377: {  	(erf) = vrcp.f32 v58  }
0x378: {  	[tilespmem:s18], [sflag:$0x1] =	stream.indirect_vreg.gather [hbm4b:s9+s29], $0x80, v52, vm0, $0xb8;
	[tilespmem:$0x11000] =	vst v63  }
0x379: {  	_ = 	snop  }
0x37a: {  	[tilespmem:s19], [sflag:$0x1] =	stream.indirect_vreg.gather [hbm4b:s2+s29], $0x80, v51, vm0, $0xb8;
	[tilespmem:$0x11000] =	vst v63  }
0x37b: {  	_ = 	snop  }
0x37c: {  	[tilespmem:s20], [sflag:$0x1] =	stream.indirect_vreg.gather [hbm4b:s7+s29], $0x80, v51, vm0, $0xb8;
	[tilespmem:$0x11000] =	vst v63  }
0x37d: {  	_ = 	snop  }
0x37e: {  	[tilespmem:s21], [sflag:$0x1] =	stream.indirect_vreg.gather [hbm4b:s8+s29], $0x80, v51, vm0, $0xb8;
	[tilespmem:$0x11000] =	vst v63  }
0x37f: {  	_ = 	snop  }
0x380: {  	[tilespmem:s22], [sflag:$0x1] =	stream.indirect_vreg.gather [hbm4b:s9+s29], $0x80, v51, vm0, $0xb8;
	v59 =	vpop (erf);
	[tilespmem:$0x11000] =	vst v63  }
0x381: {  	_ =	swait.ge [sflag:s14], $0x4000  }
0x382: {  	s28 =	sand.u32 $0x1C00, s29;
	s26 =	sand.u32 $0x70, s29;
	[sflag:s14] =	ssyncset.done $0x0  }
0x383: {  	s26 =	sor.u32 s26, s28;
	[sflag:s14] =	ssyncadd.s32 $0xFFFFC000  }
0x384: {  	v60 =	vld [tilespmem:s26+$0xCF00]  }
0x385: {  	v59 =	vmul.f32 v59, v50  }
0x386: {  	v61 =	vld [tilespmem:s26+$0xCF80]  }
0x387: {  	v52 =	vbroadcast v59, $0x6  }
0x388: {  	v62 =	vld [tilespmem:s26+$0xEC00]  }
0x389: {  	v50 =	vbroadcast v59, $0x7;
	v63 =	vmul.f32 v60, v52  }
0x38a: {  	v56 =	vld [tilespmem:s26+$0xEC80]  }
0x38b: {  	v51 =	vbroadcast v59, $0x8;
	v57 =	vmul.f32 v61, v50;
	v55 =	vadd.f32 $0.0e+00, v63  }
0x38c: {  	v58 =	vld [tilespmem:s26+$0xED00]  }
0x38d: {  	v53 =	vbroadcast v59, $0x9;
	v55 =	vadd.f32 v57, v55;
	v57 =	vmul.f32 v62, v51  }
0x38e: {  	v60 =	vld [tilespmem:s26+$0xED80]  }
0x38f: {  	v54 =	vbroadcast v59, $0xA;
	v56 =	vmul.f32 v56, v53;
	v57 =	vadd.f32 v57, v55  }
0x390: {  	v61 =	vld [tilespmem:s26+$0xEE00]  }
0x391: {  	v58 =	vmul.f32 v58, v54;
	v55 =	vbroadcast v59, $0xB;
	v57 =	vadd.f32 v56, v57  }
0x392: {  	v62 =	vld [tilespmem:s26+$0xEE80]  }
0x393: {  	v56 =	vbroadcast v59, $0xC;
	v60 =	vmul.f32 v60, v55;
	v58 =	vadd.f32 v58, v57  }
0x394: {  	v63 =	vld [tilespmem:s26+$0xEF00]  }
0x395: {  	v57 =	vbroadcast v59, $0xD;
	v61 =	vmul.f32 v61, v56;
	v60 =	vadd.f32 v60, v58  }
0x396: {  	v0 =	vld [tilespmem:s26+$0xEF80]  }
0x397: {  	v58 =	vbroadcast v59, $0xE;
	v60 =	vadd.f32 v61, v60;
	v61 =	vmul.f32 v62, v57;
	_ =	sdelay $0x1  }
0x398: {  	v59 =	vbroadcast v59, $0xF;
	v60 =	vadd.f32 v61, v60;
	v61 =	vmul.f32 v63, v58;
	_ =	sdelay $0x1  }
0x399: {  	v0 =	vmul.f32 v0, v59;
	v60 =	vadd.f32 v61, v60  }
0x39a: {  	s29 =	simm.s32 $0x10  }
0x39b: {  	s28 =	simm.s32 $0x80;
	s30 =	sand.u32 $0x70, s29;
	v60 =	vadd.f32 v0, v60  }
0x39c: {  	s29 =	simm.s32 $0x20;
	s31 =	sand.u32 $0x1C00, s28;
	s26 =	simm.s32 $0x10C00  }
.LBB2_35:
0x39d: {  	p0 =	sne.s32 s29, $0x3F0;
	s30 =	sor.u32 s30, s31;
	[tilespmem:s26+$0x0] =	vst v60  }
0x39e: {  	v0 =	vld [tilespmem:s30+$0xCF00];
	_ =	sdelay $0x1  }
0x39f: {  	v60 =	vld [tilespmem:s30+$0xCF80];
	_ =	sdelay $0x1  }
0x3a0: {  	v61 =	vld [tilespmem:s30+$0xEC00]  }
0x3a1: {  	v0 =	vmul.f32 v0, v52  }
0x3a2: {  	v62 =	vld [tilespmem:s30+$0xEC80]  }
0x3a3: {  	v0 =	vadd.f32 $0.0e+00, v0;
	v60 =	vmul.f32 v60, v50  }
0x3a4: {  	v63 =	vld [tilespmem:s30+$0xED00]  }
0x3a5: {  	v0 =	vadd.f32 v60, v0;
	v60 =	vmul.f32 v61, v51  }
0x3a6: {  	v61 =	vld [tilespmem:s30+$0xED80]  }
0x3a7: {  	v0 =	vadd.f32 v60, v0;
	v60 =	vmul.f32 v62, v53  }
0x3a8: {  	v62 =	vld [tilespmem:s30+$0xEE00]  }
0x3a9: {  	v0 =	vadd.f32 v60, v0;
	v60 =	vmul.f32 v63, v54  }
0x3aa: {  	v63 =	vld [tilespmem:s30+$0xEE80]  }
0x3ab: {  	v0 =	vadd.f32 v60, v0;
	v60 =	vmul.f32 v61, v55  }
0x3ac: {  	v61 =	vld [tilespmem:s30+$0xEF00]  }
0x3ad: {  	v0 =	vadd.f32 v60, v0;
	v60 =	vmul.f32 v62, v56  }
0x3ae: {  	v62 =	vld [tilespmem:s30+$0xEF80]  }
0x3af: {  	v0 =	vadd.f32 v60, v0;
	v60 =	vmul.f32 v63, v57;
	_ =	sdelay $0x1  }
0x3b0: {  	v0 =	vadd.f32 v60, v0;
	v60 =	vmul.f32 v61, v58  }
.Ltmp17:
0x3b1: {  	(pc) =	sbr.rel @p0 .LBB2_35-.Ltmp17, $3  }
0x3b2: {  	v0 =	vadd.f32 v60, v0;
	v60 =	vmul.f32 v62, v59;
	_ =	sdelay $0x1  }
0x3b3: {  	s28 =	sadd.s32 $0x80, s28;
	s26 =	sadd.s32 $0x10, s26;
	v60 =	vadd.f32 v60, v0  }
0x3b4: {  	s31 =	sand.u32 $0x1C00, s28;
	s30 =	sand.u32 $0x70, s29;
	s29 =	sadd.s32 $0x10, s29  }
0x3b5: {  	s28 =	sor.u32 s30, s31;
	[tilespmem:s26+$0x0] =	vst v60  }
0x3b6: {  	v0 =	vld [tilespmem:s28+$0xCF00];
	_ =	sdelay $0x1  }
0x3b7: {  	v60 =	vld [tilespmem:s28+$0xCF80];
	_ =	sdelay $0x1  }
0x3b8: {  	v61 =	vld [tilespmem:s28+$0xEC00]  }
0x3b9: {  	v0 =	vmul.f32 v0, v52  }
0x3ba: {  	v52 =	vld [tilespmem:s28+$0xEC80]  }
0x3bb: {  	v50 =	vmul.f32 v60, v50;
	v0 =	vadd.f32 $0.0e+00, v0  }
0x3bc: {  	v60 =	vld [tilespmem:s28+$0xED00]  }
0x3bd: {  	v61 =	vmul.f32 v61, v51;
	v0 =	vadd.f32 v50, v0  }
0x3be: {  	v62 =	vld [tilespmem:s28+$0xED80]  }
0x3bf: {  	v63 =	vmul.f32 v52, v53;
	v0 =	vadd.f32 v61, v0  }
0x3c0: {  	v52 =	vld [tilespmem:s28+$0xEE00]  }
0x3c1: {  	v60 =	vmul.f32 v60, v54;
	v0 =	vadd.f32 v63, v0  }
0x3c2: {  	v61 =	vld [tilespmem:s28+$0xEE80]  }
0x3c3: {  	v62 =	vmul.f32 v62, v55;
	v0 =	vadd.f32 v60, v0  }
0x3c4: {  	v63 =	vld [tilespmem:s28+$0xEF00]  }
0x3c5: {  	v56 =	vmul.f32 v52, v56;
	v0 =	vadd.f32 v62, v0  }
0x3c6: {  	v60 =	vld [tilespmem:s28+$0xEF80]  }
0x3c7: {  	v61 =	vmul.f32 v61, v57;
	v0 =	vadd.f32 v56, v0;
	_ =	sdelay $0x1  }
0x3c8: {  	v62 =	vmul.f32 v63, v58;
	v0 =	vadd.f32 v61, v0;
	_ =	sdelay $0x1  }
0x3c9: {  	v63 =	vmul.f32 v60, v59;
	v0 =	vadd.f32 v62, v0;
	_ =	sdelay $0x1  }
0x3ca: {  	s3 =	sadd.s32 $0x1, s3;
	v0 =	vadd.f32 v63, v0  }
0x3cb: {  	s31 =	sadd.s32 $0x10, s26;
	p0 =	sne.s32 s3, s11  }
.Ltmp18:
0x3cc: {  	[tilespmem:s31+$0x0] =	vst v0;
	(pc) =	sbr.rel @p0 .LBB2_2-.Ltmp18, $4  }
0x3cd: {  	[hbm4b:s10+s23] =	stream.strided.scatter [tilespmem:s25], [sflag:$0x2], $0x400, s24, s23, $0x38;
	[tilespmem:$0x11000] =	vst v63  }
0x3ce: {  	_ =	swait.ge [sflag:s12], $0x400  }
0x3cf: {  	[sflag:s12] =	ssyncset.done $0x0  }
0x3d0: {  	[sflag:s12] =	ssyncadd.s32 $0xFFFFFC00  }
.LBB2_37:
0x3d1: {  	_ =	sfence.sel $0x180000  }
0x3d2: {  	[bflag:$0x0] =	sbarrier.arrive $0xFFFF  }
0x3d3: {  	p0 =	sne.s32 s1, $0x0;
	_ =	strace $0x90000047  }
0x3d4: {  	s0 =	sadd.s32 @!p0 $0x100000, s0;
	[bflag:$0x2] =	sbarrier.arrive $0xFFFF  }
0x3d5: {  	[sflag:s0] =	ssyncadd.tile.s32 @!p0 $0x1;
	_ =	shalt  }
.Lfunc_end2:
_tile_overlayer_lowered:
.L_overlay_start_2:
0x3d6: {  	(tag) =	ssettag $0x2  }
0x3d7: {  	s0 =	rddreg [dreg:$0x0];
	s2 =	stileid.u32  }
0x3d8: {  	s1 =	rddreg [dreg:$0x1];
	p0 =	sne.s32 s2, $0x0  }
0x3d9: {  	s3 =	rddreg [dreg:$0x2];
	[bflag:$0x3] =	sbarrier.arrive $0xFFFF;
	s2 =	simm.s32 @!p0 $0x1C02  }
0x3da: {  	[timem:s3], [sflag:s2] =	dma.local @!p0 [hbm:s0], s1  }
0x3db: {  	s0 =	simm.s32 @!p0 $0x2  }
0x3dc: {  	_ =	swait.ge @!p0 [sflag:s0], s1  }
0x3dd: {  	s1 =	ssub.s32 @!p0 $0x0, s1;
	[sflag:s0] =	ssyncset.done @!p0 $0x0  }
0x3de: {  	[sflag:s0] =	ssyncadd.s32 @!p0 s1  }
0x3df: {  	[bflag:$0x3] =	sbarrier.arrive $0xFFFF  }
0x3e0: {  	_ =	shalt  }

</sc_bundles>
